<compile_context>
chip_gen: v7x
topology: tpu7x:2x2x1
jax: 0.10.2.dev20260603
libtpu: 0.0.44.dev20260713+nightly
codegen_flags: <defaults>
</compile_context>

<pallas_src>
import jax
import jax.numpy as jnp
from jax import lax
from jax.experimental import pallas as pl
from jax.experimental.pallas import tpu as pltpu
from jax.experimental.pallas import tpu_sc as plsc

N = 10000
E = 160000
DIM = 256
NQ = 4
QW = DIM // NQ

NSUB = 16
NCORE = 2
CHUNK = 64
GROUPS = CHUNK // 16
PER_SUB = ((E + N + NSUB * CHUNK - 1) // (NSUB * CHUNK)) * CHUNK
TOTAL = PER_SUB * NSUB
NCHUNK = PER_SUB // CHUNK
NGROUP = PER_SUB // 16
RPT = 8 * ((N + 1 + NSUB * 8 - 1) // (NSUB * 8))
ROWS = RPT * NSUB
ZCOPY = RPT // CHUNK
ZREM = RPT - ZCOPY * CHUNK
MMB = 1000


def _mm_body(x_ref, w_ref, b_ref, *o_refs):
    o = jnp.dot(x_ref[...], w_ref[0], preferred_element_type=jnp.float32)
    o = o + b_ref[0, 0][None, :]
    for q in range(NQ):
        o_refs[q][0] = o[:, q * QW:(q + 1) * QW]


def _transforms(x, ws, bs):
    outs = pl.pallas_call(
        _mm_body,
        grid=(4, N // MMB),
        in_specs=[
            pl.BlockSpec((MMB, DIM), lambda g, i: (i, 0)),
            pl.BlockSpec((1, DIM, DIM), lambda g, i: (g, 0, 0)),
            pl.BlockSpec((1, 1, DIM), lambda g, i: (g, 0, 0)),
        ],
        out_specs=[pl.BlockSpec((1, MMB, QW), lambda g, i: (g, i, 0))
                   for _ in range(NQ)],
        out_shape=[jax.ShapeDtypeStruct((4, N, QW), jnp.float32)
                   for _ in range(NQ)],
    )(x, ws, bs)
    return [o.reshape(NCORE, 2, N, QW) for o in outs]


def _fin_body(acc_ref, wm_ref, bc_ref, bi_ref, o_ref):
    a = acc_ref[...]
    yc = jnp.concatenate([a[0, q] for q in range(NQ)], axis=-1)
    yi = jnp.concatenate([a[1, q] for q in range(NQ)], axis=-1)
    o_ref[...] = (yc + bc_ref[0, 0][None, :]
                  + wm_ref[0] * (yi + bi_ref[0, 0][None, :]))


def _finalize(acc, w_m, bias_c, bias_i):
    return pl.pallas_call(
        _fin_body,
        grid=(N // MMB,),
        in_specs=[
            pl.BlockSpec((NCORE, NQ, MMB, QW), lambda i: (0, 0, i, 0)),
            pl.BlockSpec(memory_space=pltpu.SMEM),
            pl.BlockSpec((1, 1, DIM), lambda i: (0, 0, 0)),
            pl.BlockSpec((1, 1, DIM), lambda i: (0, 0, 0)),
        ],
        out_specs=pl.BlockSpec((MMB, DIM), lambda i: (i, 0)),
        out_shape=jax.ShapeDtypeStruct((N, DIM), jnp.float32),
    )(acc, w_m, bias_c.reshape(1, 1, DIM), bias_i.reshape(1, 1, DIM))


def _sc_body(srcs, dsts, x0, x1, x2, x3, att2, out,
             idx_src, idx_dst, exv, denom_local,
             a00, a01, a02, a03, a10, a11, a12, a13,
             b00, b01, b02, b03, b10, b11, b12, b13,
             iw0, iw1, zbuf, zvec, vbuf, att_v,
             acc, denom, sem0, sem1):
    xq = (x0, x1, x2, x3)
    A = ((a00, a01, a02, a03), (a10, a11, a12, a13))
    B = ((b00, b01, b02, b03), (b10, b11, b12, b13))
    IW = (iw0, iw1)
    SEM = (sem0, sem0)
    NPAIR = NCHUNK // 2
    cid = lax.axis_index("c")
    sid = lax.axis_index("s")
    ebase = sid * PER_SUB
    rows0 = jnp.arange(16, dtype=jnp.int32)
    zeros16 = jnp.zeros((16,), jnp.float32)

    pltpu.sync_copy(srcs.at[pl.ds(cid * TOTAL + ebase, PER_SUB)], idx_src)
    pltpu.sync_copy(dsts.at[pl.ds(cid * TOTAL + ebase, PER_SUB)], idx_dst)
    pltpu.sync_copy(att2.at[pl.ds(cid * DIM, DIM)], att_v)
    attv = [att_v[pl.ds(16 * k, 16)] for k in range(16)]
    rows16 = rows0 * 16

    def _zv(t, _):
        zvec[pl.ds(t * 16, 16)] = zeros16
        return 0
    lax.fori_loop(0, 40, _zv, 0)

    def _zb(r, _):
        for k in range(QW // 16):
            zbuf[r, pl.ds(k * 16, 16)] = zeros16
        return 0
    lax.fori_loop(0, CHUNK, _zb, 0)

    pltpu.sync_copy(zvec.at[pl.ds(0, RPT)], denom.at[pl.ds(sid * RPT, RPT)])
    plsc.subcore_barrier()

    def _edge_partial(s, r):
        vacc = zeros16
        for q in range(NQ):
            for k in range(QW // 16):
                h = A[s][q][r, pl.ds(k * 16, 16)] + B[s][q][r, pl.ds(k * 16, 16)]
                h = jnp.where(h > 0, h, h * jnp.float32(0.2))
                vacc = vacc + h * attv[q * (QW // 16) + k]
        return vacc

    def _fire_a(c, s):
        base = c * CHUNK
        si = idx_src.at[pl.ds(base, CHUNK)]
        di = idx_dst.at[pl.ds(base, CHUNK)]
        ds_ = []
        for q in range(NQ):
            ds_.append(pltpu.async_copy(xq[q].at[cid, 0].at[si], A[s][q], SEM[s]))
            ds_.append(pltpu.async_copy(xq[q].at[cid, 1].at[di], B[s][q], SEM[s]))
        return ds_

    def _compute_a(c, s):
        base = c * CHUNK
        for i in range(GROUPS):
            IW[s][pl.ds(i * 16, 16)] = idx_dst[pl.ds(base + i * 16, 16)]

        def _j(j, _):
            def _e(e, _):
                vbuf[pl.ds(e * 16, 16)] = _edge_partial(s, j * 16 + e)
                return 0
            lax.fori_loop(0, 16, _e, 0)

            def _t(t, alph):
                return alph + plsc.load_gather(vbuf, [rows16 + t])
            alph = lax.fori_loop(0, 16, _t, zeros16)
            exv[pl.ds(base + j * 16, 16)] = jnp.exp(alph)
            return 0
        lax.fori_loop(0, GROUPS, _j, 0)

    def _scatter_a(c, s):
        base = c * CHUNK
        pltpu.sync_copy(exv.at[pl.ds(base, CHUNK)], denom.at[IW[s]], add=True)

    def _chunk_a(c, _):
        for d in _fire_a(c, 0):
            d.wait()
        _compute_a(c, 0)
        _scatter_a(c, 0)
        return 0
    lax.fori_loop(0, NCHUNK, _chunk_a, 0)
    plsc.subcore_barrier()

    pltpu.sync_copy(denom, denom_local)

    def _g(g, _):
        iv = idx_dst[pl.ds(g * 16, 16)]
        dv = plsc.load_gather(denom_local, [iv])
        exv[pl.ds(g * 16, 16)] = exv[pl.ds(g * 16, 16)] / (dv + jnp.float32(1e-16))
        return 0
    lax.fori_loop(0, NGROUP, _g, 0)

    for q in range(NQ):
        rstart = sid * RPT
        for t in range(ZCOPY):
            pltpu.sync_copy(zbuf, acc.at[pl.ds(rstart + t * CHUNK, CHUNK)])
        pltpu.sync_copy(zbuf.at[pl.ds(0, ZREM)],
                        acc.at[pl.ds(rstart + ZCOPY * CHUNK, ZREM)])
        plsc.subcore_barrier()

        def _fire_c(c, s):
            base = c * CHUNK
            si = idx_src.at[pl.ds(base, CHUNK)]
            return pltpu.async_copy(xq[q].at[cid, 0].at[si], A[s][0], SEM[s])

        def _scale_scatter(c, s):
            base = c * CHUNK
            for i in range(GROUPS):
                IW[s][pl.ds(i * 16, 16)] = idx_dst[pl.ds(base + i * 16, 16)]

            def _e(r, _):
                cs = plsc.load_gather(exv, [jnp.full((16,), base + r, jnp.int32)])
                for k in range(QW // 16):
                    A[s][0][r, pl.ds(k * 16, 16)] = A[s][0][r, pl.ds(k * 16, 16)] * cs
                return 0
            lax.fori_loop(0, CHUNK, _e, 0)

        def _chunk_c(c, _):
            _fire_c(c, 0).wait()
            _scale_scatter(c, 0)
            pltpu.sync_copy(A[0][0], acc.at[IW[0]], add=True)
            return 0
        lax.fori_loop(0, NCHUNK, _chunk_c, 0)
        plsc.subcore_barrier()
        pltpu.sync_copy(acc.at[pl.ds(rstart, RPT)],
                        out.at[cid, q, pl.ds(rstart, RPT)])
        plsc.subcore_barrier()


def _sc_edge_kernel(srcs, dsts, xqs, att2):
    mesh = plsc.VectorSubcoreMesh(core_axis_name="c", subcore_axis_name="s")
    kfn = pl.kernel(
        _sc_body,
        out_type=jax.ShapeDtypeStruct((NCORE, NQ, ROWS, QW), jnp.float32),
        mesh=mesh,
        compiler_params=pltpu.CompilerParams(needs_layout_passes=False, use_tc_tiling_on_sc=False),
        scratch_types=[
            pltpu.VMEM((PER_SUB,), jnp.int32),
            pltpu.VMEM((PER_SUB,), jnp.int32),
            pltpu.VMEM((PER_SUB,), jnp.float32),
            pltpu.VMEM((ROWS,), jnp.float32),
        ] + [pltpu.VMEM((CHUNK, QW), jnp.float32) for _ in range(16)]
        + [
            pltpu.VMEM((CHUNK,), jnp.int32),
            pltpu.VMEM((CHUNK,), jnp.int32),
            pltpu.VMEM((CHUNK, QW), jnp.float32),
            pltpu.VMEM((640,), jnp.float32),
            pltpu.VMEM((DIM,), jnp.float32),
            pltpu.VMEM((DIM,), jnp.float32),
            pltpu.VMEM_SHARED((ROWS, QW), jnp.float32),
            pltpu.VMEM_SHARED((ROWS,), jnp.float32),
            pltpu.SemaphoreType.DMA,
            pltpu.SemaphoreType.DMA,
        ],
    )
    return kfn(srcs, dsts, *xqs, att2)


@jax.jit
def kernel(edge_index_c, edge_index_i, drug_embed, w_m,
           Wl_c, bl_c, Wr_c, br_c, att_c, bias_c,
           Wl_i, bl_i, Wr_i, br_i, att_i, bias_i):
    x = drug_embed.astype(jnp.float32)
    ws = jnp.stack([Wl_c, Wr_c, Wl_i, Wr_i])
    bs = jnp.stack([bl_c, br_c, bl_i, br_i]).reshape(4, 1, DIM)
    xqs = _transforms(x, ws, bs)

    loop = jnp.arange(N, dtype=jnp.int32)
    npad = TOTAL - (E + N)
    pad_src = jnp.zeros((npad,), jnp.int32)
    pad_dst = jnp.full((npad,), N, jnp.int32)
    ec = edge_index_c.astype(jnp.int32)
    ei = edge_index_i.astype(jnp.int32)
    srcs = jnp.concatenate([ec[0], loop, pad_src, ei[0], loop, pad_src])
    dsts = jnp.concatenate([ec[1], loop, pad_dst, ei[1], loop, pad_dst])
    att2 = jnp.concatenate([att_c, att_i])

    acc = _sc_edge_kernel(srcs, dsts, xqs, att2)
    return _finalize(acc, w_m.astype(jnp.float32).reshape(1),
                     bias_c, bias_i)

# --- scband reference (transcript-rebuilt; emitter-appended) ---
"""Pipeline reference for scband-drug-encoder-9225589752118 (READ-ONLY COPY).

The authoritative reference and input builder live on the scoring server;
editing this copy changes nothing except your own understanding.
"""

import jax, jax.numpy as jnp
import numpy as np

N = 10000
E = 160000
DIM = 256


def _gatv2(x, edge_index, Wl, bl, Wr, br, att, bias):
    # Faithful PyG GATv2Conv (heads=1, concat=True, negative_slope=0.2,
    # add_self_loops=True, share_weights=False)
    n = x.shape[0]
    loop = jnp.arange(n, dtype=edge_index.dtype)
    src = jnp.concatenate([edge_index[0], loop])
    dst = jnp.concatenate([edge_index[1], loop])
    xl = x @ Wl + bl  # source transform (x_j)
    xr = x @ Wr + br  # target transform (x_i)
    h = xl[src] + xr[dst]
    h = jnp.where(h > 0, h, 0.2 * h)  # leaky_relu(0.2)
    alpha = h @ att  # [E+N]
    amax = jax.ops.segment_max(alpha, dst, num_segments=n)
    amax = jnp.where(jnp.isfinite(amax), amax, 0.0)
    ex = jnp.exp(alpha - amax[dst])
    denom = jax.ops.segment_sum(ex, dst, num_segments=n)
    coef = ex / (denom[dst] + 1e-16)
    out = jax.ops.segment_sum(xl[src] * coef[:, None], dst, num_segments=n)
    return out + bias


def setup_inputs(seed: int = 0) -> dict:
    key = jax.random.key(seed)
    ks = jax.random.split(key, 20)
    s = 0.05
    return {
        "edge_index_c": jax.random.randint(ks[0], (2, E), 0, N),
        "edge_index_i": jax.random.randint(ks[1], (2, E), 0, N),
        "drug_embed": jax.random.normal(ks[2], (N, DIM), dtype=jnp.float32),
        "w_m": jnp.ones((1,), dtype=jnp.float32),
        "Wl_c": jax.random.normal(ks[3], (DIM, DIM), dtype=jnp.float32) * s,
        "bl_c": jnp.zeros((DIM,), dtype=jnp.float32),
        "Wr_c": jax.random.normal(ks[4], (DIM, DIM), dtype=jnp.float32) * s,
        "br_c": jnp.zeros((DIM,), dtype=jnp.float32),
        "att_c": jax.random.normal(ks[5], (DIM,), dtype=jnp.float32) * s,
        "bias_c": jnp.zeros((DIM,), dtype=jnp.float32),
        "Wl_i": jax.random.normal(ks[6], (DIM, DIM), dtype=jnp.float32) * s,
        "bl_i": jnp.zeros((DIM,), dtype=jnp.float32),
        "Wr_i": jax.random.normal(ks[7], (DIM, DIM), dtype=jnp.float32) * s,
        "br_i": jnp.zeros((DIM,), dtype=jnp.float32),
        "att_i": jax.random.normal(ks[8], (DIM,), dtype=jnp.float32) * s,
        "bias_i": jnp.zeros((DIM,), dtype=jnp.float32),
    }


def reference(edge_index_c, edge_index_i, drug_embed, w_m,
              Wl_c, bl_c, Wr_c, br_c, att_c, bias_c,
              Wl_i, bl_i, Wr_i, br_i, att_i, bias_i):
    e_c = _gatv2(drug_embed, edge_index_c, Wl_c, bl_c, Wr_c, br_c, att_c, bias_c)
    e_i = _gatv2(drug_embed, edge_index_i, Wl_i, bl_i, Wr_i, br_i, att_i, bias_i)
    return e_c + w_m * e_i

if __name__ == "__main__":
    import jax
    _d = setup_inputs()
    print(jax.jit(kernel)(*tuple(_d.values())))

</pallas_src>

<mosaic_0001>
#map = affine_map<(d0, d1) -> (0)>
#map1 = affine_map<(d0, d1) -> (0, 0, 0, 0)>
module attributes {stable_mosaic.version = 14 : i64} {
  func.func @_sc_body(%arg0: i32, %arg1: i32, %arg2: memref<342016xi32, #tpu.memory_space<hbm>>, %arg3: memref<342016xi32, #tpu.memory_space<hbm>>, %arg4: memref<2x2x10000x64xf32, #tpu.memory_space<hbm>>, %arg5: memref<2x2x10000x64xf32, #tpu.memory_space<hbm>>, %arg6: memref<2x2x10000x64xf32, #tpu.memory_space<hbm>>, %arg7: memref<2x2x10000x64xf32, #tpu.memory_space<hbm>>, %arg8: memref<512xf32, #tpu.memory_space<hbm>>, %arg9: memref<2x4x10112x64xf32, #tpu.memory_space<hbm>>, %arg10: memref<10688xi32, #tpu.memory_space<vmem>>, %arg11: memref<10688xi32, #tpu.memory_space<vmem>>, %arg12: memref<10688xf32, #tpu.memory_space<vmem>>, %arg13: memref<10112xf32, #tpu.memory_space<vmem>>, %arg14: memref<64x64xf32, #tpu.memory_space<vmem>>, %arg15: memref<64x64xf32, #tpu.memory_space<vmem>>, %arg16: memref<64x64xf32, #tpu.memory_space<vmem>>, %arg17: memref<64x64xf32, #tpu.memory_space<vmem>>, %arg18: memref<64x64xf32, #tpu.memory_space<vmem>>, %arg19: memref<64x64xf32, #tpu.memory_space<vmem>>, %arg20: memref<64x64xf32, #tpu.memory_space<vmem>>, %arg21: memref<64x64xf32, #tpu.memory_space<vmem>>, %arg22: memref<64x64xf32, #tpu.memory_space<vmem>>, %arg23: memref<64x64xf32, #tpu.memory_space<vmem>>, %arg24: memref<64x64xf32, #tpu.memory_space<vmem>>, %arg25: memref<64x64xf32, #tpu.memory_space<vmem>>, %arg26: memref<64x64xf32, #tpu.memory_space<vmem>>, %arg27: memref<64x64xf32, #tpu.memory_space<vmem>>, %arg28: memref<64x64xf32, #tpu.memory_space<vmem>>, %arg29: memref<64x64xf32, #tpu.memory_space<vmem>>, %arg30: memref<64xi32, #tpu.memory_space<vmem>>, %arg31: memref<64xi32, #tpu.memory_space<vmem>>, %arg32: memref<64x64xf32, #tpu.memory_space<vmem>>, %arg33: memref<640xf32, #tpu.memory_space<vmem>>, %arg34: memref<256xf32, #tpu.memory_space<vmem>>, %arg35: memref<256xf32, #tpu.memory_space<vmem>>, %arg36: memref<10112x64xf32, #tpu.memory_space<vmem_shared>>, %arg37: memref<10112xf32, #tpu.memory_space<vmem_shared>>, %arg38: memref<!tpu.dma_semaphore, #tpu.memory_space<semaphore_mem>>, %arg39: memref<!tpu.dma_semaphore, #tpu.memory_space<semaphore_mem>>) attributes {dimension_semantics = [#tpu.dimension_semantics<core_parallel>, #tpu.dimension_semantics<subcore_parallel>], iteration_bounds = array<i64: 2, 16>, scalar_prefetch = 0 : i64, scratch_operands = 30 : i64, tpu.core_type = #tpu.core_type<sc_vector_subcore>, window_params = [{transform_indices = #map}, {transform_indices = #map}, {transform_indices = #map1}, {transform_indices = #map1}, {transform_indices = #map1}, {transform_indices = #map1}, {transform_indices = #map}, {transform_indices = #map1}]} {
    %mul3A = arith.constant 10688 : i32
    %mul3A_0 = arith.muli %arg1, %mul3A : i32
    %iota3A = tpu.iota {dimensions = array<i32: 0>} : vector<16xi32>
    %broadcast_in_dim3A = arith.constant 0.000000e+00 : f32
    %broadcast_in_dim3A_1 = vector.broadcast %broadcast_in_dim3A : f32 to vector<16xf32>
    %mul3A_2 = arith.constant 171008 : i32
    %mul3A_3 = arith.muli %arg0, %mul3A_2 : i32
    %add3A = arith.addi %mul3A_3, %mul3A_0 : i32
    "tpu.region"() ({
      %run_scoped3A_204 = tpu.sem_alloc : memref<!tpu.dma_semaphore, #tpu.memory_space<semaphore_mem>>
      %dma_start3A = tpu.memref_slice %arg2[%add3A] : memref<342016xi32, #tpu.memory_space<hbm>> -> memref<10688xi32, #tpu.memory_space<hbm>>
      %dma_start3A_205 = tpu.memref_slice %arg2[%add3A] : memref<342016xi32, #tpu.memory_space<hbm>> -> memref<10688xi32, #tpu.memory_space<hbm>>
      tpu.enqueue_dma source(%dma_start3A_205 : memref<10688xi32, #tpu.memory_space<hbm>>) target(%arg10 : memref<10688xi32, #tpu.memory_space<vmem>>) target_semaphore(%run_scoped3A_204 : memref<!tpu.dma_semaphore, #tpu.memory_space<semaphore_mem>>)
      %dma_wait3A = tpu.memref_slice %arg2[%add3A] : memref<342016xi32, #tpu.memory_space<hbm>> -> memref<10688xi32, #tpu.memory_space<hbm>>
      %dma_wait3A_206 = tpu.memref_slice %arg2[%add3A] : memref<342016xi32, #tpu.memory_space<hbm>> -> memref<10688xi32, #tpu.memory_space<hbm>>
      tpu.wait_dma2 semaphore(%run_scoped3A_204 : memref<!tpu.dma_semaphore, #tpu.memory_space<semaphore_mem>>) src(%dma_wait3A_206 : memref<10688xi32, #tpu.memory_space<hbm>>) dst(%arg10 : memref<10688xi32, #tpu.memory_space<vmem>>)
      tpu.yield
    }) : () -> ()
    %mul3A_4 = arith.constant 171008 : i32
    %mul3A_5 = arith.muli %arg0, %mul3A_4 : i32
    %add3A_6 = arith.addi %mul3A_5, %mul3A_0 : i32
    "tpu.region"() ({
      %run_scoped3A_204 = tpu.sem_alloc : memref<!tpu.dma_semaphore, #tpu.memory_space<semaphore_mem>>
      %dma_start3A = tpu.memref_slice %arg3[%add3A_6] : memref<342016xi32, #tpu.memory_space<hbm>> -> memref<10688xi32, #tpu.memory_space<hbm>>
      %dma_start3A_205 = tpu.memref_slice %arg3[%add3A_6] : memref<342016xi32, #tpu.memory_space<hbm>> -> memref<10688xi32, #tpu.memory_space<hbm>>
      tpu.enqueue_dma source(%dma_start3A_205 : memref<10688xi32, #tpu.memory_space<hbm>>) target(%arg11 : memref<10688xi32, #tpu.memory_space<vmem>>) target_semaphore(%run_scoped3A_204 : memref<!tpu.dma_semaphore, #tpu.memory_space<semaphore_mem>>)
      %dma_wait3A = tpu.memref_slice %arg3[%add3A_6] : memref<342016xi32, #tpu.memory_space<hbm>> -> memref<10688xi32, #tpu.memory_space<hbm>>
      %dma_wait3A_206 = tpu.memref_slice %arg3[%add3A_6] : memref<342016xi32, #tpu.memory_space<hbm>> -> memref<10688xi32, #tpu.memory_space<hbm>>
      tpu.wait_dma2 semaphore(%run_scoped3A_204 : memref<!tpu.dma_semaphore, #tpu.memory_space<semaphore_mem>>) src(%dma_wait3A_206 : memref<10688xi32, #tpu.memory_space<hbm>>) dst(%arg11 : memref<10688xi32, #tpu.memory_space<vmem>>)
      tpu.yield
    }) : () -> ()
    %mul3A_7 = arith.constant 256 : i32
    %mul3A_8 = arith.muli %arg0, %mul3A_7 : i32
    "tpu.region"() ({
      %run_scoped3A_204 = tpu.sem_alloc : memref<!tpu.dma_semaphore, #tpu.memory_space<semaphore_mem>>
      %dma_start3A = tpu.memref_slice %arg8[%mul3A_8] : memref<512xf32, #tpu.memory_space<hbm>> -> memref<256xf32, #tpu.memory_space<hbm>>
      %dma_start3A_205 = tpu.memref_slice %arg8[%mul3A_8] : memref<512xf32, #tpu.memory_space<hbm>> -> memref<256xf32, #tpu.memory_space<hbm>>
      tpu.enqueue_dma source(%dma_start3A_205 : memref<256xf32, #tpu.memory_space<hbm>>) target(%arg35 : memref<256xf32, #tpu.memory_space<vmem>>) target_semaphore(%run_scoped3A_204 : memref<!tpu.dma_semaphore, #tpu.memory_space<semaphore_mem>>)
      %dma_wait3A = tpu.memref_slice %arg8[%mul3A_8] : memref<512xf32, #tpu.memory_space<hbm>> -> memref<256xf32, #tpu.memory_space<hbm>>
      %dma_wait3A_206 = tpu.memref_slice %arg8[%mul3A_8] : memref<512xf32, #tpu.memory_space<hbm>> -> memref<256xf32, #tpu.memory_space<hbm>>
      tpu.wait_dma2 semaphore(%run_scoped3A_204 : memref<!tpu.dma_semaphore, #tpu.memory_space<semaphore_mem>>) src(%dma_wait3A_206 : memref<256xf32, #tpu.memory_space<hbm>>) dst(%arg35 : memref<256xf32, #tpu.memory_space<vmem>>)
      tpu.yield
    }) : () -> ()
    %get3A = arith.constant 0 : index
    %get3A_9 = tpu.vector_load %arg35[%get3A] {strides = array<i32>} : memref<256xf32, #tpu.memory_space<vmem>>, vector<16xf32>,
    %get3A_10 = arith.constant 16 : index
    %get3A_11 = tpu.vector_load %arg35[%get3A_10] {strides = array<i32>} : memref<256xf32, #tpu.memory_space<vmem>>, vector<16xf32>,
    %get3A_12 = arith.constant 32 : index
    %get3A_13 = tpu.vector_load %arg35[%get3A_12] {strides = array<i32>} : memref<256xf32, #tpu.memory_space<vmem>>, vector<16xf32>,
    %get3A_14 = arith.constant 48 : index
    %get3A_15 = tpu.vector_load %arg35[%get3A_14] {strides = array<i32>} : memref<256xf32, #tpu.memory_space<vmem>>, vector<16xf32>,
    %get3A_16 = arith.constant 64 : index
    %get3A_17 = tpu.vector_load %arg35[%get3A_16] {strides = array<i32>} : memref<256xf32, #tpu.memory_space<vmem>>, vector<16xf32>,
    %get3A_18 = arith.constant 80 : index
    %get3A_19 = tpu.vector_load %arg35[%get3A_18] {strides = array<i32>} : memref<256xf32, #tpu.memory_space<vmem>>, vector<16xf32>,
    %get3A_20 = arith.constant 96 : index
    %get3A_21 = tpu.vector_load %arg35[%get3A_20] {strides = array<i32>} : memref<256xf32, #tpu.memory_space<vmem>>, vector<16xf32>,
    %get3A_22 = arith.constant 112 : index
    %get3A_23 = tpu.vector_load %arg35[%get3A_22] {strides = array<i32>} : memref<256xf32, #tpu.memory_space<vmem>>, vector<16xf32>,
    %get3A_24 = arith.constant 128 : index
    %get3A_25 = tpu.vector_load %arg35[%get3A_24] {strides = array<i32>} : memref<256xf32, #tpu.memory_space<vmem>>, vector<16xf32>,
    %get3A_26 = arith.constant 144 : index
    %get3A_27 = tpu.vector_load %arg35[%get3A_26] {strides = array<i32>} : memref<256xf32, #tpu.memory_space<vmem>>, vector<16xf32>,
    %get3A_28 = arith.constant 160 : index
    %get3A_29 = tpu.vector_load %arg35[%get3A_28] {strides = array<i32>} : memref<256xf32, #tpu.memory_space<vmem>>, vector<16xf32>,
    %get3A_30 = arith.constant 176 : index
    %get3A_31 = tpu.vector_load %arg35[%get3A_30] {strides = array<i32>} : memref<256xf32, #tpu.memory_space<vmem>>, vector<16xf32>,
    %get3A_32 = arith.constant 192 : index
    %get3A_33 = tpu.vector_load %arg35[%get3A_32] {strides = array<i32>} : memref<256xf32, #tpu.memory_space<vmem>>, vector<16xf32>,
    %get3A_34 = arith.constant 208 : index
    %get3A_35 = tpu.vector_load %arg35[%get3A_34] {strides = array<i32>} : memref<256xf32, #tpu.memory_space<vmem>>, vector<16xf32>,
    %get3A_36 = arith.constant 224 : index
    %get3A_37 = tpu.vector_load %arg35[%get3A_36] {strides = array<i32>} : memref<256xf32, #tpu.memory_space<vmem>>, vector<16xf32>,
    %get3A_38 = arith.constant 240 : index
    %get3A_39 = tpu.vector_load %arg35[%get3A_38] {strides = array<i32>} : memref<256xf32, #tpu.memory_space<vmem>>, vector<16xf32>,
    %mul3A_40 = arith.constant 16 : i32
    %mul3A_41 = vector.broadcast %mul3A_40 : i32 to vector<16xi32>
    %mul3A_42 = arith.muli %iota3A, %mul3A_41 : vector<16xi32>
    %scan3A = arith.constant 0 : i32
    %scan3A_43 = arith.constant 0 : i32
    %scan3A_44 = arith.constant 40 : i32
    %scan3A_45 = arith.addi %scan3A_43, %scan3A_44 : i32
    %scan3A_46 = arith.constant 1 : i32
    %scan3A_47 = scf.for %scan3A_204 = %scan3A_43 to %scan3A_45 step %scan3A_46 iter_args(%scan3A_205 = %scan3A) -> (i32)  : i32 {
      %mul3A_206 = arith.constant 16 : i32
      %mul3A_207 = arith.muli %scan3A_204, %mul3A_206 : i32
      %swap3A = arith.index_cast %mul3A_207 : i32 to index
      %swap3A_208 = tpu.vector_load %arg33[%swap3A] {strides = array<i32>} : memref<640xf32, #tpu.memory_space<vmem>>, vector<16xf32>,
      tpu.vector_store %arg33[%swap3A], %broadcast_in_dim3A_1 {strides = array<i32>} : memref<640xf32, #tpu.memory_space<vmem>>, vector<16xf32>,
      %scan3A_209 = arith.constant 0 : i32
      scf.yield %scan3A_209 : i32
    }
    %scan3A_48 = arith.constant 40 : i32
    %scan3A_49 = arith.constant 0 : i32
    %scan3A_50 = arith.constant 0 : i32
    %scan3A_51 = arith.constant 64 : i32
    %scan3A_52 = arith.addi %scan3A_50, %scan3A_51 : i32
    %scan3A_53 = arith.constant 1 : i32
    %scan3A_54 = scf.for %scan3A_204 = %scan3A_50 to %scan3A_52 step %scan3A_53 iter_args(%scan3A_205 = %scan3A_49) -> (i32)  : i32 {
      %swap3A = arith.index_cast %scan3A_204 : i32 to index
      %swap3A_206 = arith.constant 0 : index
      %swap3A_207 = tpu.vector_load %arg32[%swap3A, %swap3A_206] {strides = array<i32>} : memref<64x64xf32, #tpu.memory_space<vmem>>, vector<16xf32>,
      tpu.vector_store %arg32[%swap3A, %swap3A_206], %broadcast_in_dim3A_1 {strides = array<i32>} : memref<64x64xf32, #tpu.memory_space<vmem>>, vector<16xf32>,
      %swap3A_208 = arith.index_cast %scan3A_204 : i32 to index
      %swap3A_209 = arith.constant 16 : index
      %swap3A_210 = tpu.vector_load %arg32[%swap3A_208, %swap3A_209] {strides = array<i32>} : memref<64x64xf32, #tpu.memory_space<vmem>>, vector<16xf32>,
      tpu.vector_store %arg32[%swap3A_208, %swap3A_209], %broadcast_in_dim3A_1 {strides = array<i32>} : memref<64x64xf32, #tpu.memory_space<vmem>>, vector<16xf32>,
      %swap3A_211 = arith.index_cast %scan3A_204 : i32 to index
      %swap3A_212 = arith.constant 32 : index
      %swap3A_213 = tpu.vector_load %arg32[%swap3A_211, %swap3A_212] {strides = array<i32>} : memref<64x64xf32, #tpu.memory_space<vmem>>, vector<16xf32>,
      tpu.vector_store %arg32[%swap3A_211, %swap3A_212], %broadcast_in_dim3A_1 {strides = array<i32>} : memref<64x64xf32, #tpu.memory_space<vmem>>, vector<16xf32>,
      %swap3A_214 = arith.index_cast %scan3A_204 : i32 to index
      %swap3A_215 = arith.constant 48 : index
      %swap3A_216 = tpu.vector_load %arg32[%swap3A_214, %swap3A_215] {strides = array<i32>} : memref<64x64xf32, #tpu.memory_space<vmem>>, vector<16xf32>,
      tpu.vector_store %arg32[%swap3A_214, %swap3A_215], %broadcast_in_dim3A_1 {strides = array<i32>} : memref<64x64xf32, #tpu.memory_space<vmem>>, vector<16xf32>,
      %scan3A_217 = arith.constant 0 : i32
      scf.yield %scan3A_217 : i32
    }
    %scan3A_55 = arith.constant 64 : i32
    %mul3A_56 = arith.constant 632 : i32
    %mul3A_57 = arith.muli %arg1, %mul3A_56 : i32
    "tpu.region"() ({
      %run_scoped3A_204 = tpu.sem_alloc : memref<!tpu.dma_semaphore, #tpu.memory_space<semaphore_mem>>
      %dma_start3A = arith.constant 0 : i32
      %dma_start3A_205 = tpu.memref_slice %arg33[%dma_start3A] : memref<640xf32, #tpu.memory_space<vmem>> -> memref<632xf32, #tpu.memory_space<vmem>>
      %dma_start3A_206 = tpu.memref_slice %arg37[%mul3A_57] : memref<10112xf32, #tpu.memory_space<vmem_shared>> -> memref<632xf32, #tpu.memory_space<vmem_shared>>
      %dma_start3A_207 = tpu.memref_slice %arg37[%mul3A_57] : memref<10112xf32, #tpu.memory_space<vmem_shared>> -> memref<632xf32, #tpu.memory_space<vmem_shared>>
      %dma_start3A_208 = arith.constant 0 : i32
      %dma_start3A_209 = tpu.memref_slice %arg33[%dma_start3A_208] : memref<640xf32, #tpu.memory_space<vmem>> -> memref<632xf32, #tpu.memory_space<vmem>>
      tpu.enqueue_dma source(%dma_start3A_209 : memref<632xf32, #tpu.memory_space<vmem>>) target(%dma_start3A_207 : memref<632xf32, #tpu.memory_space<vmem_shared>>) target_semaphore(%run_scoped3A_204 : memref<!tpu.dma_semaphore, #tpu.memory_space<semaphore_mem>>)
      %dma_wait3A = arith.constant 0 : i32
      %dma_wait3A_210 = tpu.memref_slice %arg33[%dma_wait3A] : memref<640xf32, #tpu.memory_space<vmem>> -> memref<632xf32, #tpu.memory_space<vmem>>
      %dma_wait3A_211 = tpu.memref_slice %arg37[%mul3A_57] : memref<10112xf32, #tpu.memory_space<vmem_shared>> -> memref<632xf32, #tpu.memory_space<vmem_shared>>
      %dma_wait3A_212 = tpu.memref_slice %arg37[%mul3A_57] : memref<10112xf32, #tpu.memory_space<vmem_shared>> -> memref<632xf32, #tpu.memory_space<vmem_shared>>
      %dma_wait3A_213 = arith.constant 0 : i32
      %dma_wait3A_214 = tpu.memref_slice %arg33[%dma_wait3A_213] : memref<640xf32, #tpu.memory_space<vmem>> -> memref<632xf32, #tpu.memory_space<vmem>>
      tpu.wait_dma2 semaphore(%run_scoped3A_204 : memref<!tpu.dma_semaphore, #tpu.memory_space<semaphore_mem>>) src(%dma_wait3A_214 : memref<632xf32, #tpu.memory_space<vmem>>) dst(%dma_wait3A_212 : memref<632xf32, #tpu.memory_space<vmem_shared>>)
      tpu.yield
    }) : () -> ()
    %barrier3A = arith.constant 0 : index
    tpu.barrier barrier_id(%barrier3A)
    %scan3A_58 = arith.constant 0 : i32
    %scan3A_59 = arith.constant 0 : i32
    %scan3A_60 = arith.constant 167 : i32
    %scan3A_61 = arith.addi %scan3A_59, %scan3A_60 : i32
    %scan3A_62 = arith.constant 1 : i32
    %scan3A_63 = scf.for %scan3A_204 = %scan3A_59 to %scan3A_61 step %scan3A_62 iter_args(%scan3A_205 = %scan3A_58) -> (i32)  : i32 {
      %mul3A_206 = arith.constant 64 : i32
      %mul3A_207 = arith.muli %scan3A_204, %mul3A_206 : i32
      %dma_start3A = arith.constant 0 : i32
      %dma_start3A_208 = tpu.memref_slice %arg10[%mul3A_207] : memref<10688xi32, #tpu.memory_space<vmem>> -> memref<64xi32, #tpu.memory_space<vmem>>
      %dma_start3A_209 = arith.constant 0 : i32
      %dma_start3A_210 = arith.constant 0 : i32
      %dma_start3A_211 = tpu.memref_slice %arg4[%arg0, %dma_start3A, %dma_start3A_209, %dma_start3A_210] : memref<2x2x10000x64xf32, #tpu.memory_space<hbm>> -> memref<1x1x10000x64xf32, #tpu.memory_space<hbm>>
      %dma_start3A_212 = tpu.memref_squeeze %dma_start3A_211 : memref<1x1x10000x64xf32, #tpu.memory_space<hbm>> -> memref<10000x64xf32, #tpu.memory_space<hbm>>
      %dma_start3A_213 = arith.constant 0 : i32
      %dma_start3A_214 = arith.constant 0 : i32
      %dma_start3A_215 = tpu.memref_slice %dma_start3A_212[%dma_start3A_213, %dma_start3A_214] : memref<10000x64xf32, #tpu.memory_space<hbm>> -> memref<10000x64xf32, #tpu.memory_space<hbm>>
      tpu.enqueue_indirect_dma source(%dma_start3A_215 : memref<10000x64xf32, #tpu.memory_space<hbm>>) target(%arg14 : memref<64x64xf32, #tpu.memory_space<vmem>>) offsets(%dma_start3A_208 : memref<64xi32, #tpu.memory_space<vmem>>) semaphore(%arg38 : memref<!tpu.dma_semaphore, #tpu.memory_space<semaphore_mem>>)
      %dma_start3A_216 = arith.constant 1 : i32
      %dma_start3A_217 = tpu.memref_slice %arg11[%mul3A_207] : memref<10688xi32, #tpu.memory_space<vmem>> -> memref<64xi32, #tpu.memory_space<vmem>>
      %dma_start3A_218 = arith.constant 0 : i32
      %dma_start3A_219 = arith.constant 0 : i32
      %dma_start3A_220 = tpu.memref_slice %arg4[%arg0, %dma_start3A_216, %dma_start3A_218, %dma_start3A_219] : memref<2x2x10000x64xf32, #tpu.memory_space<hbm>> -> memref<1x1x10000x64xf32, #tpu.memory_space<hbm>>
      %dma_start3A_221 = tpu.memref_squeeze %dma_start3A_220 : memref<1x1x10000x64xf32, #tpu.memory_space<hbm>> -> memref<10000x64xf32, #tpu.memory_space<hbm>>
      %dma_start3A_222 = arith.constant 0 : i32
      %dma_start3A_223 = arith.constant 0 : i32
      %dma_start3A_224 = tpu.memref_slice %dma_start3A_221[%dma_start3A_222, %dma_start3A_223] : memref<10000x64xf32, #tpu.memory_space<hbm>> -> memref<10000x64xf32, #tpu.memory_space<hbm>>
      tpu.enqueue_indirect_dma source(%dma_start3A_224 : memref<10000x64xf32, #tpu.memory_space<hbm>>) target(%arg22 : memref<64x64xf32, #tpu.memory_space<vmem>>) offsets(%dma_start3A_217 : memref<64xi32, #tpu.memory_space<vmem>>) semaphore(%arg38 : memref<!tpu.dma_semaphore, #tpu.memory_space<semaphore_mem>>)
      %dma_start3A_225 = arith.constant 0 : i32
      %dma_start3A_226 = tpu.memref_slice %arg10[%mul3A_207] : memref<10688xi32, #tpu.memory_space<vmem>> -> memref<64xi32, #tpu.memory_space<vmem>>
      %dma_start3A_227 = arith.constant 0 : i32
      %dma_start3A_228 = arith.constant 0 : i32
      %dma_start3A_229 = tpu.memref_slice %arg5[%arg0, %dma_start3A_225, %dma_start3A_227, %dma_start3A_228] : memref<2x2x10000x64xf32, #tpu.memory_space<hbm>> -> memref<1x1x10000x64xf32, #tpu.memory_space<hbm>>
      %dma_start3A_230 = tpu.memref_squeeze %dma_start3A_229 : memref<1x1x10000x64xf32, #tpu.memory_space<hbm>> -> memref<10000x64xf32, #tpu.memory_space<hbm>>
      %dma_start3A_231 = arith.constant 0 : i32
      %dma_start3A_232 = arith.constant 0 : i32
      %dma_start3A_233 = tpu.memref_slice %dma_start3A_230[%dma_start3A_231, %dma_start3A_232] : memref<10000x64xf32, #tpu.memory_space<hbm>> -> memref<10000x64xf32, #tpu.memory_space<hbm>>
      tpu.enqueue_indirect_dma source(%dma_start3A_233 : memref<10000x64xf32, #tpu.memory_space<hbm>>) target(%arg15 : memref<64x64xf32, #tpu.memory_space<vmem>>) offsets(%dma_start3A_226 : memref<64xi32, #tpu.memory_space<vmem>>) semaphore(%arg38 : memref<!tpu.dma_semaphore, #tpu.memory_space<semaphore_mem>>)
      %dma_start3A_234 = arith.constant 1 : i32
      %dma_start3A_235 = tpu.memref_slice %arg11[%mul3A_207] : memref<10688xi32, #tpu.memory_space<vmem>> -> memref<64xi32, #tpu.memory_space<vmem>>
      %dma_start3A_236 = arith.constant 0 : i32
      %dma_start3A_237 = arith.constant 0 : i32
      %dma_start3A_238 = tpu.memref_slice %arg5[%arg0, %dma_start3A_234, %dma_start3A_236, %dma_start3A_237] : memref<2x2x10000x64xf32, #tpu.memory_space<hbm>> -> memref<1x1x10000x64xf32, #tpu.memory_space<hbm>>
      %dma_start3A_239 = tpu.memref_squeeze %dma_start3A_238 : memref<1x1x10000x64xf32, #tpu.memory_space<hbm>> -> memref<10000x64xf32, #tpu.memory_space<hbm>>
      %dma_start3A_240 = arith.constant 0 : i32
      %dma_start3A_241 = arith.constant 0 : i32
      %dma_start3A_242 = tpu.memref_slice %dma_start3A_239[%dma_start3A_240, %dma_start3A_241] : memref<10000x64xf32, #tpu.memory_space<hbm>> -> memref<10000x64xf32, #tpu.memory_space<hbm>>
      tpu.enqueue_indirect_dma source(%dma_start3A_242 : memref<10000x64xf32, #tpu.memory_space<hbm>>) target(%arg23 : memref<64x64xf32, #tpu.memory_space<vmem>>) offsets(%dma_start3A_235 : memref<64xi32, #tpu.memory_space<vmem>>) semaphore(%arg38 : memref<!tpu.dma_semaphore, #tpu.memory_space<semaphore_mem>>)
      %dma_start3A_243 = arith.constant 0 : i32
      %dma_start3A_244 = tpu.memref_slice %arg10[%mul3A_207] : memref<10688xi32, #tpu.memory_space<vmem>> -> memref<64xi32, #tpu.memory_space<vmem>>
      %dma_start3A_245 = arith.constant 0 : i32
      %dma_start3A_246 = arith.constant 0 : i32
      %dma_start3A_247 = tpu.memref_slice %arg6[%arg0, %dma_start3A_243, %dma_start3A_245, %dma_start3A_246] : memref<2x2x10000x64xf32, #tpu.memory_space<hbm>> -> memref<1x1x10000x64xf32, #tpu.memory_space<hbm>>
      %dma_start3A_248 = tpu.memref_squeeze %dma_start3A_247 : memref<1x1x10000x64xf32, #tpu.memory_space<hbm>> -> memref<10000x64xf32, #tpu.memory_space<hbm>>
      %dma_start3A_249 = arith.constant 0 : i32
      %dma_start3A_250 = arith.constant 0 : i32
      %dma_start3A_251 = tpu.memref_slice %dma_start3A_248[%dma_start3A_249, %dma_start3A_250] : memref<10000x64xf32, #tpu.memory_space<hbm>> -> memref<10000x64xf32, #tpu.memory_space<hbm>>
      tpu.enqueue_indirect_dma source(%dma_start3A_251 : memref<10000x64xf32, #tpu.memory_space<hbm>>) target(%arg16 : memref<64x64xf32, #tpu.memory_space<vmem>>) offsets(%dma_start3A_244 : memref<64xi32, #tpu.memory_space<vmem>>) semaphore(%arg38 : memref<!tpu.dma_semaphore, #tpu.memory_space<semaphore_mem>>)
      %dma_start3A_252 = arith.constant 1 : i32
      %dma_start3A_253 = tpu.memref_slice %arg11[%mul3A_207] : memref<10688xi32, #tpu.memory_space<vmem>> -> memref<64xi32, #tpu.memory_space<vmem>>
      %dma_start3A_254 = arith.constant 0 : i32
      %dma_start3A_255 = arith.constant 0 : i32
      %dma_start3A_256 = tpu.memref_slice %arg6[%arg0, %dma_start3A_252, %dma_start3A_254, %dma_start3A_255] : memref<2x2x10000x64xf32, #tpu.memory_space<hbm>> -> memref<1x1x10000x64xf32, #tpu.memory_space<hbm>>
      %dma_start3A_257 = tpu.memref_squeeze %dma_start3A_256 : memref<1x1x10000x64xf32, #tpu.memory_space<hbm>> -> memref<10000x64xf32, #tpu.memory_space<hbm>>
      %dma_start3A_258 = arith.constant 0 : i32
      %dma_start3A_259 = arith.constant 0 : i32
      %dma_start3A_260 = tpu.memref_slice %dma_start3A_257[%dma_start3A_258, %dma_start3A_259] : memref<10000x64xf32, #tpu.memory_space<hbm>> -> memref<10000x64xf32, #tpu.memory_space<hbm>>
      tpu.enqueue_indirect_dma source(%dma_start3A_260 : memref<10000x64xf32, #tpu.memory_space<hbm>>) target(%arg24 : memref<64x64xf32, #tpu.memory_space<vmem>>) offsets(%dma_start3A_253 : memref<64xi32, #tpu.memory_space<vmem>>) semaphore(%arg38 : memref<!tpu.dma_semaphore, #tpu.memory_space<semaphore_mem>>)
      %dma_start3A_261 = arith.constant 0 : i32
      %dma_start3A_262 = tpu.memref_slice %arg10[%mul3A_207] : memref<10688xi32, #tpu.memory_space<vmem>> -> memref<64xi32, #tpu.memory_space<vmem>>
      %dma_start3A_263 = arith.constant 0 : i32
      %dma_start3A_264 = arith.constant 0 : i32
      %dma_start3A_265 = tpu.memref_slice %arg7[%arg0, %dma_start3A_261, %dma_start3A_263, %dma_start3A_264] : memref<2x2x10000x64xf32, #tpu.memory_space<hbm>> -> memref<1x1x10000x64xf32, #tpu.memory_space<hbm>>
      %dma_start3A_266 = tpu.memref_squeeze %dma_start3A_265 : memref<1x1x10000x64xf32, #tpu.memory_space<hbm>> -> memref<10000x64xf32, #tpu.memory_space<hbm>>
      %dma_start3A_267 = arith.constant 0 : i32
      %dma_start3A_268 = arith.constant 0 : i32
      %dma_start3A_269 = tpu.memref_slice %dma_start3A_266[%dma_start3A_267, %dma_start3A_268] : memref<10000x64xf32, #tpu.memory_space<hbm>> -> memref<10000x64xf32, #tpu.memory_space<hbm>>
      tpu.enqueue_indirect_dma source(%dma_start3A_269 : memref<10000x64xf32, #tpu.memory_space<hbm>>) target(%arg17 : memref<64x64xf32, #tpu.memory_space<vmem>>) offsets(%dma_start3A_262 : memref<64xi32, #tpu.memory_space<vmem>>) semaphore(%arg38 : memref<!tpu.dma_semaphore, #tpu.memory_space<semaphore_mem>>)
      %dma_start3A_270 = arith.constant 1 : i32
      %dma_start3A_271 = tpu.memref_slice %arg11[%mul3A_207] : memref<10688xi32, #tpu.memory_space<vmem>> -> memref<64xi32, #tpu.memory_space<vmem>>
      %dma_start3A_272 = arith.constant 0 : i32
      %dma_start3A_273 = arith.constant 0 : i32
      %dma_start3A_274 = tpu.memref_slice %arg7[%arg0, %dma_start3A_270, %dma_start3A_272, %dma_start3A_273] : memref<2x2x10000x64xf32, #tpu.memory_space<hbm>> -> memref<1x1x10000x64xf32, #tpu.memory_space<hbm>>
      %dma_start3A_275 = tpu.memref_squeeze %dma_start3A_274 : memref<1x1x10000x64xf32, #tpu.memory_space<hbm>> -> memref<10000x64xf32, #tpu.memory_space<hbm>>
      %dma_start3A_276 = arith.constant 0 : i32
      %dma_start3A_277 = arith.constant 0 : i32
      %dma_start3A_278 = tpu.memref_slice %dma_start3A_275[%dma_start3A_276, %dma_start3A_277] : memref<10000x64xf32, #tpu.memory_space<hbm>> -> memref<10000x64xf32, #tpu.memory_space<hbm>>
      tpu.enqueue_indirect_dma source(%dma_start3A_278 : memref<10000x64xf32, #tpu.memory_space<hbm>>) target(%arg25 : memref<64x64xf32, #tpu.memory_space<vmem>>) offsets(%dma_start3A_271 : memref<64xi32, #tpu.memory_space<vmem>>) semaphore(%arg38 : memref<!tpu.dma_semaphore, #tpu.memory_space<semaphore_mem>>)
      %dma_wait3A = arith.constant 0 : i32
      %dma_wait3A_279 = tpu.memref_slice %arg10[%mul3A_207] : memref<10688xi32, #tpu.memory_space<vmem>> -> memref<64xi32, #tpu.memory_space<vmem>>
      %dma_wait3A_280 = arith.constant 0 : i32
      %dma_wait3A_281 = arith.constant 0 : i32
      %dma_wait3A_282 = tpu.memref_slice %arg4[%arg0, %dma_wait3A, %dma_wait3A_280, %dma_wait3A_281] : memref<2x2x10000x64xf32, #tpu.memory_space<hbm>> -> memref<1x1x10000x64xf32, #tpu.memory_space<hbm>>
      %dma_wait3A_283 = tpu.memref_squeeze %dma_wait3A_282 : memref<1x1x10000x64xf32, #tpu.memory_space<hbm>> -> memref<10000x64xf32, #tpu.memory_space<hbm>>
      %dma_wait3A_284 = arith.constant 0 : i32
      %dma_wait3A_285 = arith.constant 0 : i32
      %dma_wait3A_286 = tpu.memref_slice %dma_wait3A_283[%dma_wait3A_284, %dma_wait3A_285] : memref<10000x64xf32, #tpu.memory_space<hbm>> -> memref<10000x64xf32, #tpu.memory_space<hbm>>
      tpu.wait_indirect_dma semaphore(%arg38 : memref<!tpu.dma_semaphore, #tpu.memory_space<semaphore_mem>>) src(%dma_wait3A_286 : memref<10000x64xf32, #tpu.memory_space<hbm>>) dst(%arg14 : memref<64x64xf32, #tpu.memory_space<vmem>>)
      %dma_wait3A_287 = arith.constant 1 : i32
      %dma_wait3A_288 = tpu.memref_slice %arg11[%mul3A_207] : memref<10688xi32, #tpu.memory_space<vmem>> -> memref<64xi32, #tpu.memory_space<vmem>>
      %dma_wait3A_289 = arith.constant 0 : i32
      %dma_wait3A_290 = arith.constant 0 : i32
      %dma_wait3A_291 = tpu.memref_slice %arg4[%arg0, %dma_wait3A_287, %dma_wait3A_289, %dma_wait3A_290] : memref<2x2x10000x64xf32, #tpu.memory_space<hbm>> -> memref<1x1x10000x64xf32, #tpu.memory_space<hbm>>
      %dma_wait3A_292 = tpu.memref_squeeze %dma_wait3A_291 : memref<1x1x10000x64xf32, #tpu.memory_space<hbm>> -> memref<10000x64xf32, #tpu.memory_space<hbm>>
      %dma_wait3A_293 = arith.constant 0 : i32
      %dma_wait3A_294 = arith.constant 0 : i32
      %dma_wait3A_295 = tpu.memref_slice %dma_wait3A_292[%dma_wait3A_293, %dma_wait3A_294] : memref<10000x64xf32, #tpu.memory_space<hbm>> -> memref<10000x64xf32, #tpu.memory_space<hbm>>
      tpu.wait_indirect_dma semaphore(%arg38 : memref<!tpu.dma_semaphore, #tpu.memory_space<semaphore_mem>>) src(%dma_wait3A_295 : memref<10000x64xf32, #tpu.memory_space<hbm>>) dst(%arg22 : memref<64x64xf32, #tpu.memory_space<vmem>>)
      %dma_wait3A_296 = arith.constant 0 : i32
      %dma_wait3A_297 = tpu.memref_slice %arg10[%mul3A_207] : memref<10688xi32, #tpu.memory_space<vmem>> -> memref<64xi32, #tpu.memory_space<vmem>>
      %dma_wait3A_298 = arith.constant 0 : i32
      %dma_wait3A_299 = arith.constant 0 : i32
      %dma_wait3A_300 = tpu.memref_slice %arg5[%arg0, %dma_wait3A_296, %dma_wait3A_298, %dma_wait3A_299] : memref<2x2x10000x64xf32, #tpu.memory_space<hbm>> -> memref<1x1x10000x64xf32, #tpu.memory_space<hbm>>
      %dma_wait3A_301 = tpu.memref_squeeze %dma_wait3A_300 : memref<1x1x10000x64xf32, #tpu.memory_space<hbm>> -> memref<10000x64xf32, #tpu.memory_space<hbm>>
      %dma_wait3A_302 = arith.constant 0 : i32
      %dma_wait3A_303 = arith.constant 0 : i32
      %dma_wait3A_304 = tpu.memref_slice %dma_wait3A_301[%dma_wait3A_302, %dma_wait3A_303] : memref<10000x64xf32, #tpu.memory_space<hbm>> -> memref<10000x64xf32, #tpu.memory_space<hbm>>
      tpu.wait_indirect_dma semaphore(%arg38 : memref<!tpu.dma_semaphore, #tpu.memory_space<semaphore_mem>>) src(%dma_wait3A_304 : memref<10000x64xf32, #tpu.memory_space<hbm>>) dst(%arg15 : memref<64x64xf32, #tpu.memory_space<vmem>>)
      %dma_wait3A_305 = arith.constant 1 : i32
      %dma_wait3A_306 = tpu.memref_slice %arg11[%mul3A_207] : memref<10688xi32, #tpu.memory_space<vmem>> -> memref<64xi32, #tpu.memory_space<vmem>>
      %dma_wait3A_307 = arith.constant 0 : i32
      %dma_wait3A_308 = arith.constant 0 : i32
      %dma_wait3A_309 = tpu.memref_slice %arg5[%arg0, %dma_wait3A_305, %dma_wait3A_307, %dma_wait3A_308] : memref<2x2x10000x64xf32, #tpu.memory_space<hbm>> -> memref<1x1x10000x64xf32, #tpu.memory_space<hbm>>
      %dma_wait3A_310 = tpu.memref_squeeze %dma_wait3A_309 : memref<1x1x10000x64xf32, #tpu.memory_space<hbm>> -> memref<10000x64xf32, #tpu.memory_space<hbm>>
      %dma_wait3A_311 = arith.constant 0 : i32
      %dma_wait3A_312 = arith.constant 0 : i32
      %dma_wait3A_313 = tpu.memref_slice %dma_wait3A_310[%dma_wait3A_311, %dma_wait3A_312] : memref<10000x64xf32, #tpu.memory_space<hbm>> -> memref<10000x64xf32, #tpu.memory_space<hbm>>
      tpu.wait_indirect_dma semaphore(%arg38 : memref<!tpu.dma_semaphore, #tpu.memory_space<semaphore_mem>>) src(%dma_wait3A_313 : memref<10000x64xf32, #tpu.memory_space<hbm>>) dst(%arg23 : memref<64x64xf32, #tpu.memory_space<vmem>>)
      %dma_wait3A_314 = arith.constant 0 : i32
      %dma_wait3A_315 = tpu.memref_slice %arg10[%mul3A_207] : memref<10688xi32, #tpu.memory_space<vmem>> -> memref<64xi32, #tpu.memory_space<vmem>>
      %dma_wait3A_316 = arith.constant 0 : i32
      %dma_wait3A_317 = arith.constant 0 : i32
      %dma_wait3A_318 = tpu.memref_slice %arg6[%arg0, %dma_wait3A_314, %dma_wait3A_316, %dma_wait3A_317] : memref<2x2x10000x64xf32, #tpu.memory_space<hbm>> -> memref<1x1x10000x64xf32, #tpu.memory_space<hbm>>
      %dma_wait3A_319 = tpu.memref_squeeze %dma_wait3A_318 : memref<1x1x10000x64xf32, #tpu.memory_space<hbm>> -> memref<10000x64xf32, #tpu.memory_space<hbm>>
      %dma_wait3A_320 = arith.constant 0 : i32
      %dma_wait3A_321 = arith.constant 0 : i32
      %dma_wait3A_322 = tpu.memref_slice %dma_wait3A_319[%dma_wait3A_320, %dma_wait3A_321] : memref<10000x64xf32, #tpu.memory_space<hbm>> -> memref<10000x64xf32, #tpu.memory_space<hbm>>
      tpu.wait_indirect_dma semaphore(%arg38 : memref<!tpu.dma_semaphore, #tpu.memory_space<semaphore_mem>>) src(%dma_wait3A_322 : memref<10000x64xf32, #tpu.memory_space<hbm>>) dst(%arg16 : memref<64x64xf32, #tpu.memory_space<vmem>>)
      %dma_wait3A_323 = arith.constant 1 : i32
      %dma_wait3A_324 = tpu.memref_slice %arg11[%mul3A_207] : memref<10688xi32, #tpu.memory_space<vmem>> -> memref<64xi32, #tpu.memory_space<vmem>>
      %dma_wait3A_325 = arith.constant 0 : i32
      %dma_wait3A_326 = arith.constant 0 : i32
      %dma_wait3A_327 = tpu.memref_slice %arg6[%arg0, %dma_wait3A_323, %dma_wait3A_325, %dma_wait3A_326] : memref<2x2x10000x64xf32, #tpu.memory_space<hbm>> -> memref<1x1x10000x64xf32, #tpu.memory_space<hbm>>
      %dma_wait3A_328 = tpu.memref_squeeze %dma_wait3A_327 : memref<1x1x10000x64xf32, #tpu.memory_space<hbm>> -> memref<10000x64xf32, #tpu.memory_space<hbm>>
      %dma_wait3A_329 = arith.constant 0 : i32
      %dma_wait3A_330 = arith.constant 0 : i32
      %dma_wait3A_331 = tpu.memref_slice %dma_wait3A_328[%dma_wait3A_329, %dma_wait3A_330] : memref<10000x64xf32, #tpu.memory_space<hbm>> -> memref<10000x64xf32, #tpu.memory_space<hbm>>
      tpu.wait_indirect_dma semaphore(%arg38 : memref<!tpu.dma_semaphore, #tpu.memory_space<semaphore_mem>>) src(%dma_wait3A_331 : memref<10000x64xf32, #tpu.memory_space<hbm>>) dst(%arg24 : memref<64x64xf32, #tpu.memory_space<vmem>>)
      %dma_wait3A_332 = arith.constant 0 : i32
      %dma_wait3A_333 = tpu.memref_slice %arg10[%mul3A_207] : memref<10688xi32, #tpu.memory_space<vmem>> -> memref<64xi32, #tpu.memory_space<vmem>>
      %dma_wait3A_334 = arith.constant 0 : i32
      %dma_wait3A_335 = arith.constant 0 : i32
      %dma_wait3A_336 = tpu.memref_slice %arg7[%arg0, %dma_wait3A_332, %dma_wait3A_334, %dma_wait3A_335] : memref<2x2x10000x64xf32, #tpu.memory_space<hbm>> -> memref<1x1x10000x64xf32, #tpu.memory_space<hbm>>
      %dma_wait3A_337 = tpu.memref_squeeze %dma_wait3A_336 : memref<1x1x10000x64xf32, #tpu.memory_space<hbm>> -> memref<10000x64xf32, #tpu.memory_space<hbm>>
      %dma_wait3A_338 = arith.constant 0 : i32
      %dma_wait3A_339 = arith.constant 0 : i32
      %dma_wait3A_340 = tpu.memref_slice %dma_wait3A_337[%dma_wait3A_338, %dma_wait3A_339] : memref<10000x64xf32, #tpu.memory_space<hbm>> -> memref<10000x64xf32, #tpu.memory_space<hbm>>
      tpu.wait_indirect_dma semaphore(%arg38 : memref<!tpu.dma_semaphore, #tpu.memory_space<semaphore_mem>>) src(%dma_wait3A_340 : memref<10000x64xf32, #tpu.memory_space<hbm>>) dst(%arg17 : memref<64x64xf32, #tpu.memory_space<vmem>>)
      %dma_wait3A_341 = arith.constant 1 : i32
      %dma_wait3A_342 = tpu.memref_slice %arg11[%mul3A_207] : memref<10688xi32, #tpu.memory_space<vmem>> -> memref<64xi32, #tpu.memory_space<vmem>>
      %dma_wait3A_343 = arith.constant 0 : i32
      %dma_wait3A_344 = arith.constant 0 : i32
      %dma_wait3A_345 = tpu.memref_slice %arg7[%arg0, %dma_wait3A_341, %dma_wait3A_343, %dma_wait3A_344] : memref<2x2x10000x64xf32, #tpu.memory_space<hbm>> -> memref<1x1x10000x64xf32, #tpu.memory_space<hbm>>
      %dma_wait3A_346 = tpu.memref_squeeze %dma_wait3A_345 : memref<1x1x10000x64xf32, #tpu.memory_space<hbm>> -> memref<10000x64xf32, #tpu.memory_space<hbm>>
      %dma_wait3A_347 = arith.constant 0 : i32
      %dma_wait3A_348 = arith.constant 0 : i32
      %dma_wait3A_349 = tpu.memref_slice %dma_wait3A_346[%dma_wait3A_347, %dma_wait3A_348] : memref<10000x64xf32, #tpu.memory_space<hbm>> -> memref<10000x64xf32, #tpu.memory_space<hbm>>
      tpu.wait_indirect_dma semaphore(%arg38 : memref<!tpu.dma_semaphore, #tpu.memory_space<semaphore_mem>>) src(%dma_wait3A_349 : memref<10000x64xf32, #tpu.memory_space<hbm>>) dst(%arg25 : memref<64x64xf32, #tpu.memory_space<vmem>>)
      %mul3A_350 = arith.constant 64 : i32
      %mul3A_351 = arith.muli %scan3A_204, %mul3A_350 : i32
      %add3A_352 = arith.constant 0 : i32
      %add3A_353 = arith.addi %mul3A_351, %add3A_352 : i32
      %get3A_354 = arith.index_cast %add3A_353 : i32 to index
      %get3A_355 = tpu.vector_load %arg11[%get3A_354] {strides = array<i32>} : memref<10688xi32, #tpu.memory_space<vmem>>, vector<16xi32>,
      %swap3A = arith.constant 0 : index
      %swap3A_356 = tpu.vector_load %arg30[%swap3A] {strides = array<i32>} : memref<64xi32, #tpu.memory_space<vmem>>, vector<16xi32>,
      tpu.vector_store %arg30[%swap3A], %get3A_355 {strides = array<i32>} : memref<64xi32, #tpu.memory_space<vmem>>, vector<16xi32>,
      %add3A_357 = arith.constant 16 : i32
      %add3A_358 = arith.addi %mul3A_351, %add3A_357 : i32
      %get3A_359 = arith.index_cast %add3A_358 : i32 to index
      %get3A_360 = tpu.vector_load %arg11[%get3A_359] {strides = array<i32>} : memref<10688xi32, #tpu.memory_space<vmem>>, vector<16xi32>,
      %swap3A_361 = arith.constant 16 : index
      %swap3A_362 = tpu.vector_load %arg30[%swap3A_361] {strides = array<i32>} : memref<64xi32, #tpu.memory_space<vmem>>, vector<16xi32>,
      tpu.vector_store %arg30[%swap3A_361], %get3A_360 {strides = array<i32>} : memref<64xi32, #tpu.memory_space<vmem>>, vector<16xi32>,
      %add3A_363 = arith.constant 32 : i32
      %add3A_364 = arith.addi %mul3A_351, %add3A_363 : i32
      %get3A_365 = arith.index_cast %add3A_364 : i32 to index
      %get3A_366 = tpu.vector_load %arg11[%get3A_365] {strides = array<i32>} : memref<10688xi32, #tpu.memory_space<vmem>>, vector<16xi32>,
      %swap3A_367 = arith.constant 32 : index
      %swap3A_368 = tpu.vector_load %arg30[%swap3A_367] {strides = array<i32>} : memref<64xi32, #tpu.memory_space<vmem>>, vector<16xi32>,
      tpu.vector_store %arg30[%swap3A_367], %get3A_366 {strides = array<i32>} : memref<64xi32, #tpu.memory_space<vmem>>, vector<16xi32>,
      %add3A_369 = arith.constant 48 : i32
      %add3A_370 = arith.addi %mul3A_351, %add3A_369 : i32
      %get3A_371 = arith.index_cast %add3A_370 : i32 to index
      %get3A_372 = tpu.vector_load %arg11[%get3A_371] {strides = array<i32>} : memref<10688xi32, #tpu.memory_space<vmem>>, vector<16xi32>,
      %swap3A_373 = arith.constant 48 : index
      %swap3A_374 = tpu.vector_load %arg30[%swap3A_373] {strides = array<i32>} : memref<64xi32, #tpu.memory_space<vmem>>, vector<16xi32>,
      tpu.vector_store %arg30[%swap3A_373], %get3A_372 {strides = array<i32>} : memref<64xi32, #tpu.memory_space<vmem>>, vector<16xi32>,
      %scan3A_375 = arith.constant 0 : i32
      %scan3A_376 = arith.constant 0 : i32
      %scan3A_377 = arith.constant 4 : i32
      %scan3A_378 = arith.addi %scan3A_376, %scan3A_377 : i32
      %scan3A_379 = arith.constant 1 : i32
      %scan3A_380 = scf.for %scan3A_385 = %scan3A_376 to %scan3A_378 step %scan3A_379 iter_args(%scan3A_386 = %scan3A_375) -> (i32)  : i32 {
        %scan3A_387 = arith.constant 0 : i32
        %scan3A_388 = arith.constant 0 : i32
        %scan3A_389 = arith.constant 16 : i32
        %scan3A_390 = arith.addi %scan3A_388, %scan3A_389 : i32
        %scan3A_391 = arith.constant 1 : i32
        %scan3A_392 = scf.for %scan3A_406 = %scan3A_388 to %scan3A_390 step %scan3A_391 iter_args(%scan3A_407 = %scan3A_387) -> (i32)  : i32 {
          %mul3A_408 = arith.constant 16 : i32
          %mul3A_409 = arith.muli %scan3A_385, %mul3A_408 : i32
          %add3A_410 = arith.addi %mul3A_409, %scan3A_406 : i32
          %get3A_411 = arith.index_cast %add3A_410 : i32 to index
          %get3A_412 = arith.constant 0 : index
          %get3A_413 = tpu.vector_load %arg14[%get3A_411, %get3A_412] {strides = array<i32>} : memref<64x64xf32, #tpu.memory_space<vmem>>, vector<16xf32>,
          %get3A_414 = arith.index_cast %add3A_410 : i32 to index
          %get3A_415 = arith.constant 0 : index
          %get3A_416 = tpu.vector_load %arg22[%get3A_414, %get3A_415] {strides = array<i32>} : memref<64x64xf32, #tpu.memory_space<vmem>>, vector<16xf32>,
          %add3A_417 = arith.addf %get3A_413, %get3A_416 : vector<16xf32>
          %gt3A = arith.constant 0.000000e+00 : f32
          %gt3A_418 = vector.broadcast %gt3A : f32 to vector<16xf32>
          %gt3A_419 = arith.cmpf ogt, %add3A_417, %gt3A_418 : vector<16xf32>
          %mul3A_420 = arith.constant 2.000000e-01 : f32
          %mul3A_421 = vector.broadcast %mul3A_420 : f32 to vector<16xf32>
          %mul3A_422 = arith.mulf %add3A_417, %mul3A_421 : vector<16xf32>
          %select_n3A = arith.select %gt3A_419, %add3A_417, %mul3A_422 : vector<16xi1>, vector<16xf32>
          %mul3A_423 = arith.mulf %select_n3A, %get3A_9 : vector<16xf32>
          %add3A_424 = arith.addf %broadcast_in_dim3A_1, %mul3A_423 : vector<16xf32>
          %get3A_425 = arith.index_cast %add3A_410 : i32 to index
          %get3A_426 = arith.constant 16 : index
          %get3A_427 = tpu.vector_load %arg14[%get3A_425, %get3A_426] {strides = array<i32>} : memref<64x64xf32, #tpu.memory_space<vmem>>, vector<16xf32>,
          %get3A_428 = arith.index_cast %add3A_410 : i32 to index
          %get3A_429 = arith.constant 16 : index
          %get3A_430 = tpu.vector_load %arg22[%get3A_428, %get3A_429] {strides = array<i32>} : memref<64x64xf32, #tpu.memory_space<vmem>>, vector<16xf32>,
          %add3A_431 = arith.addf %get3A_427, %get3A_430 : vector<16xf32>
          %gt3A_432 = arith.constant 0.000000e+00 : f32
          %gt3A_433 = vector.broadcast %gt3A_432 : f32 to vector<16xf32>
          %gt3A_434 = arith.cmpf ogt, %add3A_431, %gt3A_433 : vector<16xf32>
          %mul3A_435 = arith.constant 2.000000e-01 : f32
          %mul3A_436 = vector.broadcast %mul3A_435 : f32 to vector<16xf32>
          %mul3A_437 = arith.mulf %add3A_431, %mul3A_436 : vector<16xf32>
          %select_n3A_438 = arith.select %gt3A_434, %add3A_431, %mul3A_437 : vector<16xi1>, vector<16xf32>
          %mul3A_439 = arith.mulf %select_n3A_438, %get3A_11 : vector<16xf32>
          %add3A_440 = arith.addf %add3A_424, %mul3A_439 : vector<16xf32>
          %get3A_441 = arith.index_cast %add3A_410 : i32 to index
          %get3A_442 = arith.constant 32 : index
          %get3A_443 = tpu.vector_load %arg14[%get3A_441, %get3A_442] {strides = array<i32>} : memref<64x64xf32, #tpu.memory_space<vmem>>, vector<16xf32>,
          %get3A_444 = arith.index_cast %add3A_410 : i32 to index
          %get3A_445 = arith.constant 32 : index
          %get3A_446 = tpu.vector_load %arg22[%get3A_444, %get3A_445] {strides = array<i32>} : memref<64x64xf32, #tpu.memory_space<vmem>>, vector<16xf32>,
          %add3A_447 = arith.addf %get3A_443, %get3A_446 : vector<16xf32>
          %gt3A_448 = arith.constant 0.000000e+00 : f32
          %gt3A_449 = vector.broadcast %gt3A_448 : f32 to vector<16xf32>
          %gt3A_450 = arith.cmpf ogt, %add3A_447, %gt3A_449 : vector<16xf32>
          %mul3A_451 = arith.constant 2.000000e-01 : f32
          %mul3A_452 = vector.broadcast %mul3A_451 : f32 to vector<16xf32>
          %mul3A_453 = arith.mulf %add3A_447, %mul3A_452 : vector<16xf32>
          %select_n3A_454 = arith.select %gt3A_450, %add3A_447, %mul3A_453 : vector<16xi1>, vector<16xf32>
          %mul3A_455 = arith.mulf %select_n3A_454, %get3A_13 : vector<16xf32>
          %add3A_456 = arith.addf %add3A_440, %mul3A_455 : vector<16xf32>
          %get3A_457 = arith.index_cast %add3A_410 : i32 to index
          %get3A_458 = arith.constant 48 : index
          %get3A_459 = tpu.vector_load %arg14[%get3A_457, %get3A_458] {strides = array<i32>} : memref<64x64xf32, #tpu.memory_space<vmem>>, vector<16xf32>,
          %get3A_460 = arith.index_cast %add3A_410 : i32 to index
          %get3A_461 = arith.constant 48 : index
          %get3A_462 = tpu.vector_load %arg22[%get3A_460, %get3A_461] {strides = array<i32>} : memref<64x64xf32, #tpu.memory_space<vmem>>, vector<16xf32>,
          %add3A_463 = arith.addf %get3A_459, %get3A_462 : vector<16xf32>
          %gt3A_464 = arith.constant 0.000000e+00 : f32
          %gt3A_465 = vector.broadcast %gt3A_464 : f32 to vector<16xf32>
          %gt3A_466 = arith.cmpf ogt, %add3A_463, %gt3A_465 : vector<16xf32>
          %mul3A_467 = arith.constant 2.000000e-01 : f32
          %mul3A_468 = vector.broadcast %mul3A_467 : f32 to vector<16xf32>
          %mul3A_469 = arith.mulf %add3A_463, %mul3A_468 : vector<16xf32>
          %select_n3A_470 = arith.select %gt3A_466, %add3A_463, %mul3A_469 : vector<16xi1>, vector<16xf32>
          %mul3A_471 = arith.mulf %select_n3A_470, %get3A_15 : vector<16xf32>
          %add3A_472 = arith.addf %add3A_456, %mul3A_471 : vector<16xf32>
          %get3A_473 = arith.index_cast %add3A_410 : i32 to index
          %get3A_474 = arith.constant 0 : index
          %get3A_475 = tpu.vector_load %arg15[%get3A_473, %get3A_474] {strides = array<i32>} : memref<64x64xf32, #tpu.memory_space<vmem>>, vector<16xf32>,
          %get3A_476 = arith.index_cast %add3A_410 : i32 to index
          %get3A_477 = arith.constant 0 : index
          %get3A_478 = tpu.vector_load %arg23[%get3A_476, %get3A_477] {strides = array<i32>} : memref<64x64xf32, #tpu.memory_space<vmem>>, vector<16xf32>,
          %add3A_479 = arith.addf %get3A_475, %get3A_478 : vector<16xf32>
          %gt3A_480 = arith.constant 0.000000e+00 : f32
          %gt3A_481 = vector.broadcast %gt3A_480 : f32 to vector<16xf32>
          %gt3A_482 = arith.cmpf ogt, %add3A_479, %gt3A_481 : vector<16xf32>
          %mul3A_483 = arith.constant 2.000000e-01 : f32
          %mul3A_484 = vector.broadcast %mul3A_483 : f32 to vector<16xf32>
          %mul3A_485 = arith.mulf %add3A_479, %mul3A_484 : vector<16xf32>
          %select_n3A_486 = arith.select %gt3A_482, %add3A_479, %mul3A_485 : vector<16xi1>, vector<16xf32>
          %mul3A_487 = arith.mulf %select_n3A_486, %get3A_17 : vector<16xf32>
          %add3A_488 = arith.addf %add3A_472, %mul3A_487 : vector<16xf32>
          %get3A_489 = arith.index_cast %add3A_410 : i32 to index
          %get3A_490 = arith.constant 16 : index
          %get3A_491 = tpu.vector_load %arg15[%get3A_489, %get3A_490] {strides = array<i32>} : memref<64x64xf32, #tpu.memory_space<vmem>>, vector<16xf32>,
          %get3A_492 = arith.index_cast %add3A_410 : i32 to index
          %get3A_493 = arith.constant 16 : index
          %get3A_494 = tpu.vector_load %arg23[%get3A_492, %get3A_493] {strides = array<i32>} : memref<64x64xf32, #tpu.memory_space<vmem>>, vector<16xf32>,
          %add3A_495 = arith.addf %get3A_491, %get3A_494 : vector<16xf32>
          %gt3A_496 = arith.constant 0.000000e+00 : f32
          %gt3A_497 = vector.broadcast %gt3A_496 : f32 to vector<16xf32>
          %gt3A_498 = arith.cmpf ogt, %add3A_495, %gt3A_497 : vector<16xf32>
          %mul3A_499 = arith.constant 2.000000e-01 : f32
          %mul3A_500 = vector.broadcast %mul3A_499 : f32 to vector<16xf32>
          %mul3A_501 = arith.mulf %add3A_495, %mul3A_500 : vector<16xf32>
          %select_n3A_502 = arith.select %gt3A_498, %add3A_495, %mul3A_501 : vector<16xi1>, vector<16xf32>
          %mul3A_503 = arith.mulf %select_n3A_502, %get3A_19 : vector<16xf32>
          %add3A_504 = arith.addf %add3A_488, %mul3A_503 : vector<16xf32>
          %get3A_505 = arith.index_cast %add3A_410 : i32 to index
          %get3A_506 = arith.constant 32 : index
          %get3A_507 = tpu.vector_load %arg15[%get3A_505, %get3A_506] {strides = array<i32>} : memref<64x64xf32, #tpu.memory_space<vmem>>, vector<16xf32>,
          %get3A_508 = arith.index_cast %add3A_410 : i32 to index
          %get3A_509 = arith.constant 32 : index
          %get3A_510 = tpu.vector_load %arg23[%get3A_508, %get3A_509] {strides = array<i32>} : memref<64x64xf32, #tpu.memory_space<vmem>>, vector<16xf32>,
          %add3A_511 = arith.addf %get3A_507, %get3A_510 : vector<16xf32>
          %gt3A_512 = arith.constant 0.000000e+00 : f32
          %gt3A_513 = vector.broadcast %gt3A_512 : f32 to vector<16xf32>
          %gt3A_514 = arith.cmpf ogt, %add3A_511, %gt3A_513 : vector<16xf32>
          %mul3A_515 = arith.constant 2.000000e-01 : f32
          %mul3A_516 = vector.broadcast %mul3A_515 : f32 to vector<16xf32>
          %mul3A_517 = arith.mulf %add3A_511, %mul3A_516 : vector<16xf32>
          %select_n3A_518 = arith.select %gt3A_514, %add3A_511, %mul3A_517 : vector<16xi1>, vector<16xf32>
          %mul3A_519 = arith.mulf %select_n3A_518, %get3A_21 : vector<16xf32>
          %add3A_520 = arith.addf %add3A_504, %mul3A_519 : vector<16xf32>
          %get3A_521 = arith.index_cast %add3A_410 : i32 to index
          %get3A_522 = arith.constant 48 : index
          %get3A_523 = tpu.vector_load %arg15[%get3A_521, %get3A_522] {strides = array<i32>} : memref<64x64xf32, #tpu.memory_space<vmem>>, vector<16xf32>,
          %get3A_524 = arith.index_cast %add3A_410 : i32 to index
          %get3A_525 = arith.constant 48 : index
          %get3A_526 = tpu.vector_load %arg23[%get3A_524, %get3A_525] {strides = array<i32>} : memref<64x64xf32, #tpu.memory_space<vmem>>, vector<16xf32>,
          %add3A_527 = arith.addf %get3A_523, %get3A_526 : vector<16xf32>
          %gt3A_528 = arith.constant 0.000000e+00 : f32
          %gt3A_529 = vector.broadcast %gt3A_528 : f32 to vector<16xf32>
          %gt3A_530 = arith.cmpf ogt, %add3A_527, %gt3A_529 : vector<16xf32>
          %mul3A_531 = arith.constant 2.000000e-01 : f32
          %mul3A_532 = vector.broadcast %mul3A_531 : f32 to vector<16xf32>
          %mul3A_533 = arith.mulf %add3A_527, %mul3A_532 : vector<16xf32>
          %select_n3A_534 = arith.select %gt3A_530, %add3A_527, %mul3A_533 : vector<16xi1>, vector<16xf32>
          %mul3A_535 = arith.mulf %select_n3A_534, %get3A_23 : vector<16xf32>
          %add3A_536 = arith.addf %add3A_520, %mul3A_535 : vector<16xf32>
          %get3A_537 = arith.index_cast %add3A_410 : i32 to index
          %get3A_538 = arith.constant 0 : index
          %get3A_539 = tpu.vector_load %arg16[%get3A_537, %get3A_538] {strides = array<i32>} : memref<64x64xf32, #tpu.memory_space<vmem>>, vector<16xf32>,
          %get3A_540 = arith.index_cast %add3A_410 : i32 to index
          %get3A_541 = arith.constant 0 : index
          %get3A_542 = tpu.vector_load %arg24[%get3A_540, %get3A_541] {strides = array<i32>} : memref<64x64xf32, #tpu.memory_space<vmem>>, vector<16xf32>,
          %add3A_543 = arith.addf %get3A_539, %get3A_542 : vector<16xf32>
          %gt3A_544 = arith.constant 0.000000e+00 : f32
          %gt3A_545 = vector.broadcast %gt3A_544 : f32 to vector<16xf32>
          %gt3A_546 = arith.cmpf ogt, %add3A_543, %gt3A_545 : vector<16xf32>
          %mul3A_547 = arith.constant 2.000000e-01 : f32
          %mul3A_548 = vector.broadcast %mul3A_547 : f32 to vector<16xf32>
          %mul3A_549 = arith.mulf %add3A_543, %mul3A_548 : vector<16xf32>
          %select_n3A_550 = arith.select %gt3A_546, %add3A_543, %mul3A_549 : vector<16xi1>, vector<16xf32>
          %mul3A_551 = arith.mulf %select_n3A_550, %get3A_25 : vector<16xf32>
          %add3A_552 = arith.addf %add3A_536, %mul3A_551 : vector<16xf32>
          %get3A_553 = arith.index_cast %add3A_410 : i32 to index
          %get3A_554 = arith.constant 16 : index
          %get3A_555 = tpu.vector_load %arg16[%get3A_553, %get3A_554] {strides = array<i32>} : memref<64x64xf32, #tpu.memory_space<vmem>>, vector<16xf32>,
          %get3A_556 = arith.index_cast %add3A_410 : i32 to index
          %get3A_557 = arith.constant 16 : index
          %get3A_558 = tpu.vector_load %arg24[%get3A_556, %get3A_557] {strides = array<i32>} : memref<64x64xf32, #tpu.memory_space<vmem>>, vector<16xf32>,
          %add3A_559 = arith.addf %get3A_555, %get3A_558 : vector<16xf32>
          %gt3A_560 = arith.constant 0.000000e+00 : f32
          %gt3A_561 = vector.broadcast %gt3A_560 : f32 to vector<16xf32>
          %gt3A_562 = arith.cmpf ogt, %add3A_559, %gt3A_561 : vector<16xf32>
          %mul3A_563 = arith.constant 2.000000e-01 : f32
          %mul3A_564 = vector.broadcast %mul3A_563 : f32 to vector<16xf32>
          %mul3A_565 = arith.mulf %add3A_559, %mul3A_564 : vector<16xf32>
          %select_n3A_566 = arith.select %gt3A_562, %add3A_559, %mul3A_565 : vector<16xi1>, vector<16xf32>
          %mul3A_567 = arith.mulf %select_n3A_566, %get3A_27 : vector<16xf32>
          %add3A_568 = arith.addf %add3A_552, %mul3A_567 : vector<16xf32>
          %get3A_569 = arith.index_cast %add3A_410 : i32 to index
          %get3A_570 = arith.constant 32 : index
          %get3A_571 = tpu.vector_load %arg16[%get3A_569, %get3A_570] {strides = array<i32>} : memref<64x64xf32, #tpu.memory_space<vmem>>, vector<16xf32>,
          %get3A_572 = arith.index_cast %add3A_410 : i32 to index
          %get3A_573 = arith.constant 32 : index
          %get3A_574 = tpu.vector_load %arg24[%get3A_572, %get3A_573] {strides = array<i32>} : memref<64x64xf32, #tpu.memory_space<vmem>>, vector<16xf32>,
          %add3A_575 = arith.addf %get3A_571, %get3A_574 : vector<16xf32>
          %gt3A_576 = arith.constant 0.000000e+00 : f32
          %gt3A_577 = vector.broadcast %gt3A_576 : f32 to vector<16xf32>
          %gt3A_578 = arith.cmpf ogt, %add3A_575, %gt3A_577 : vector<16xf32>
          %mul3A_579 = arith.constant 2.000000e-01 : f32
          %mul3A_580 = vector.broadcast %mul3A_579 : f32 to vector<16xf32>
          %mul3A_581 = arith.mulf %add3A_575, %mul3A_580 : vector<16xf32>
          %select_n3A_582 = arith.select %gt3A_578, %add3A_575, %mul3A_581 : vector<16xi1>, vector<16xf32>
          %mul3A_583 = arith.mulf %select_n3A_582, %get3A_29 : vector<16xf32>
          %add3A_584 = arith.addf %add3A_568, %mul3A_583 : vector<16xf32>
          %get3A_585 = arith.index_cast %add3A_410 : i32 to index
          %get3A_586 = arith.constant 48 : index
          %get3A_587 = tpu.vector_load %arg16[%get3A_585, %get3A_586] {strides = array<i32>} : memref<64x64xf32, #tpu.memory_space<vmem>>, vector<16xf32>,
          %get3A_588 = arith.index_cast %add3A_410 : i32 to index
          %get3A_589 = arith.constant 48 : index
          %get3A_590 = tpu.vector_load %arg24[%get3A_588, %get3A_589] {strides = array<i32>} : memref<64x64xf32, #tpu.memory_space<vmem>>, vector<16xf32>,
          %add3A_591 = arith.addf %get3A_587, %get3A_590 : vector<16xf32>
          %gt3A_592 = arith.constant 0.000000e+00 : f32
          %gt3A_593 = vector.broadcast %gt3A_592 : f32 to vector<16xf32>
          %gt3A_594 = arith.cmpf ogt, %add3A_591, %gt3A_593 : vector<16xf32>
          %mul3A_595 = arith.constant 2.000000e-01 : f32
          %mul3A_596 = vector.broadcast %mul3A_595 : f32 to vector<16xf32>
          %mul3A_597 = arith.mulf %add3A_591, %mul3A_596 : vector<16xf32>
          %select_n3A_598 = arith.select %gt3A_594, %add3A_591, %mul3A_597 : vector<16xi1>, vector<16xf32>
          %mul3A_599 = arith.mulf %select_n3A_598, %get3A_31 : vector<16xf32>
          %add3A_600 = arith.addf %add3A_584, %mul3A_599 : vector<16xf32>
          %get3A_601 = arith.index_cast %add3A_410 : i32 to index
          %get3A_602 = arith.constant 0 : index
          %get3A_603 = tpu.vector_load %arg17[%get3A_601, %get3A_602] {strides = array<i32>} : memref<64x64xf32, #tpu.memory_space<vmem>>, vector<16xf32>,
          %get3A_604 = arith.index_cast %add3A_410 : i32 to index
          %get3A_605 = arith.constant 0 : index
          %get3A_606 = tpu.vector_load %arg25[%get3A_604, %get3A_605] {strides = array<i32>} : memref<64x64xf32, #tpu.memory_space<vmem>>, vector<16xf32>,
          %add3A_607 = arith.addf %get3A_603, %get3A_606 : vector<16xf32>
          %gt3A_608 = arith.constant 0.000000e+00 : f32
          %gt3A_609 = vector.broadcast %gt3A_608 : f32 to vector<16xf32>
          %gt3A_610 = arith.cmpf ogt, %add3A_607, %gt3A_609 : vector<16xf32>
          %mul3A_611 = arith.constant 2.000000e-01 : f32
          %mul3A_612 = vector.broadcast %mul3A_611 : f32 to vector<16xf32>
          %mul3A_613 = arith.mulf %add3A_607, %mul3A_612 : vector<16xf32>
          %select_n3A_614 = arith.select %gt3A_610, %add3A_607, %mul3A_613 : vector<16xi1>, vector<16xf32>
          %mul3A_615 = arith.mulf %select_n3A_614, %get3A_33 : vector<16xf32>
          %add3A_616 = arith.addf %add3A_600, %mul3A_615 : vector<16xf32>
          %get3A_617 = arith.index_cast %add3A_410 : i32 to index
          %get3A_618 = arith.constant 16 : index
          %get3A_619 = tpu.vector_load %arg17[%get3A_617, %get3A_618] {strides = array<i32>} : memref<64x64xf32, #tpu.memory_space<vmem>>, vector<16xf32>,
          %get3A_620 = arith.index_cast %add3A_410 : i32 to index
          %get3A_621 = arith.constant 16 : index
          %get3A_622 = tpu.vector_load %arg25[%get3A_620, %get3A_621] {strides = array<i32>} : memref<64x64xf32, #tpu.memory_space<vmem>>, vector<16xf32>,
          %add3A_623 = arith.addf %get3A_619, %get3A_622 : vector<16xf32>
          %gt3A_624 = arith.constant 0.000000e+00 : f32
          %gt3A_625 = vector.broadcast %gt3A_624 : f32 to vector<16xf32>
          %gt3A_626 = arith.cmpf ogt, %add3A_623, %gt3A_625 : vector<16xf32>
          %mul3A_627 = arith.constant 2.000000e-01 : f32
          %mul3A_628 = vector.broadcast %mul3A_627 : f32 to vector<16xf32>
          %mul3A_629 = arith.mulf %add3A_623, %mul3A_628 : vector<16xf32>
          %select_n3A_630 = arith.select %gt3A_626, %add3A_623, %mul3A_629 : vector<16xi1>, vector<16xf32>
          %mul3A_631 = arith.mulf %select_n3A_630, %get3A_35 : vector<16xf32>
          %add3A_632 = arith.addf %add3A_616, %mul3A_631 : vector<16xf32>
          %get3A_633 = arith.index_cast %add3A_410 : i32 to index
          %get3A_634 = arith.constant 32 : index
          %get3A_635 = tpu.vector_load %arg17[%get3A_633, %get3A_634] {strides = array<i32>} : memref<64x64xf32, #tpu.memory_space<vmem>>, vector<16xf32>,
          %get3A_636 = arith.index_cast %add3A_410 : i32 to index
          %get3A_637 = arith.constant 32 : index
          %get3A_638 = tpu.vector_load %arg25[%get3A_636, %get3A_637] {strides = array<i32>} : memref<64x64xf32, #tpu.memory_space<vmem>>, vector<16xf32>,
          %add3A_639 = arith.addf %get3A_635, %get3A_638 : vector<16xf32>
          %gt3A_640 = arith.constant 0.000000e+00 : f32
          %gt3A_641 = vector.broadcast %gt3A_640 : f32 to vector<16xf32>
          %gt3A_642 = arith.cmpf ogt, %add3A_639, %gt3A_641 : vector<16xf32>
          %mul3A_643 = arith.constant 2.000000e-01 : f32
          %mul3A_644 = vector.broadcast %mul3A_643 : f32 to vector<16xf32>
          %mul3A_645 = arith.mulf %add3A_639, %mul3A_644 : vector<16xf32>
          %select_n3A_646 = arith.select %gt3A_642, %add3A_639, %mul3A_645 : vector<16xi1>, vector<16xf32>
          %mul3A_647 = arith.mulf %select_n3A_646, %get3A_37 : vector<16xf32>
          %add3A_648 = arith.addf %add3A_632, %mul3A_647 : vector<16xf32>
          %get3A_649 = arith.index_cast %add3A_410 : i32 to index
          %get3A_650 = arith.constant 48 : index
          %get3A_651 = tpu.vector_load %arg17[%get3A_649, %get3A_650] {strides = array<i32>} : memref<64x64xf32, #tpu.memory_space<vmem>>, vector<16xf32>,
          %get3A_652 = arith.index_cast %add3A_410 : i32 to index
          %get3A_653 = arith.constant 48 : index
          %get3A_654 = tpu.vector_load %arg25[%get3A_652, %get3A_653] {strides = array<i32>} : memref<64x64xf32, #tpu.memory_space<vmem>>, vector<16xf32>,
          %add3A_655 = arith.addf %get3A_651, %get3A_654 : vector<16xf32>
          %gt3A_656 = arith.constant 0.000000e+00 : f32
          %gt3A_657 = vector.broadcast %gt3A_656 : f32 to vector<16xf32>
          %gt3A_658 = arith.cmpf ogt, %add3A_655, %gt3A_657 : vector<16xf32>
          %mul3A_659 = arith.constant 2.000000e-01 : f32
          %mul3A_660 = vector.broadcast %mul3A_659 : f32 to vector<16xf32>
          %mul3A_661 = arith.mulf %add3A_655, %mul3A_660 : vector<16xf32>
          %select_n3A_662 = arith.select %gt3A_658, %add3A_655, %mul3A_661 : vector<16xi1>, vector<16xf32>
          %mul3A_663 = arith.mulf %select_n3A_662, %get3A_39 : vector<16xf32>
          %add3A_664 = arith.addf %add3A_648, %mul3A_663 : vector<16xf32>
          %mul3A_665 = arith.constant 16 : i32
          %mul3A_666 = arith.muli %scan3A_406, %mul3A_665 : i32
          %swap3A_667 = arith.index_cast %mul3A_666 : i32 to index
          %swap3A_668 = tpu.vector_load %arg34[%swap3A_667] {strides = array<i32>} : memref<256xf32, #tpu.memory_space<vmem>>, vector<16xf32>,
          tpu.vector_store %arg34[%swap3A_667], %add3A_664 {strides = array<i32>} : memref<256xf32, #tpu.memory_space<vmem>>, vector<16xf32>,
          %scan3A_669 = arith.constant 0 : i32
          scf.yield %scan3A_669 : i32
        }
        %scan3A_393 = arith.constant 16 : i32
        %scan3A_394 = arith.constant 0 : i32
        %scan3A_395 = arith.constant 16 : i32
        %scan3A_396 = arith.addi %scan3A_394, %scan3A_395 : i32
        %scan3A_397 = arith.constant 1 : i32
        %scan3A_398 = scf.for %scan3A_406 = %scan3A_394 to %scan3A_396 step %scan3A_397 iter_args(%scan3A_407 = %broadcast_in_dim3A_1) -> (vector<16xf32>)  : i32 {
          %add3A_408 = vector.broadcast %scan3A_406 : i32 to vector<16xi32>
          %add3A_409 = arith.addi %mul3A_42, %add3A_408 : vector<16xi32>
          %gather3A = tpu.vector_load_idx %arg34[%add3A_409] : memref<256xf32, #tpu.memory_space<vmem>>[vector<16xi32>], vector<16xf32>,
          %add3A_410 = arith.addf %scan3A_407, %gather3A : vector<16xf32>
          scf.yield %add3A_410 : vector<16xf32>
        }
        %scan3A_399 = arith.constant 16 : i32
        %exp3A = math.exp %scan3A_398 : vector<16xf32>
        %mul3A_400 = arith.constant 16 : i32
        %mul3A_401 = arith.muli %scan3A_385, %mul3A_400 : i32
        %add3A_402 = arith.addi %mul3A_351, %mul3A_401 : i32
        %swap3A_403 = arith.index_cast %add3A_402 : i32 to index
        %swap3A_404 = tpu.vector_load %arg12[%swap3A_403] {strides = array<i32>} : memref<10688xf32, #tpu.memory_space<vmem>>, vector<16xf32>,
        tpu.vector_store %arg12[%swap3A_403], %exp3A {strides = array<i32>} : memref<10688xf32, #tpu.memory_space<vmem>>, vector<16xf32>,
        %scan3A_405 = arith.constant 0 : i32
        scf.yield %scan3A_405 : i32
      }
      %scan3A_381 = arith.constant 4 : i32
      %mul3A_382 = arith.constant 64 : i32
      %mul3A_383 = arith.muli %scan3A_204, %mul3A_382 : i32
      "tpu.region"() ({
        %run_scoped3A_385 = tpu.sem_alloc : memref<!tpu.dma_semaphore, #tpu.memory_space<semaphore_mem>>
        %dma_start3A_386 = tpu.memref_slice %arg12[%mul3A_383] : memref<10688xf32, #tpu.memory_space<vmem>> -> memref<64xf32, #tpu.memory_space<vmem>>
        %dma_start3A_387 = arith.constant 0 : i32
        %dma_start3A_388 = tpu.memref_slice %arg37[%dma_start3A_387] : memref<10112xf32, #tpu.memory_space<vmem_shared>> -> memref<10112xf32, #tpu.memory_space<vmem_shared>>
        tpu.enqueue_indirect_dma source(%dma_start3A_386 : memref<64xf32, #tpu.memory_space<vmem>>) target(%dma_start3A_388 : memref<10112xf32, #tpu.memory_space<vmem_shared>>) offsets(%arg30 : memref<64xi32, #tpu.memory_space<vmem>>) semaphore(%run_scoped3A_385 : memref<!tpu.dma_semaphore, #tpu.memory_space<semaphore_mem>>) {add = true}
        %dma_wait3A_389 = tpu.memref_slice %arg12[%mul3A_383] : memref<10688xf32, #tpu.memory_space<vmem>> -> memref<64xf32, #tpu.memory_space<vmem>>
        %dma_wait3A_390 = arith.constant 0 : i32
        %dma_wait3A_391 = tpu.memref_slice %arg37[%dma_wait3A_390] : memref<10112xf32, #tpu.memory_space<vmem_shared>> -> memref<10112xf32, #tpu.memory_space<vmem_shared>>
        tpu.wait_indirect_dma semaphore(%run_scoped3A_385 : memref<!tpu.dma_semaphore, #tpu.memory_space<semaphore_mem>>) src(%dma_wait3A_389 : memref<64xf32, #tpu.memory_space<vmem>>) dst(%dma_wait3A_391 : memref<10112xf32, #tpu.memory_space<vmem_shared>>)
        tpu.yield
      }) : () -> ()
      %scan3A_384 = arith.constant 0 : i32
      scf.yield %scan3A_384 : i32
    }
    %scan3A_64 = arith.constant 167 : i32
    %barrier3A_65 = arith.constant 0 : index
    tpu.barrier barrier_id(%barrier3A_65)
    "tpu.region"() ({
      %run_scoped3A_204 = tpu.sem_alloc : memref<!tpu.dma_semaphore, #tpu.memory_space<semaphore_mem>>
      tpu.enqueue_dma source(%arg37 : memref<10112xf32, #tpu.memory_space<vmem_shared>>) target(%arg13 : memref<10112xf32, #tpu.memory_space<vmem>>) target_semaphore(%run_scoped3A_204 : memref<!tpu.dma_semaphore, #tpu.memory_space<semaphore_mem>>)
      tpu.wait_dma2 semaphore(%run_scoped3A_204 : memref<!tpu.dma_semaphore, #tpu.memory_space<semaphore_mem>>) src(%arg37 : memref<10112xf32, #tpu.memory_space<vmem_shared>>) dst(%arg13 : memref<10112xf32, #tpu.memory_space<vmem>>)
      tpu.yield
    }) : () -> ()
    %scan3A_66 = arith.constant 0 : i32
    %scan3A_67 = arith.constant 0 : i32
    %scan3A_68 = arith.constant 668 : i32
    %scan3A_69 = arith.addi %scan3A_67, %scan3A_68 : i32
    %scan3A_70 = arith.constant 1 : i32
    %scan3A_71 = scf.for %scan3A_204 = %scan3A_67 to %scan3A_69 step %scan3A_70 iter_args(%scan3A_205 = %scan3A_66) -> (i32)  : i32 {
      %mul3A_206 = arith.constant 16 : i32
      %mul3A_207 = arith.muli %scan3A_204, %mul3A_206 : i32
      %get3A_208 = arith.index_cast %mul3A_207 : i32 to index
      %get3A_209 = tpu.vector_load %arg11[%get3A_208] {strides = array<i32>} : memref<10688xi32, #tpu.memory_space<vmem>>, vector<16xi32>,
      %gather3A = tpu.vector_load_idx %arg13[%get3A_209] : memref<10112xf32, #tpu.memory_space<vmem>>[vector<16xi32>], vector<16xf32>,
      %mul3A_210 = arith.constant 16 : i32
      %mul3A_211 = arith.muli %scan3A_204, %mul3A_210 : i32
      %get3A_212 = arith.index_cast %mul3A_211 : i32 to index
      %get3A_213 = tpu.vector_load %arg12[%get3A_212] {strides = array<i32>} : memref<10688xf32, #tpu.memory_space<vmem>>, vector<16xf32>,
      %add3A_214 = arith.constant 1.000000e-16 : f32
      %add3A_215 = vector.broadcast %add3A_214 : f32 to vector<16xf32>
      %add3A_216 = arith.addf %gather3A, %add3A_215 : vector<16xf32>
      %div3A = arith.divf %get3A_213, %add3A_216 : vector<16xf32>
      %mul3A_217 = arith.constant 16 : i32
      %mul3A_218 = arith.muli %scan3A_204, %mul3A_217 : i32
      %swap3A = arith.index_cast %mul3A_218 : i32 to index
      %swap3A_219 = tpu.vector_load %arg12[%swap3A] {strides = array<i32>} : memref<10688xf32, #tpu.memory_space<vmem>>, vector<16xf32>,
      tpu.vector_store %arg12[%swap3A], %div3A {strides = array<i32>} : memref<10688xf32, #tpu.memory_space<vmem>>, vector<16xf32>,
      %scan3A_220 = arith.constant 0 : i32
      scf.yield %scan3A_220 : i32
    }
    %scan3A_72 = arith.constant 668 : i32
    %mul3A_73 = arith.constant 632 : i32
    %mul3A_74 = arith.muli %arg1, %mul3A_73 : i32
    %add3A_75 = arith.constant 0 : i32
    %add3A_76 = arith.addi %mul3A_74, %add3A_75 : i32
    "tpu.region"() ({
      %run_scoped3A_204 = tpu.sem_alloc : memref<!tpu.dma_semaphore, #tpu.memory_space<semaphore_mem>>
      %dma_start3A = arith.constant 0 : i32
      %dma_start3A_205 = tpu.memref_slice %arg36[%add3A_76, %dma_start3A] : memref<10112x64xf32, #tpu.memory_space<vmem_shared>> -> memref<64x64xf32, #tpu.memory_space<vmem_shared>>
      %dma_start3A_206 = arith.constant 0 : i32
      %dma_start3A_207 = tpu.memref_slice %arg36[%add3A_76, %dma_start3A_206] : memref<10112x64xf32, #tpu.memory_space<vmem_shared>> -> memref<64x64xf32, #tpu.memory_space<vmem_shared>>
      tpu.enqueue_dma source(%arg32 : memref<64x64xf32, #tpu.memory_space<vmem>>) target(%dma_start3A_207 : memref<64x64xf32, #tpu.memory_space<vmem_shared>>) target_semaphore(%run_scoped3A_204 : memref<!tpu.dma_semaphore, #tpu.memory_space<semaphore_mem>>)
      %dma_wait3A = arith.constant 0 : i32
      %dma_wait3A_208 = tpu.memref_slice %arg36[%add3A_76, %dma_wait3A] : memref<10112x64xf32, #tpu.memory_space<vmem_shared>> -> memref<64x64xf32, #tpu.memory_space<vmem_shared>>
      %dma_wait3A_209 = arith.constant 0 : i32
      %dma_wait3A_210 = tpu.memref_slice %arg36[%add3A_76, %dma_wait3A_209] : memref<10112x64xf32, #tpu.memory_space<vmem_shared>> -> memref<64x64xf32, #tpu.memory_space<vmem_shared>>
      tpu.wait_dma2 semaphore(%run_scoped3A_204 : memref<!tpu.dma_semaphore, #tpu.memory_space<semaphore_mem>>) src(%arg32 : memref<64x64xf32, #tpu.memory_space<vmem>>) dst(%dma_wait3A_210 : memref<64x64xf32, #tpu.memory_space<vmem_shared>>)
      tpu.yield
    }) : () -> ()
    %add3A_77 = arith.constant 64 : i32
    %add3A_78 = arith.addi %mul3A_74, %add3A_77 : i32
    "tpu.region"() ({
      %run_scoped3A_204 = tpu.sem_alloc : memref<!tpu.dma_semaphore, #tpu.memory_space<semaphore_mem>>
      %dma_start3A = arith.constant 0 : i32
      %dma_start3A_205 = tpu.memref_slice %arg36[%add3A_78, %dma_start3A] : memref<10112x64xf32, #tpu.memory_space<vmem_shared>> -> memref<64x64xf32, #tpu.memory_space<vmem_shared>>
      %dma_start3A_206 = arith.constant 0 : i32
      %dma_start3A_207 = tpu.memref_slice %arg36[%add3A_78, %dma_start3A_206] : memref<10112x64xf32, #tpu.memory_space<vmem_shared>> -> memref<64x64xf32, #tpu.memory_space<vmem_shared>>
      tpu.enqueue_dma source(%arg32 : memref<64x64xf32, #tpu.memory_space<vmem>>) target(%dma_start3A_207 : memref<64x64xf32, #tpu.memory_space<vmem_shared>>) target_semaphore(%run_scoped3A_204 : memref<!tpu.dma_semaphore, #tpu.memory_space<semaphore_mem>>)
      %dma_wait3A = arith.constant 0 : i32
      %dma_wait3A_208 = tpu.memref_slice %arg36[%add3A_78, %dma_wait3A] : memref<10112x64xf32, #tpu.memory_space<vmem_shared>> -> memref<64x64xf32, #tpu.memory_space<vmem_shared>>
      %dma_wait3A_209 = arith.constant 0 : i32
      %dma_wait3A_210 = tpu.memref_slice %arg36[%add3A_78, %dma_wait3A_209] : memref<10112x64xf32, #tpu.memory_space<vmem_shared>> -> memref<64x64xf32, #tpu.memory_space<vmem_shared>>
      tpu.wait_dma2 semaphore(%run_scoped3A_204 : memref<!tpu.dma_semaphore, #tpu.memory_space<semaphore_mem>>) src(%arg32 : memref<64x64xf32, #tpu.memory_space<vmem>>) dst(%dma_wait3A_210 : memref<64x64xf32, #tpu.memory_space<vmem_shared>>)
      tpu.yield
    }) : () -> ()
    %add3A_79 = arith.constant 128 : i32
    %add3A_80 = arith.addi %mul3A_74, %add3A_79 : i32
    "tpu.region"() ({
      %run_scoped3A_204 = tpu.sem_alloc : memref<!tpu.dma_semaphore, #tpu.memory_space<semaphore_mem>>
      %dma_start3A = arith.constant 0 : i32
      %dma_start3A_205 = tpu.memref_slice %arg36[%add3A_80, %dma_start3A] : memref<10112x64xf32, #tpu.memory_space<vmem_shared>> -> memref<64x64xf32, #tpu.memory_space<vmem_shared>>
      %dma_start3A_206 = arith.constant 0 : i32
      %dma_start3A_207 = tpu.memref_slice %arg36[%add3A_80, %dma_start3A_206] : memref<10112x64xf32, #tpu.memory_space<vmem_shared>> -> memref<64x64xf32, #tpu.memory_space<vmem_shared>>
      tpu.enqueue_dma source(%arg32 : memref<64x64xf32, #tpu.memory_space<vmem>>) target(%dma_start3A_207 : memref<64x64xf32, #tpu.memory_space<vmem_shared>>) target_semaphore(%run_scoped3A_204 : memref<!tpu.dma_semaphore, #tpu.memory_space<semaphore_mem>>)
      %dma_wait3A = arith.constant 0 : i32
      %dma_wait3A_208 = tpu.memref_slice %arg36[%add3A_80, %dma_wait3A] : memref<10112x64xf32, #tpu.memory_space<vmem_shared>> -> memref<64x64xf32, #tpu.memory_space<vmem_shared>>
      %dma_wait3A_209 = arith.constant 0 : i32
      %dma_wait3A_210 = tpu.memref_slice %arg36[%add3A_80, %dma_wait3A_209] : memref<10112x64xf32, #tpu.memory_space<vmem_shared>> -> memref<64x64xf32, #tpu.memory_space<vmem_shared>>
      tpu.wait_dma2 semaphore(%run_scoped3A_204 : memref<!tpu.dma_semaphore, #tpu.memory_space<semaphore_mem>>) src(%arg32 : memref<64x64xf32, #tpu.memory_space<vmem>>) dst(%dma_wait3A_210 : memref<64x64xf32, #tpu.memory_space<vmem_shared>>)
      tpu.yield
    }) : () -> ()
    %add3A_81 = arith.constant 192 : i32
    %add3A_82 = arith.addi %mul3A_74, %add3A_81 : i32
    "tpu.region"() ({
      %run_scoped3A_204 = tpu.sem_alloc : memref<!tpu.dma_semaphore, #tpu.memory_space<semaphore_mem>>
      %dma_start3A = arith.constant 0 : i32
      %dma_start3A_205 = tpu.memref_slice %arg36[%add3A_82, %dma_start3A] : memref<10112x64xf32, #tpu.memory_space<vmem_shared>> -> memref<64x64xf32, #tpu.memory_space<vmem_shared>>
      %dma_start3A_206 = arith.constant 0 : i32
      %dma_start3A_207 = tpu.memref_slice %arg36[%add3A_82, %dma_start3A_206] : memref<10112x64xf32, #tpu.memory_space<vmem_shared>> -> memref<64x64xf32, #tpu.memory_space<vmem_shared>>
      tpu.enqueue_dma source(%arg32 : memref<64x64xf32, #tpu.memory_space<vmem>>) target(%dma_start3A_207 : memref<64x64xf32, #tpu.memory_space<vmem_shared>>) target_semaphore(%run_scoped3A_204 : memref<!tpu.dma_semaphore, #tpu.memory_space<semaphore_mem>>)
      %dma_wait3A = arith.constant 0 : i32
      %dma_wait3A_208 = tpu.memref_slice %arg36[%add3A_82, %dma_wait3A] : memref<10112x64xf32, #tpu.memory_space<vmem_shared>> -> memref<64x64xf32, #tpu.memory_space<vmem_shared>>
      %dma_wait3A_209 = arith.constant 0 : i32
      %dma_wait3A_210 = tpu.memref_slice %arg36[%add3A_82, %dma_wait3A_209] : memref<10112x64xf32, #tpu.memory_space<vmem_shared>> -> memref<64x64xf32, #tpu.memory_space<vmem_shared>>
      tpu.wait_dma2 semaphore(%run_scoped3A_204 : memref<!tpu.dma_semaphore, #tpu.memory_space<semaphore_mem>>) src(%arg32 : memref<64x64xf32, #tpu.memory_space<vmem>>) dst(%dma_wait3A_210 : memref<64x64xf32, #tpu.memory_space<vmem_shared>>)
      tpu.yield
    }) : () -> ()
    %add3A_83 = arith.constant 256 : i32
    %add3A_84 = arith.addi %mul3A_74, %add3A_83 : i32
    "tpu.region"() ({
      %run_scoped3A_204 = tpu.sem_alloc : memref<!tpu.dma_semaphore, #tpu.memory_space<semaphore_mem>>
      %dma_start3A = arith.constant 0 : i32
      %dma_start3A_205 = tpu.memref_slice %arg36[%add3A_84, %dma_start3A] : memref<10112x64xf32, #tpu.memory_space<vmem_shared>> -> memref<64x64xf32, #tpu.memory_space<vmem_shared>>
      %dma_start3A_206 = arith.constant 0 : i32
      %dma_start3A_207 = tpu.memref_slice %arg36[%add3A_84, %dma_start3A_206] : memref<10112x64xf32, #tpu.memory_space<vmem_shared>> -> memref<64x64xf32, #tpu.memory_space<vmem_shared>>
      tpu.enqueue_dma source(%arg32 : memref<64x64xf32, #tpu.memory_space<vmem>>) target(%dma_start3A_207 : memref<64x64xf32, #tpu.memory_space<vmem_shared>>) target_semaphore(%run_scoped3A_204 : memref<!tpu.dma_semaphore, #tpu.memory_space<semaphore_mem>>)
      %dma_wait3A = arith.constant 0 : i32
      %dma_wait3A_208 = tpu.memref_slice %arg36[%add3A_84, %dma_wait3A] : memref<10112x64xf32, #tpu.memory_space<vmem_shared>> -> memref<64x64xf32, #tpu.memory_space<vmem_shared>>
      %dma_wait3A_209 = arith.constant 0 : i32
      %dma_wait3A_210 = tpu.memref_slice %arg36[%add3A_84, %dma_wait3A_209] : memref<10112x64xf32, #tpu.memory_space<vmem_shared>> -> memref<64x64xf32, #tpu.memory_space<vmem_shared>>
      tpu.wait_dma2 semaphore(%run_scoped3A_204 : memref<!tpu.dma_semaphore, #tpu.memory_space<semaphore_mem>>) src(%arg32 : memref<64x64xf32, #tpu.memory_space<vmem>>) dst(%dma_wait3A_210 : memref<64x64xf32, #tpu.memory_space<vmem_shared>>)
      tpu.yield
    }) : () -> ()
    %add3A_85 = arith.constant 320 : i32
    %add3A_86 = arith.addi %mul3A_74, %add3A_85 : i32
    "tpu.region"() ({
      %run_scoped3A_204 = tpu.sem_alloc : memref<!tpu.dma_semaphore, #tpu.memory_space<semaphore_mem>>
      %dma_start3A = arith.constant 0 : i32
      %dma_start3A_205 = tpu.memref_slice %arg36[%add3A_86, %dma_start3A] : memref<10112x64xf32, #tpu.memory_space<vmem_shared>> -> memref<64x64xf32, #tpu.memory_space<vmem_shared>>
      %dma_start3A_206 = arith.constant 0 : i32
      %dma_start3A_207 = tpu.memref_slice %arg36[%add3A_86, %dma_start3A_206] : memref<10112x64xf32, #tpu.memory_space<vmem_shared>> -> memref<64x64xf32, #tpu.memory_space<vmem_shared>>
      tpu.enqueue_dma source(%arg32 : memref<64x64xf32, #tpu.memory_space<vmem>>) target(%dma_start3A_207 : memref<64x64xf32, #tpu.memory_space<vmem_shared>>) target_semaphore(%run_scoped3A_204 : memref<!tpu.dma_semaphore, #tpu.memory_space<semaphore_mem>>)
      %dma_wait3A = arith.constant 0 : i32
      %dma_wait3A_208 = tpu.memref_slice %arg36[%add3A_86, %dma_wait3A] : memref<10112x64xf32, #tpu.memory_space<vmem_shared>> -> memref<64x64xf32, #tpu.memory_space<vmem_shared>>
      %dma_wait3A_209 = arith.constant 0 : i32
      %dma_wait3A_210 = tpu.memref_slice %arg36[%add3A_86, %dma_wait3A_209] : memref<10112x64xf32, #tpu.memory_space<vmem_shared>> -> memref<64x64xf32, #tpu.memory_space<vmem_shared>>
      tpu.wait_dma2 semaphore(%run_scoped3A_204 : memref<!tpu.dma_semaphore, #tpu.memory_space<semaphore_mem>>) src(%arg32 : memref<64x64xf32, #tpu.memory_space<vmem>>) dst(%dma_wait3A_210 : memref<64x64xf32, #tpu.memory_space<vmem_shared>>)
      tpu.yield
    }) : () -> ()
    %add3A_87 = arith.constant 384 : i32
    %add3A_88 = arith.addi %mul3A_74, %add3A_87 : i32
    "tpu.region"() ({
      %run_scoped3A_204 = tpu.sem_alloc : memref<!tpu.dma_semaphore, #tpu.memory_space<semaphore_mem>>
      %dma_start3A = arith.constant 0 : i32
      %dma_start3A_205 = tpu.memref_slice %arg36[%add3A_88, %dma_start3A] : memref<10112x64xf32, #tpu.memory_space<vmem_shared>> -> memref<64x64xf32, #tpu.memory_space<vmem_shared>>
      %dma_start3A_206 = arith.constant 0 : i32
      %dma_start3A_207 = tpu.memref_slice %arg36[%add3A_88, %dma_start3A_206] : memref<10112x64xf32, #tpu.memory_space<vmem_shared>> -> memref<64x64xf32, #tpu.memory_space<vmem_shared>>
      tpu.enqueue_dma source(%arg32 : memref<64x64xf32, #tpu.memory_space<vmem>>) target(%dma_start3A_207 : memref<64x64xf32, #tpu.memory_space<vmem_shared>>) target_semaphore(%run_scoped3A_204 : memref<!tpu.dma_semaphore, #tpu.memory_space<semaphore_mem>>)
      %dma_wait3A = arith.constant 0 : i32
      %dma_wait3A_208 = tpu.memref_slice %arg36[%add3A_88, %dma_wait3A] : memref<10112x64xf32, #tpu.memory_space<vmem_shared>> -> memref<64x64xf32, #tpu.memory_space<vmem_shared>>
      %dma_wait3A_209 = arith.constant 0 : i32
      %dma_wait3A_210 = tpu.memref_slice %arg36[%add3A_88, %dma_wait3A_209] : memref<10112x64xf32, #tpu.memory_space<vmem_shared>> -> memref<64x64xf32, #tpu.memory_space<vmem_shared>>
      tpu.wait_dma2 semaphore(%run_scoped3A_204 : memref<!tpu.dma_semaphore, #tpu.memory_space<semaphore_mem>>) src(%arg32 : memref<64x64xf32, #tpu.memory_space<vmem>>) dst(%dma_wait3A_210 : memref<64x64xf32, #tpu.memory_space<vmem_shared>>)
      tpu.yield
    }) : () -> ()
    %add3A_89 = arith.constant 448 : i32
    %add3A_90 = arith.addi %mul3A_74, %add3A_89 : i32
    "tpu.region"() ({
      %run_scoped3A_204 = tpu.sem_alloc : memref<!tpu.dma_semaphore, #tpu.memory_space<semaphore_mem>>
      %dma_start3A = arith.constant 0 : i32
      %dma_start3A_205 = tpu.memref_slice %arg36[%add3A_90, %dma_start3A] : memref<10112x64xf32, #tpu.memory_space<vmem_shared>> -> memref<64x64xf32, #tpu.memory_space<vmem_shared>>
      %dma_start3A_206 = arith.constant 0 : i32
      %dma_start3A_207 = tpu.memref_slice %arg36[%add3A_90, %dma_start3A_206] : memref<10112x64xf32, #tpu.memory_space<vmem_shared>> -> memref<64x64xf32, #tpu.memory_space<vmem_shared>>
      tpu.enqueue_dma source(%arg32 : memref<64x64xf32, #tpu.memory_space<vmem>>) target(%dma_start3A_207 : memref<64x64xf32, #tpu.memory_space<vmem_shared>>) target_semaphore(%run_scoped3A_204 : memref<!tpu.dma_semaphore, #tpu.memory_space<semaphore_mem>>)
      %dma_wait3A = arith.constant 0 : i32
      %dma_wait3A_208 = tpu.memref_slice %arg36[%add3A_90, %dma_wait3A] : memref<10112x64xf32, #tpu.memory_space<vmem_shared>> -> memref<64x64xf32, #tpu.memory_space<vmem_shared>>
      %dma_wait3A_209 = arith.constant 0 : i32
      %dma_wait3A_210 = tpu.memref_slice %arg36[%add3A_90, %dma_wait3A_209] : memref<10112x64xf32, #tpu.memory_space<vmem_shared>> -> memref<64x64xf32, #tpu.memory_space<vmem_shared>>
      tpu.wait_dma2 semaphore(%run_scoped3A_204 : memref<!tpu.dma_semaphore, #tpu.memory_space<semaphore_mem>>) src(%arg32 : memref<64x64xf32, #tpu.memory_space<vmem>>) dst(%dma_wait3A_210 : memref<64x64xf32, #tpu.memory_space<vmem_shared>>)
      tpu.yield
    }) : () -> ()
    %add3A_91 = arith.constant 512 : i32
    %add3A_92 = arith.addi %mul3A_74, %add3A_91 : i32
    "tpu.region"() ({
      %run_scoped3A_204 = tpu.sem_alloc : memref<!tpu.dma_semaphore, #tpu.memory_space<semaphore_mem>>
      %dma_start3A = arith.constant 0 : i32
      %dma_start3A_205 = tpu.memref_slice %arg36[%add3A_92, %dma_start3A] : memref<10112x64xf32, #tpu.memory_space<vmem_shared>> -> memref<64x64xf32, #tpu.memory_space<vmem_shared>>
      %dma_start3A_206 = arith.constant 0 : i32
      %dma_start3A_207 = tpu.memref_slice %arg36[%add3A_92, %dma_start3A_206] : memref<10112x64xf32, #tpu.memory_space<vmem_shared>> -> memref<64x64xf32, #tpu.memory_space<vmem_shared>>
      tpu.enqueue_dma source(%arg32 : memref<64x64xf32, #tpu.memory_space<vmem>>) target(%dma_start3A_207 : memref<64x64xf32, #tpu.memory_space<vmem_shared>>) target_semaphore(%run_scoped3A_204 : memref<!tpu.dma_semaphore, #tpu.memory_space<semaphore_mem>>)
      %dma_wait3A = arith.constant 0 : i32
      %dma_wait3A_208 = tpu.memref_slice %arg36[%add3A_92, %dma_wait3A] : memref<10112x64xf32, #tpu.memory_space<vmem_shared>> -> memref<64x64xf32, #tpu.memory_space<vmem_shared>>
      %dma_wait3A_209 = arith.constant 0 : i32
      %dma_wait3A_210 = tpu.memref_slice %arg36[%add3A_92, %dma_wait3A_209] : memref<10112x64xf32, #tpu.memory_space<vmem_shared>> -> memref<64x64xf32, #tpu.memory_space<vmem_shared>>
      tpu.wait_dma2 semaphore(%run_scoped3A_204 : memref<!tpu.dma_semaphore, #tpu.memory_space<semaphore_mem>>) src(%arg32 : memref<64x64xf32, #tpu.memory_space<vmem>>) dst(%dma_wait3A_210 : memref<64x64xf32, #tpu.memory_space<vmem_shared>>)
      tpu.yield
    }) : () -> ()
    %add3A_93 = arith.constant 576 : i32
    %add3A_94 = arith.addi %mul3A_74, %add3A_93 : i32
    "tpu.region"() ({
      %run_scoped3A_204 = tpu.sem_alloc : memref<!tpu.dma_semaphore, #tpu.memory_space<semaphore_mem>>
      %dma_start3A = arith.constant 0 : i32
      %dma_start3A_205 = arith.constant 0 : i32
      %dma_start3A_206 = tpu.memref_slice %arg32[%dma_start3A, %dma_start3A_205] : memref<64x64xf32, #tpu.memory_space<vmem>> -> memref<56x64xf32, #tpu.memory_space<vmem>>
      %dma_start3A_207 = arith.constant 0 : i32
      %dma_start3A_208 = tpu.memref_slice %arg36[%add3A_94, %dma_start3A_207] : memref<10112x64xf32, #tpu.memory_space<vmem_shared>> -> memref<56x64xf32, #tpu.memory_space<vmem_shared>>
      %dma_start3A_209 = arith.constant 0 : i32
      %dma_start3A_210 = tpu.memref_slice %arg36[%add3A_94, %dma_start3A_209] : memref<10112x64xf32, #tpu.memory_space<vmem_shared>> -> memref<56x64xf32, #tpu.memory_space<vmem_shared>>
      %dma_start3A_211 = arith.constant 0 : i32
      %dma_start3A_212 = arith.constant 0 : i32
      %dma_start3A_213 = tpu.memref_slice %arg32[%dma_start3A_211, %dma_start3A_212] : memref<64x64xf32, #tpu.memory_space<vmem>> -> memref<56x64xf32, #tpu.memory_space<vmem>>
      tpu.enqueue_dma source(%dma_start3A_213 : memref<56x64xf32, #tpu.memory_space<vmem>>) target(%dma_start3A_210 : memref<56x64xf32, #tpu.memory_space<vmem_shared>>) target_semaphore(%run_scoped3A_204 : memref<!tpu.dma_semaphore, #tpu.memory_space<semaphore_mem>>)
      %dma_wait3A = arith.constant 0 : i32
      %dma_wait3A_214 = arith.constant 0 : i32
      %dma_wait3A_215 = tpu.memref_slice %arg32[%dma_wait3A, %dma_wait3A_214] : memref<64x64xf32, #tpu.memory_space<vmem>> -> memref<56x64xf32, #tpu.memory_space<vmem>>
      %dma_wait3A_216 = arith.constant 0 : i32
      %dma_wait3A_217 = tpu.memref_slice %arg36[%add3A_94, %dma_wait3A_216] : memref<10112x64xf32, #tpu.memory_space<vmem_shared>> -> memref<56x64xf32, #tpu.memory_space<vmem_shared>>
      %dma_wait3A_218 = arith.constant 0 : i32
      %dma_wait3A_219 = tpu.memref_slice %arg36[%add3A_94, %dma_wait3A_218] : memref<10112x64xf32, #tpu.memory_space<vmem_shared>> -> memref<56x64xf32, #tpu.memory_space<vmem_shared>>
      %dma_wait3A_220 = arith.constant 0 : i32
      %dma_wait3A_221 = arith.constant 0 : i32
      %dma_wait3A_222 = tpu.memref_slice %arg32[%dma_wait3A_220, %dma_wait3A_221] : memref<64x64xf32, #tpu.memory_space<vmem>> -> memref<56x64xf32, #tpu.memory_space<vmem>>
      tpu.wait_dma2 semaphore(%run_scoped3A_204 : memref<!tpu.dma_semaphore, #tpu.memory_space<semaphore_mem>>) src(%dma_wait3A_222 : memref<56x64xf32, #tpu.memory_space<vmem>>) dst(%dma_wait3A_219 : memref<56x64xf32, #tpu.memory_space<vmem_shared>>)
      tpu.yield
    }) : () -> ()
    %barrier3A_95 = arith.constant 0 : index
    tpu.barrier barrier_id(%barrier3A_95)
    %scan3A_96 = arith.constant 0 : i32
    %scan3A_97 = arith.constant 0 : i32
    %scan3A_98 = arith.constant 167 : i32
    %scan3A_99 = arith.addi %scan3A_97, %scan3A_98 : i32
    %scan3A_100 = arith.constant 1 : i32
    %scan3A_101 = scf.for %scan3A_204 = %scan3A_97 to %scan3A_99 step %scan3A_100 iter_args(%scan3A_205 = %scan3A_96) -> (i32)  : i32 {
      %mul3A_206 = arith.constant 64 : i32
      %mul3A_207 = arith.muli %scan3A_204, %mul3A_206 : i32
      %dma_start3A = arith.constant 0 : i32
      %dma_start3A_208 = tpu.memref_slice %arg10[%mul3A_207] : memref<10688xi32, #tpu.memory_space<vmem>> -> memref<64xi32, #tpu.memory_space<vmem>>
      %dma_start3A_209 = arith.constant 0 : i32
      %dma_start3A_210 = arith.constant 0 : i32
      %dma_start3A_211 = tpu.memref_slice %arg4[%arg0, %dma_start3A, %dma_start3A_209, %dma_start3A_210] : memref<2x2x10000x64xf32, #tpu.memory_space<hbm>> -> memref<1x1x10000x64xf32, #tpu.memory_space<hbm>>
      %dma_start3A_212 = tpu.memref_squeeze %dma_start3A_211 : memref<1x1x10000x64xf32, #tpu.memory_space<hbm>> -> memref<10000x64xf32, #tpu.memory_space<hbm>>
      %dma_start3A_213 = arith.constant 0 : i32
      %dma_start3A_214 = arith.constant 0 : i32
      %dma_start3A_215 = tpu.memref_slice %dma_start3A_212[%dma_start3A_213, %dma_start3A_214] : memref<10000x64xf32, #tpu.memory_space<hbm>> -> memref<10000x64xf32, #tpu.memory_space<hbm>>
      tpu.enqueue_indirect_dma source(%dma_start3A_215 : memref<10000x64xf32, #tpu.memory_space<hbm>>) target(%arg14 : memref<64x64xf32, #tpu.memory_space<vmem>>) offsets(%dma_start3A_208 : memref<64xi32, #tpu.memory_space<vmem>>) semaphore(%arg38 : memref<!tpu.dma_semaphore, #tpu.memory_space<semaphore_mem>>)
      %dma_wait3A = arith.constant 0 : i32
      %dma_wait3A_216 = tpu.memref_slice %arg10[%mul3A_207] : memref<10688xi32, #tpu.memory_space<vmem>> -> memref<64xi32, #tpu.memory_space<vmem>>
      %dma_wait3A_217 = arith.constant 0 : i32
      %dma_wait3A_218 = arith.constant 0 : i32
      %dma_wait3A_219 = tpu.memref_slice %arg4[%arg0, %dma_wait3A, %dma_wait3A_217, %dma_wait3A_218] : memref<2x2x10000x64xf32, #tpu.memory_space<hbm>> -> memref<1x1x10000x64xf32, #tpu.memory_space<hbm>>
      %dma_wait3A_220 = tpu.memref_squeeze %dma_wait3A_219 : memref<1x1x10000x64xf32, #tpu.memory_space<hbm>> -> memref<10000x64xf32, #tpu.memory_space<hbm>>
      %dma_wait3A_221 = arith.constant 0 : i32
      %dma_wait3A_222 = arith.constant 0 : i32
      %dma_wait3A_223 = tpu.memref_slice %dma_wait3A_220[%dma_wait3A_221, %dma_wait3A_222] : memref<10000x64xf32, #tpu.memory_space<hbm>> -> memref<10000x64xf32, #tpu.memory_space<hbm>>
      tpu.wait_indirect_dma semaphore(%arg38 : memref<!tpu.dma_semaphore, #tpu.memory_space<semaphore_mem>>) src(%dma_wait3A_223 : memref<10000x64xf32, #tpu.memory_space<hbm>>) dst(%arg14 : memref<64x64xf32, #tpu.memory_space<vmem>>)
      %mul3A_224 = arith.constant 64 : i32
      %mul3A_225 = arith.muli %scan3A_204, %mul3A_224 : i32
      %add3A_226 = arith.constant 0 : i32
      %add3A_227 = arith.addi %mul3A_225, %add3A_226 : i32
      %get3A_228 = arith.index_cast %add3A_227 : i32 to index
      %get3A_229 = tpu.vector_load %arg11[%get3A_228] {strides = array<i32>} : memref<10688xi32, #tpu.memory_space<vmem>>, vector<16xi32>,
      %swap3A = arith.constant 0 : index
      %swap3A_230 = tpu.vector_load %arg30[%swap3A] {strides = array<i32>} : memref<64xi32, #tpu.memory_space<vmem>>, vector<16xi32>,
      tpu.vector_store %arg30[%swap3A], %get3A_229 {strides = array<i32>} : memref<64xi32, #tpu.memory_space<vmem>>, vector<16xi32>,
      %add3A_231 = arith.constant 16 : i32
      %add3A_232 = arith.addi %mul3A_225, %add3A_231 : i32
      %get3A_233 = arith.index_cast %add3A_232 : i32 to index
      %get3A_234 = tpu.vector_load %arg11[%get3A_233] {strides = array<i32>} : memref<10688xi32, #tpu.memory_space<vmem>>, vector<16xi32>,
      %swap3A_235 = arith.constant 16 : index
      %swap3A_236 = tpu.vector_load %arg30[%swap3A_235] {strides = array<i32>} : memref<64xi32, #tpu.memory_space<vmem>>, vector<16xi32>,
      tpu.vector_store %arg30[%swap3A_235], %get3A_234 {strides = array<i32>} : memref<64xi32, #tpu.memory_space<vmem>>, vector<16xi32>,
      %add3A_237 = arith.constant 32 : i32
      %add3A_238 = arith.addi %mul3A_225, %add3A_237 : i32
      %get3A_239 = arith.index_cast %add3A_238 : i32 to index
      %get3A_240 = tpu.vector_load %arg11[%get3A_239] {strides = array<i32>} : memref<10688xi32, #tpu.memory_space<vmem>>, vector<16xi32>,
      %swap3A_241 = arith.constant 32 : index
      %swap3A_242 = tpu.vector_load %arg30[%swap3A_241] {strides = array<i32>} : memref<64xi32, #tpu.memory_space<vmem>>, vector<16xi32>,
      tpu.vector_store %arg30[%swap3A_241], %get3A_240 {strides = array<i32>} : memref<64xi32, #tpu.memory_space<vmem>>, vector<16xi32>,
      %add3A_243 = arith.constant 48 : i32
      %add3A_244 = arith.addi %mul3A_225, %add3A_243 : i32
      %get3A_245 = arith.index_cast %add3A_244 : i32 to index
      %get3A_246 = tpu.vector_load %arg11[%get3A_245] {strides = array<i32>} : memref<10688xi32, #tpu.memory_space<vmem>>, vector<16xi32>,
      %swap3A_247 = arith.constant 48 : index
      %swap3A_248 = tpu.vector_load %arg30[%swap3A_247] {strides = array<i32>} : memref<64xi32, #tpu.memory_space<vmem>>, vector<16xi32>,
      tpu.vector_store %arg30[%swap3A_247], %get3A_246 {strides = array<i32>} : memref<64xi32, #tpu.memory_space<vmem>>, vector<16xi32>,
      %scan3A_249 = arith.constant 0 : i32
      %scan3A_250 = arith.constant 0 : i32
      %scan3A_251 = arith.constant 64 : i32
      %scan3A_252 = arith.addi %scan3A_250, %scan3A_251 : i32
      %scan3A_253 = arith.constant 1 : i32
      %scan3A_254 = scf.for %scan3A_257 = %scan3A_250 to %scan3A_252 step %scan3A_253 iter_args(%scan3A_258 = %scan3A_249) -> (i32)  : i32 {
        %add3A_259 = arith.addi %mul3A_225, %scan3A_257 : i32
        %broadcast_in_dim3A_260 = vector.broadcast %add3A_259 : i32 to vector<16xi32>
        %gather3A = tpu.vector_load_idx %arg12[%broadcast_in_dim3A_260] : memref<10688xf32, #tpu.memory_space<vmem>>[vector<16xi32>], vector<16xf32>,
        %get3A_261 = arith.index_cast %scan3A_257 : i32 to index
        %get3A_262 = arith.constant 0 : index
        %get3A_263 = tpu.vector_load %arg14[%get3A_261, %get3A_262] {strides = array<i32>} : memref<64x64xf32, #tpu.memory_space<vmem>>, vector<16xf32>,
        %mul3A_264 = arith.mulf %get3A_263, %gather3A : vector<16xf32>
        %swap3A_265 = arith.index_cast %scan3A_257 : i32 to index
        %swap3A_266 = arith.constant 0 : index
        %swap3A_267 = tpu.vector_load %arg14[%swap3A_265, %swap3A_266] {strides = array<i32>} : memref<64x64xf32, #tpu.memory_space<vmem>>, vector<16xf32>,
        tpu.vector_store %arg14[%swap3A_265, %swap3A_266], %mul3A_264 {strides = array<i32>} : memref<64x64xf32, #tpu.memory_space<vmem>>, vector<16xf32>,
        %get3A_268 = arith.index_cast %scan3A_257 : i32 to index
        %get3A_269 = arith.constant 16 : index
        %get3A_270 = tpu.vector_load %arg14[%get3A_268, %get3A_269] {strides = array<i32>} : memref<64x64xf32, #tpu.memory_space<vmem>>, vector<16xf32>,
        %mul3A_271 = arith.mulf %get3A_270, %gather3A : vector<16xf32>
        %swap3A_272 = arith.index_cast %scan3A_257 : i32 to index
        %swap3A_273 = arith.constant 16 : index
        %swap3A_274 = tpu.vector_load %arg14[%swap3A_272, %swap3A_273] {strides = array<i32>} : memref<64x64xf32, #tpu.memory_space<vmem>>, vector<16xf32>,
        tpu.vector_store %arg14[%swap3A_272, %swap3A_273], %mul3A_271 {strides = array<i32>} : memref<64x64xf32, #tpu.memory_space<vmem>>, vector<16xf32>,
        %get3A_275 = arith.index_cast %scan3A_257 : i32 to index
        %get3A_276 = arith.constant 32 : index
        %get3A_277 = tpu.vector_load %arg14[%get3A_275, %get3A_276] {strides = array<i32>} : memref<64x64xf32, #tpu.memory_space<vmem>>, vector<16xf32>,
        %mul3A_278 = arith.mulf %get3A_277, %gather3A : vector<16xf32>
        %swap3A_279 = arith.index_cast %scan3A_257 : i32 to index
        %swap3A_280 = arith.constant 32 : index
        %swap3A_281 = tpu.vector_load %arg14[%swap3A_279, %swap3A_280] {strides = array<i32>} : memref<64x64xf32, #tpu.memory_space<vmem>>, vector<16xf32>,
        tpu.vector_store %arg14[%swap3A_279, %swap3A_280], %mul3A_278 {strides = array<i32>} : memref<64x64xf32, #tpu.memory_space<vmem>>, vector<16xf32>,
        %get3A_282 = arith.index_cast %scan3A_257 : i32 to index
        %get3A_283 = arith.constant 48 : index
        %get3A_284 = tpu.vector_load %arg14[%get3A_282, %get3A_283] {strides = array<i32>} : memref<64x64xf32, #tpu.memory_space<vmem>>, vector<16xf32>,
        %mul3A_285 = arith.mulf %get3A_284, %gather3A : vector<16xf32>
        %swap3A_286 = arith.index_cast %scan3A_257 : i32 to index
        %swap3A_287 = arith.constant 48 : index
        %swap3A_288 = tpu.vector_load %arg14[%swap3A_286, %swap3A_287] {strides = array<i32>} : memref<64x64xf32, #tpu.memory_space<vmem>>, vector<16xf32>,
        tpu.vector_store %arg14[%swap3A_286, %swap3A_287], %mul3A_285 {strides = array<i32>} : memref<64x64xf32, #tpu.memory_space<vmem>>, vector<16xf32>,
        %scan3A_289 = arith.constant 0 : i32
        scf.yield %scan3A_289 : i32
      }
      %scan3A_255 = arith.constant 64 : i32
      "tpu.region"() ({
        %run_scoped3A_257 = tpu.sem_alloc : memref<!tpu.dma_semaphore, #tpu.memory_space<semaphore_mem>>
        %dma_start3A_258 = arith.constant 0 : i32
        %dma_start3A_259 = arith.constant 0 : i32
        %dma_start3A_260 = tpu.memref_slice %arg36[%dma_start3A_258, %dma_start3A_259] : memref<10112x64xf32, #tpu.memory_space<vmem_shared>> -> memref<10112x64xf32, #tpu.memory_space<vmem_shared>>
        tpu.enqueue_indirect_dma source(%arg14 : memref<64x64xf32, #tpu.memory_space<vmem>>) target(%dma_start3A_260 : memref<10112x64xf32, #tpu.memory_space<vmem_shared>>) offsets(%arg30 : memref<64xi32, #tpu.memory_space<vmem>>) semaphore(%run_scoped3A_257 : memref<!tpu.dma_semaphore, #tpu.memory_space<semaphore_mem>>) {add = true}
        %dma_wait3A_261 = arith.constant 0 : i32
        %dma_wait3A_262 = arith.constant 0 : i32
        %dma_wait3A_263 = tpu.memref_slice %arg36[%dma_wait3A_261, %dma_wait3A_262] : memref<10112x64xf32, #tpu.memory_space<vmem_shared>> -> memref<10112x64xf32, #tpu.memory_space<vmem_shared>>
        tpu.wait_indirect_dma semaphore(%run_scoped3A_257 : memref<!tpu.dma_semaphore, #tpu.memory_space<semaphore_mem>>) src(%arg14 : memref<64x64xf32, #tpu.memory_space<vmem>>) dst(%dma_wait3A_263 : memref<10112x64xf32, #tpu.memory_space<vmem_shared>>)
        tpu.yield
      }) : () -> ()
      %scan3A_256 = arith.constant 0 : i32
      scf.yield %scan3A_256 : i32
    }
    %scan3A_102 = arith.constant 167 : i32
    %barrier3A_103 = arith.constant 0 : index
    tpu.barrier barrier_id(%barrier3A_103)
    %run_scoped3A = arith.constant 0 : i32
    "tpu.region"() ({
      %run_scoped3A_204 = tpu.sem_alloc : memref<!tpu.dma_semaphore, #tpu.memory_space<semaphore_mem>>
      %dma_start3A = arith.constant 0 : i32
      %dma_start3A_205 = tpu.memref_slice %arg9[%arg0, %run_scoped3A, %mul3A_74, %dma_start3A] : memref<2x4x10112x64xf32, #tpu.memory_space<hbm>> -> memref<1x1x632x64xf32, #tpu.memory_space<hbm>>
      %dma_start3A_206 = tpu.memref_squeeze %dma_start3A_205 : memref<1x1x632x64xf32, #tpu.memory_space<hbm>> -> memref<632x64xf32, #tpu.memory_space<hbm>>
      %dma_start3A_207 = arith.constant 0 : i32
      %dma_start3A_208 = tpu.memref_slice %arg36[%mul3A_74, %dma_start3A_207] : memref<10112x64xf32, #tpu.memory_space<vmem_shared>> -> memref<632x64xf32, #tpu.memory_space<vmem_shared>>
      tpu.enqueue_dma source(%dma_start3A_208 : memref<632x64xf32, #tpu.memory_space<vmem_shared>>) target(%dma_start3A_206 : memref<632x64xf32, #tpu.memory_space<hbm>>) target_semaphore(%run_scoped3A_204 : memref<!tpu.dma_semaphore, #tpu.memory_space<semaphore_mem>>)
      %dma_wait3A = arith.constant 0 : i32
      %dma_wait3A_209 = tpu.memref_slice %arg9[%arg0, %run_scoped3A, %mul3A_74, %dma_wait3A] : memref<2x4x10112x64xf32, #tpu.memory_space<hbm>> -> memref<1x1x632x64xf32, #tpu.memory_space<hbm>>
      %dma_wait3A_210 = tpu.memref_squeeze %dma_wait3A_209 : memref<1x1x632x64xf32, #tpu.memory_space<hbm>> -> memref<632x64xf32, #tpu.memory_space<hbm>>
      %dma_wait3A_211 = arith.constant 0 : i32
      %dma_wait3A_212 = tpu.memref_slice %arg36[%mul3A_74, %dma_wait3A_211] : memref<10112x64xf32, #tpu.memory_space<vmem_shared>> -> memref<632x64xf32, #tpu.memory_space<vmem_shared>>
      tpu.wait_dma2 semaphore(%run_scoped3A_204 : memref<!tpu.dma_semaphore, #tpu.memory_space<semaphore_mem>>) src(%dma_wait3A_212 : memref<632x64xf32, #tpu.memory_space<vmem_shared>>) dst(%dma_wait3A_210 : memref<632x64xf32, #tpu.memory_space<hbm>>)
      tpu.yield
    }) : () -> ()
    %barrier3A_104 = arith.constant 0 : index
    tpu.barrier barrier_id(%barrier3A_104)
    %mul3A_105 = arith.constant 632 : i32
    %mul3A_106 = arith.muli %arg1, %mul3A_105 : i32
    %add3A_107 = arith.constant 0 : i32
    %add3A_108 = arith.addi %mul3A_106, %add3A_107 : i32
    "tpu.region"() ({
      %run_scoped3A_204 = tpu.sem_alloc : memref<!tpu.dma_semaphore, #tpu.memory_space<semaphore_mem>>
      %dma_start3A = arith.constant 0 : i32
      %dma_start3A_205 = tpu.memref_slice %arg36[%add3A_108, %dma_start3A] : memref<10112x64xf32, #tpu.memory_space<vmem_shared>> -> memref<64x64xf32, #tpu.memory_space<vmem_shared>>
      %dma_start3A_206 = arith.constant 0 : i32
      %dma_start3A_207 = tpu.memref_slice %arg36[%add3A_108, %dma_start3A_206] : memref<10112x64xf32, #tpu.memory_space<vmem_shared>> -> memref<64x64xf32, #tpu.memory_space<vmem_shared>>
      tpu.enqueue_dma source(%arg32 : memref<64x64xf32, #tpu.memory_space<vmem>>) target(%dma_start3A_207 : memref<64x64xf32, #tpu.memory_space<vmem_shared>>) target_semaphore(%run_scoped3A_204 : memref<!tpu.dma_semaphore, #tpu.memory_space<semaphore_mem>>)
      %dma_wait3A = arith.constant 0 : i32
      %dma_wait3A_208 = tpu.memref_slice %arg36[%add3A_108, %dma_wait3A] : memref<10112x64xf32, #tpu.memory_space<vmem_shared>> -> memref<64x64xf32, #tpu.memory_space<vmem_shared>>
      %dma_wait3A_209 = arith.constant 0 : i32
      %dma_wait3A_210 = tpu.memref_slice %arg36[%add3A_108, %dma_wait3A_209] : memref<10112x64xf32, #tpu.memory_space<vmem_shared>> -> memref<64x64xf32, #tpu.memory_space<vmem_shared>>
      tpu.wait_dma2 semaphore(%run_scoped3A_204 : memref<!tpu.dma_semaphore, #tpu.memory_space<semaphore_mem>>) src(%arg32 : memref<64x64xf32, #tpu.memory_space<vmem>>) dst(%dma_wait3A_210 : memref<64x64xf32, #tpu.memory_space<vmem_shared>>)
      tpu.yield
    }) : () -> ()
    %add3A_109 = arith.constant 64 : i32
    %add3A_110 = arith.addi %mul3A_106, %add3A_109 : i32
    "tpu.region"() ({
      %run_scoped3A_204 = tpu.sem_alloc : memref<!tpu.dma_semaphore, #tpu.memory_space<semaphore_mem>>
      %dma_start3A = arith.constant 0 : i32
      %dma_start3A_205 = tpu.memref_slice %arg36[%add3A_110, %dma_start3A] : memref<10112x64xf32, #tpu.memory_space<vmem_shared>> -> memref<64x64xf32, #tpu.memory_space<vmem_shared>>
      %dma_start3A_206 = arith.constant 0 : i32
      %dma_start3A_207 = tpu.memref_slice %arg36[%add3A_110, %dma_start3A_206] : memref<10112x64xf32, #tpu.memory_space<vmem_shared>> -> memref<64x64xf32, #tpu.memory_space<vmem_shared>>
      tpu.enqueue_dma source(%arg32 : memref<64x64xf32, #tpu.memory_space<vmem>>) target(%dma_start3A_207 : memref<64x64xf32, #tpu.memory_space<vmem_shared>>) target_semaphore(%run_scoped3A_204 : memref<!tpu.dma_semaphore, #tpu.memory_space<semaphore_mem>>)
      %dma_wait3A = arith.constant 0 : i32
      %dma_wait3A_208 = tpu.memref_slice %arg36[%add3A_110, %dma_wait3A] : memref<10112x64xf32, #tpu.memory_space<vmem_shared>> -> memref<64x64xf32, #tpu.memory_space<vmem_shared>>
      %dma_wait3A_209 = arith.constant 0 : i32
      %dma_wait3A_210 = tpu.memref_slice %arg36[%add3A_110, %dma_wait3A_209] : memref<10112x64xf32, #tpu.memory_space<vmem_shared>> -> memref<64x64xf32, #tpu.memory_space<vmem_shared>>
      tpu.wait_dma2 semaphore(%run_scoped3A_204 : memref<!tpu.dma_semaphore, #tpu.memory_space<semaphore_mem>>) src(%arg32 : memref<64x64xf32, #tpu.memory_space<vmem>>) dst(%dma_wait3A_210 : memref<64x64xf32, #tpu.memory_space<vmem_shared>>)
      tpu.yield
    }) : () -> ()
    %add3A_111 = arith.constant 128 : i32
    %add3A_112 = arith.addi %mul3A_106, %add3A_111 : i32
    "tpu.region"() ({
      %run_scoped3A_204 = tpu.sem_alloc : memref<!tpu.dma_semaphore, #tpu.memory_space<semaphore_mem>>
      %dma_start3A = arith.constant 0 : i32
      %dma_start3A_205 = tpu.memref_slice %arg36[%add3A_112, %dma_start3A] : memref<10112x64xf32, #tpu.memory_space<vmem_shared>> -> memref<64x64xf32, #tpu.memory_space<vmem_shared>>
      %dma_start3A_206 = arith.constant 0 : i32
      %dma_start3A_207 = tpu.memref_slice %arg36[%add3A_112, %dma_start3A_206] : memref<10112x64xf32, #tpu.memory_space<vmem_shared>> -> memref<64x64xf32, #tpu.memory_space<vmem_shared>>
      tpu.enqueue_dma source(%arg32 : memref<64x64xf32, #tpu.memory_space<vmem>>) target(%dma_start3A_207 : memref<64x64xf32, #tpu.memory_space<vmem_shared>>) target_semaphore(%run_scoped3A_204 : memref<!tpu.dma_semaphore, #tpu.memory_space<semaphore_mem>>)
      %dma_wait3A = arith.constant 0 : i32
      %dma_wait3A_208 = tpu.memref_slice %arg36[%add3A_112, %dma_wait3A] : memref<10112x64xf32, #tpu.memory_space<vmem_shared>> -> memref<64x64xf32, #tpu.memory_space<vmem_shared>>
      %dma_wait3A_209 = arith.constant 0 : i32
      %dma_wait3A_210 = tpu.memref_slice %arg36[%add3A_112, %dma_wait3A_209] : memref<10112x64xf32, #tpu.memory_space<vmem_shared>> -> memref<64x64xf32, #tpu.memory_space<vmem_shared>>
      tpu.wait_dma2 semaphore(%run_scoped3A_204 : memref<!tpu.dma_semaphore, #tpu.memory_space<semaphore_mem>>) src(%arg32 : memref<64x64xf32, #tpu.memory_space<vmem>>) dst(%dma_wait3A_210 : memref<64x64xf32, #tpu.memory_space<vmem_shared>>)
      tpu.yield
    }) : () -> ()
    %add3A_113 = arith.constant 192 : i32
    %add3A_114 = arith.addi %mul3A_106, %add3A_113 : i32
    "tpu.region"() ({
      %run_scoped3A_204 = tpu.sem_alloc : memref<!tpu.dma_semaphore, #tpu.memory_space<semaphore_mem>>
      %dma_start3A = arith.constant 0 : i32
      %dma_start3A_205 = tpu.memref_slice %arg36[%add3A_114, %dma_start3A] : memref<10112x64xf32, #tpu.memory_space<vmem_shared>> -> memref<64x64xf32, #tpu.memory_space<vmem_shared>>
      %dma_start3A_206 = arith.constant 0 : i32
      %dma_start3A_207 = tpu.memref_slice %arg36[%add3A_114, %dma_start3A_206] : memref<10112x64xf32, #tpu.memory_space<vmem_shared>> -> memref<64x64xf32, #tpu.memory_space<vmem_shared>>
      tpu.enqueue_dma source(%arg32 : memref<64x64xf32, #tpu.memory_space<vmem>>) target(%dma_start3A_207 : memref<64x64xf32, #tpu.memory_space<vmem_shared>>) target_semaphore(%run_scoped3A_204 : memref<!tpu.dma_semaphore, #tpu.memory_space<semaphore_mem>>)
      %dma_wait3A = arith.constant 0 : i32
      %dma_wait3A_208 = tpu.memref_slice %arg36[%add3A_114, %dma_wait3A] : memref<10112x64xf32, #tpu.memory_space<vmem_shared>> -> memref<64x64xf32, #tpu.memory_space<vmem_shared>>
      %dma_wait3A_209 = arith.constant 0 : i32
      %dma_wait3A_210 = tpu.memref_slice %arg36[%add3A_114, %dma_wait3A_209] : memref<10112x64xf32, #tpu.memory_space<vmem_shared>> -> memref<64x64xf32, #tpu.memory_space<vmem_shared>>
      tpu.wait_dma2 semaphore(%run_scoped3A_204 : memref<!tpu.dma_semaphore, #tpu.memory_space<semaphore_mem>>) src(%arg32 : memref<64x64xf32, #tpu.memory_space<vmem>>) dst(%dma_wait3A_210 : memref<64x64xf32, #tpu.memory_space<vmem_shared>>)
      tpu.yield
    }) : () -> ()
    %add3A_115 = arith.constant 256 : i32
    %add3A_116 = arith.addi %mul3A_106, %add3A_115 : i32
    "tpu.region"() ({
      %run_scoped3A_204 = tpu.sem_alloc : memref<!tpu.dma_semaphore, #tpu.memory_space<semaphore_mem>>
      %dma_start3A = arith.constant 0 : i32
      %dma_start3A_205 = tpu.memref_slice %arg36[%add3A_116, %dma_start3A] : memref<10112x64xf32, #tpu.memory_space<vmem_shared>> -> memref<64x64xf32, #tpu.memory_space<vmem_shared>>
      %dma_start3A_206 = arith.constant 0 : i32
      %dma_start3A_207 = tpu.memref_slice %arg36[%add3A_116, %dma_start3A_206] : memref<10112x64xf32, #tpu.memory_space<vmem_shared>> -> memref<64x64xf32, #tpu.memory_space<vmem_shared>>
      tpu.enqueue_dma source(%arg32 : memref<64x64xf32, #tpu.memory_space<vmem>>) target(%dma_start3A_207 : memref<64x64xf32, #tpu.memory_space<vmem_shared>>) target_semaphore(%run_scoped3A_204 : memref<!tpu.dma_semaphore, #tpu.memory_space<semaphore_mem>>)
      %dma_wait3A = arith.constant 0 : i32
      %dma_wait3A_208 = tpu.memref_slice %arg36[%add3A_116, %dma_wait3A] : memref<10112x64xf32, #tpu.memory_space<vmem_shared>> -> memref<64x64xf32, #tpu.memory_space<vmem_shared>>
      %dma_wait3A_209 = arith.constant 0 : i32
      %dma_wait3A_210 = tpu.memref_slice %arg36[%add3A_116, %dma_wait3A_209] : memref<10112x64xf32, #tpu.memory_space<vmem_shared>> -> memref<64x64xf32, #tpu.memory_space<vmem_shared>>
      tpu.wait_dma2 semaphore(%run_scoped3A_204 : memref<!tpu.dma_semaphore, #tpu.memory_space<semaphore_mem>>) src(%arg32 : memref<64x64xf32, #tpu.memory_space<vmem>>) dst(%dma_wait3A_210 : memref<64x64xf32, #tpu.memory_space<vmem_shared>>)
      tpu.yield
    }) : () -> ()
    %add3A_117 = arith.constant 320 : i32
    %add3A_118 = arith.addi %mul3A_106, %add3A_117 : i32
    "tpu.region"() ({
      %run_scoped3A_204 = tpu.sem_alloc : memref<!tpu.dma_semaphore, #tpu.memory_space<semaphore_mem>>
      %dma_start3A = arith.constant 0 : i32
      %dma_start3A_205 = tpu.memref_slice %arg36[%add3A_118, %dma_start3A] : memref<10112x64xf32, #tpu.memory_space<vmem_shared>> -> memref<64x64xf32, #tpu.memory_space<vmem_shared>>
      %dma_start3A_206 = arith.constant 0 : i32
      %dma_start3A_207 = tpu.memref_slice %arg36[%add3A_118, %dma_start3A_206] : memref<10112x64xf32, #tpu.memory_space<vmem_shared>> -> memref<64x64xf32, #tpu.memory_space<vmem_shared>>
      tpu.enqueue_dma source(%arg32 : memref<64x64xf32, #tpu.memory_space<vmem>>) target(%dma_start3A_207 : memref<64x64xf32, #tpu.memory_space<vmem_shared>>) target_semaphore(%run_scoped3A_204 : memref<!tpu.dma_semaphore, #tpu.memory_space<semaphore_mem>>)
      %dma_wait3A = arith.constant 0 : i32
      %dma_wait3A_208 = tpu.memref_slice %arg36[%add3A_118, %dma_wait3A] : memref<10112x64xf32, #tpu.memory_space<vmem_shared>> -> memref<64x64xf32, #tpu.memory_space<vmem_shared>>
      %dma_wait3A_209 = arith.constant 0 : i32
      %dma_wait3A_210 = tpu.memref_slice %arg36[%add3A_118, %dma_wait3A_209] : memref<10112x64xf32, #tpu.memory_space<vmem_shared>> -> memref<64x64xf32, #tpu.memory_space<vmem_shared>>
      tpu.wait_dma2 semaphore(%run_scoped3A_204 : memref<!tpu.dma_semaphore, #tpu.memory_space<semaphore_mem>>) src(%arg32 : memref<64x64xf32, #tpu.memory_space<vmem>>) dst(%dma_wait3A_210 : memref<64x64xf32, #tpu.memory_space<vmem_shared>>)
      tpu.yield
    }) : () -> ()
    %add3A_119 = arith.constant 384 : i32
    %add3A_120 = arith.addi %mul3A_106, %add3A_119 : i32
    "tpu.region"() ({
      %run_scoped3A_204 = tpu.sem_alloc : memref<!tpu.dma_semaphore, #tpu.memory_space<semaphore_mem>>
      %dma_start3A = arith.constant 0 : i32
      %dma_start3A_205 = tpu.memref_slice %arg36[%add3A_120, %dma_start3A] : memref<10112x64xf32, #tpu.memory_space<vmem_shared>> -> memref<64x64xf32, #tpu.memory_space<vmem_shared>>
      %dma_start3A_206 = arith.constant 0 : i32
      %dma_start3A_207 = tpu.memref_slice %arg36[%add3A_120, %dma_start3A_206] : memref<10112x64xf32, #tpu.memory_space<vmem_shared>> -> memref<64x64xf32, #tpu.memory_space<vmem_shared>>
      tpu.enqueue_dma source(%arg32 : memref<64x64xf32, #tpu.memory_space<vmem>>) target(%dma_start3A_207 : memref<64x64xf32, #tpu.memory_space<vmem_shared>>) target_semaphore(%run_scoped3A_204 : memref<!tpu.dma_semaphore, #tpu.memory_space<semaphore_mem>>)
      %dma_wait3A = arith.constant 0 : i32
      %dma_wait3A_208 = tpu.memref_slice %arg36[%add3A_120, %dma_wait3A] : memref<10112x64xf32, #tpu.memory_space<vmem_shared>> -> memref<64x64xf32, #tpu.memory_space<vmem_shared>>
      %dma_wait3A_209 = arith.constant 0 : i32
      %dma_wait3A_210 = tpu.memref_slice %arg36[%add3A_120, %dma_wait3A_209] : memref<10112x64xf32, #tpu.memory_space<vmem_shared>> -> memref<64x64xf32, #tpu.memory_space<vmem_shared>>
      tpu.wait_dma2 semaphore(%run_scoped3A_204 : memref<!tpu.dma_semaphore, #tpu.memory_space<semaphore_mem>>) src(%arg32 : memref<64x64xf32, #tpu.memory_space<vmem>>) dst(%dma_wait3A_210 : memref<64x64xf32, #tpu.memory_space<vmem_shared>>)
      tpu.yield
    }) : () -> ()
    %add3A_121 = arith.constant 448 : i32
    %add3A_122 = arith.addi %mul3A_106, %add3A_121 : i32
    "tpu.region"() ({
      %run_scoped3A_204 = tpu.sem_alloc : memref<!tpu.dma_semaphore, #tpu.memory_space<semaphore_mem>>
      %dma_start3A = arith.constant 0 : i32
      %dma_start3A_205 = tpu.memref_slice %arg36[%add3A_122, %dma_start3A] : memref<10112x64xf32, #tpu.memory_space<vmem_shared>> -> memref<64x64xf32, #tpu.memory_space<vmem_shared>>
      %dma_start3A_206 = arith.constant 0 : i32
      %dma_start3A_207 = tpu.memref_slice %arg36[%add3A_122, %dma_start3A_206] : memref<10112x64xf32, #tpu.memory_space<vmem_shared>> -> memref<64x64xf32, #tpu.memory_space<vmem_shared>>
      tpu.enqueue_dma source(%arg32 : memref<64x64xf32, #tpu.memory_space<vmem>>) target(%dma_start3A_207 : memref<64x64xf32, #tpu.memory_space<vmem_shared>>) target_semaphore(%run_scoped3A_204 : memref<!tpu.dma_semaphore, #tpu.memory_space<semaphore_mem>>)
      %dma_wait3A = arith.constant 0 : i32
      %dma_wait3A_208 = tpu.memref_slice %arg36[%add3A_122, %dma_wait3A] : memref<10112x64xf32, #tpu.memory_space<vmem_shared>> -> memref<64x64xf32, #tpu.memory_space<vmem_shared>>
      %dma_wait3A_209 = arith.constant 0 : i32
      %dma_wait3A_210 = tpu.memref_slice %arg36[%add3A_122, %dma_wait3A_209] : memref<10112x64xf32, #tpu.memory_space<vmem_shared>> -> memref<64x64xf32, #tpu.memory_space<vmem_shared>>
      tpu.wait_dma2 semaphore(%run_scoped3A_204 : memref<!tpu.dma_semaphore, #tpu.memory_space<semaphore_mem>>) src(%arg32 : memref<64x64xf32, #tpu.memory_space<vmem>>) dst(%dma_wait3A_210 : memref<64x64xf32, #tpu.memory_space<vmem_shared>>)
      tpu.yield
    }) : () -> ()
    %add3A_123 = arith.constant 512 : i32
    %add3A_124 = arith.addi %mul3A_106, %add3A_123 : i32
    "tpu.region"() ({
      %run_scoped3A_204 = tpu.sem_alloc : memref<!tpu.dma_semaphore, #tpu.memory_space<semaphore_mem>>
      %dma_start3A = arith.constant 0 : i32
      %dma_start3A_205 = tpu.memref_slice %arg36[%add3A_124, %dma_start3A] : memref<10112x64xf32, #tpu.memory_space<vmem_shared>> -> memref<64x64xf32, #tpu.memory_space<vmem_shared>>
      %dma_start3A_206 = arith.constant 0 : i32
      %dma_start3A_207 = tpu.memref_slice %arg36[%add3A_124, %dma_start3A_206] : memref<10112x64xf32, #tpu.memory_space<vmem_shared>> -> memref<64x64xf32, #tpu.memory_space<vmem_shared>>
      tpu.enqueue_dma source(%arg32 : memref<64x64xf32, #tpu.memory_space<vmem>>) target(%dma_start3A_207 : memref<64x64xf32, #tpu.memory_space<vmem_shared>>) target_semaphore(%run_scoped3A_204 : memref<!tpu.dma_semaphore, #tpu.memory_space<semaphore_mem>>)
      %dma_wait3A = arith.constant 0 : i32
      %dma_wait3A_208 = tpu.memref_slice %arg36[%add3A_124, %dma_wait3A] : memref<10112x64xf32, #tpu.memory_space<vmem_shared>> -> memref<64x64xf32, #tpu.memory_space<vmem_shared>>
      %dma_wait3A_209 = arith.constant 0 : i32
      %dma_wait3A_210 = tpu.memref_slice %arg36[%add3A_124, %dma_wait3A_209] : memref<10112x64xf32, #tpu.memory_space<vmem_shared>> -> memref<64x64xf32, #tpu.memory_space<vmem_shared>>
      tpu.wait_dma2 semaphore(%run_scoped3A_204 : memref<!tpu.dma_semaphore, #tpu.memory_space<semaphore_mem>>) src(%arg32 : memref<64x64xf32, #tpu.memory_space<vmem>>) dst(%dma_wait3A_210 : memref<64x64xf32, #tpu.memory_space<vmem_shared>>)
      tpu.yield
    }) : () -> ()
    %add3A_125 = arith.constant 576 : i32
    %add3A_126 = arith.addi %mul3A_106, %add3A_125 : i32
    "tpu.region"() ({
      %run_scoped3A_204 = tpu.sem_alloc : memref<!tpu.dma_semaphore, #tpu.memory_space<semaphore_mem>>
      %dma_start3A = arith.constant 0 : i32
      %dma_start3A_205 = arith.constant 0 : i32
      %dma_start3A_206 = tpu.memref_slice %arg32[%dma_start3A, %dma_start3A_205] : memref<64x64xf32, #tpu.memory_space<vmem>> -> memref<56x64xf32, #tpu.memory_space<vmem>>
      %dma_start3A_207 = arith.constant 0 : i32
      %dma_start3A_208 = tpu.memref_slice %arg36[%add3A_126, %dma_start3A_207] : memref<10112x64xf32, #tpu.memory_space<vmem_shared>> -> memref<56x64xf32, #tpu.memory_space<vmem_shared>>
      %dma_start3A_209 = arith.constant 0 : i32
      %dma_start3A_210 = tpu.memref_slice %arg36[%add3A_126, %dma_start3A_209] : memref<10112x64xf32, #tpu.memory_space<vmem_shared>> -> memref<56x64xf32, #tpu.memory_space<vmem_shared>>
      %dma_start3A_211 = arith.constant 0 : i32
      %dma_start3A_212 = arith.constant 0 : i32
      %dma_start3A_213 = tpu.memref_slice %arg32[%dma_start3A_211, %dma_start3A_212] : memref<64x64xf32, #tpu.memory_space<vmem>> -> memref<56x64xf32, #tpu.memory_space<vmem>>
      tpu.enqueue_dma source(%dma_start3A_213 : memref<56x64xf32, #tpu.memory_space<vmem>>) target(%dma_start3A_210 : memref<56x64xf32, #tpu.memory_space<vmem_shared>>) target_semaphore(%run_scoped3A_204 : memref<!tpu.dma_semaphore, #tpu.memory_space<semaphore_mem>>)
      %dma_wait3A = arith.constant 0 : i32
      %dma_wait3A_214 = arith.constant 0 : i32
      %dma_wait3A_215 = tpu.memref_slice %arg32[%dma_wait3A, %dma_wait3A_214] : memref<64x64xf32, #tpu.memory_space<vmem>> -> memref<56x64xf32, #tpu.memory_space<vmem>>
      %dma_wait3A_216 = arith.constant 0 : i32
      %dma_wait3A_217 = tpu.memref_slice %arg36[%add3A_126, %dma_wait3A_216] : memref<10112x64xf32, #tpu.memory_space<vmem_shared>> -> memref<56x64xf32, #tpu.memory_space<vmem_shared>>
      %dma_wait3A_218 = arith.constant 0 : i32
      %dma_wait3A_219 = tpu.memref_slice %arg36[%add3A_126, %dma_wait3A_218] : memref<10112x64xf32, #tpu.memory_space<vmem_shared>> -> memref<56x64xf32, #tpu.memory_space<vmem_shared>>
      %dma_wait3A_220 = arith.constant 0 : i32
      %dma_wait3A_221 = arith.constant 0 : i32
      %dma_wait3A_222 = tpu.memref_slice %arg32[%dma_wait3A_220, %dma_wait3A_221] : memref<64x64xf32, #tpu.memory_space<vmem>> -> memref<56x64xf32, #tpu.memory_space<vmem>>
      tpu.wait_dma2 semaphore(%run_scoped3A_204 : memref<!tpu.dma_semaphore, #tpu.memory_space<semaphore_mem>>) src(%dma_wait3A_222 : memref<56x64xf32, #tpu.memory_space<vmem>>) dst(%dma_wait3A_219 : memref<56x64xf32, #tpu.memory_space<vmem_shared>>)
      tpu.yield
    }) : () -> ()
    %barrier3A_127 = arith.constant 0 : index
    tpu.barrier barrier_id(%barrier3A_127)
    %scan3A_128 = arith.constant 0 : i32
    %scan3A_129 = arith.constant 0 : i32
    %scan3A_130 = arith.constant 167 : i32
    %scan3A_131 = arith.addi %scan3A_129, %scan3A_130 : i32
    %scan3A_132 = arith.constant 1 : i32
    %scan3A_133 = scf.for %scan3A_204 = %scan3A_129 to %scan3A_131 step %scan3A_132 iter_args(%scan3A_205 = %scan3A_128) -> (i32)  : i32 {
      %mul3A_206 = arith.constant 64 : i32
      %mul3A_207 = arith.muli %scan3A_204, %mul3A_206 : i32
      %dma_start3A = arith.constant 0 : i32
      %dma_start3A_208 = tpu.memref_slice %arg10[%mul3A_207] : memref<10688xi32, #tpu.memory_space<vmem>> -> memref<64xi32, #tpu.memory_space<vmem>>
      %dma_start3A_209 = arith.constant 0 : i32
      %dma_start3A_210 = arith.constant 0 : i32
      %dma_start3A_211 = tpu.memref_slice %arg5[%arg0, %dma_start3A, %dma_start3A_209, %dma_start3A_210] : memref<2x2x10000x64xf32, #tpu.memory_space<hbm>> -> memref<1x1x10000x64xf32, #tpu.memory_space<hbm>>
      %dma_start3A_212 = tpu.memref_squeeze %dma_start3A_211 : memref<1x1x10000x64xf32, #tpu.memory_space<hbm>> -> memref<10000x64xf32, #tpu.memory_space<hbm>>
      %dma_start3A_213 = arith.constant 0 : i32
      %dma_start3A_214 = arith.constant 0 : i32
      %dma_start3A_215 = tpu.memref_slice %dma_start3A_212[%dma_start3A_213, %dma_start3A_214] : memref<10000x64xf32, #tpu.memory_space<hbm>> -> memref<10000x64xf32, #tpu.memory_space<hbm>>
      tpu.enqueue_indirect_dma source(%dma_start3A_215 : memref<10000x64xf32, #tpu.memory_space<hbm>>) target(%arg14 : memref<64x64xf32, #tpu.memory_space<vmem>>) offsets(%dma_start3A_208 : memref<64xi32, #tpu.memory_space<vmem>>) semaphore(%arg38 : memref<!tpu.dma_semaphore, #tpu.memory_space<semaphore_mem>>)
      %dma_wait3A = arith.constant 0 : i32
      %dma_wait3A_216 = tpu.memref_slice %arg10[%mul3A_207] : memref<10688xi32, #tpu.memory_space<vmem>> -> memref<64xi32, #tpu.memory_space<vmem>>
      %dma_wait3A_217 = arith.constant 0 : i32
      %dma_wait3A_218 = arith.constant 0 : i32
      %dma_wait3A_219 = tpu.memref_slice %arg5[%arg0, %dma_wait3A, %dma_wait3A_217, %dma_wait3A_218] : memref<2x2x10000x64xf32, #tpu.memory_space<hbm>> -> memref<1x1x10000x64xf32, #tpu.memory_space<hbm>>
      %dma_wait3A_220 = tpu.memref_squeeze %dma_wait3A_219 : memref<1x1x10000x64xf32, #tpu.memory_space<hbm>> -> memref<10000x64xf32, #tpu.memory_space<hbm>>
      %dma_wait3A_221 = arith.constant 0 : i32
      %dma_wait3A_222 = arith.constant 0 : i32
      %dma_wait3A_223 = tpu.memref_slice %dma_wait3A_220[%dma_wait3A_221, %dma_wait3A_222] : memref<10000x64xf32, #tpu.memory_space<hbm>> -> memref<10000x64xf32, #tpu.memory_space<hbm>>
      tpu.wait_indirect_dma semaphore(%arg38 : memref<!tpu.dma_semaphore, #tpu.memory_space<semaphore_mem>>) src(%dma_wait3A_223 : memref<10000x64xf32, #tpu.memory_space<hbm>>) dst(%arg14 : memref<64x64xf32, #tpu.memory_space<vmem>>)
      %mul3A_224 = arith.constant 64 : i32
      %mul3A_225 = arith.muli %scan3A_204, %mul3A_224 : i32
      %add3A_226 = arith.constant 0 : i32
      %add3A_227 = arith.addi %mul3A_225, %add3A_226 : i32
      %get3A_228 = arith.index_cast %add3A_227 : i32 to index
      %get3A_229 = tpu.vector_load %arg11[%get3A_228] {strides = array<i32>} : memref<10688xi32, #tpu.memory_space<vmem>>, vector<16xi32>,
      %swap3A = arith.constant 0 : index
      %swap3A_230 = tpu.vector_load %arg30[%swap3A] {strides = array<i32>} : memref<64xi32, #tpu.memory_space<vmem>>, vector<16xi32>,
      tpu.vector_store %arg30[%swap3A], %get3A_229 {strides = array<i32>} : memref<64xi32, #tpu.memory_space<vmem>>, vector<16xi32>,
      %add3A_231 = arith.constant 16 : i32
      %add3A_232 = arith.addi %mul3A_225, %add3A_231 : i32
      %get3A_233 = arith.index_cast %add3A_232 : i32 to index
      %get3A_234 = tpu.vector_load %arg11[%get3A_233] {strides = array<i32>} : memref<10688xi32, #tpu.memory_space<vmem>>, vector<16xi32>,
      %swap3A_235 = arith.constant 16 : index
      %swap3A_236 = tpu.vector_load %arg30[%swap3A_235] {strides = array<i32>} : memref<64xi32, #tpu.memory_space<vmem>>, vector<16xi32>,
      tpu.vector_store %arg30[%swap3A_235], %get3A_234 {strides = array<i32>} : memref<64xi32, #tpu.memory_space<vmem>>, vector<16xi32>,
      %add3A_237 = arith.constant 32 : i32
      %add3A_238 = arith.addi %mul3A_225, %add3A_237 : i32
      %get3A_239 = arith.index_cast %add3A_238 : i32 to index
      %get3A_240 = tpu.vector_load %arg11[%get3A_239] {strides = array<i32>} : memref<10688xi32, #tpu.memory_space<vmem>>, vector<16xi32>,
      %swap3A_241 = arith.constant 32 : index
      %swap3A_242 = tpu.vector_load %arg30[%swap3A_241] {strides = array<i32>} : memref<64xi32, #tpu.memory_space<vmem>>, vector<16xi32>,
      tpu.vector_store %arg30[%swap3A_241], %get3A_240 {strides = array<i32>} : memref<64xi32, #tpu.memory_space<vmem>>, vector<16xi32>,
      %add3A_243 = arith.constant 48 : i32
      %add3A_244 = arith.addi %mul3A_225, %add3A_243 : i32
      %get3A_245 = arith.index_cast %add3A_244 : i32 to index
      %get3A_246 = tpu.vector_load %arg11[%get3A_245] {strides = array<i32>} : memref<10688xi32, #tpu.memory_space<vmem>>, vector<16xi32>,
      %swap3A_247 = arith.constant 48 : index
      %swap3A_248 = tpu.vector_load %arg30[%swap3A_247] {strides = array<i32>} : memref<64xi32, #tpu.memory_space<vmem>>, vector<16xi32>,
      tpu.vector_store %arg30[%swap3A_247], %get3A_246 {strides = array<i32>} : memref<64xi32, #tpu.memory_space<vmem>>, vector<16xi32>,
      %scan3A_249 = arith.constant 0 : i32
      %scan3A_250 = arith.constant 0 : i32
      %scan3A_251 = arith.constant 64 : i32
      %scan3A_252 = arith.addi %scan3A_250, %scan3A_251 : i32
      %scan3A_253 = arith.constant 1 : i32
      %scan3A_254 = scf.for %scan3A_257 = %scan3A_250 to %scan3A_252 step %scan3A_253 iter_args(%scan3A_258 = %scan3A_249) -> (i32)  : i32 {
        %add3A_259 = arith.addi %mul3A_225, %scan3A_257 : i32
        %broadcast_in_dim3A_260 = vector.broadcast %add3A_259 : i32 to vector<16xi32>
        %gather3A = tpu.vector_load_idx %arg12[%broadcast_in_dim3A_260] : memref<10688xf32, #tpu.memory_space<vmem>>[vector<16xi32>], vector<16xf32>,
        %get3A_261 = arith.index_cast %scan3A_257 : i32 to index
        %get3A_262 = arith.constant 0 : index
        %get3A_263 = tpu.vector_load %arg14[%get3A_261, %get3A_262] {strides = array<i32>} : memref<64x64xf32, #tpu.memory_space<vmem>>, vector<16xf32>,
        %mul3A_264 = arith.mulf %get3A_263, %gather3A : vector<16xf32>
        %swap3A_265 = arith.index_cast %scan3A_257 : i32 to index
        %swap3A_266 = arith.constant 0 : index
        %swap3A_267 = tpu.vector_load %arg14[%swap3A_265, %swap3A_266] {strides = array<i32>} : memref<64x64xf32, #tpu.memory_space<vmem>>, vector<16xf32>,
        tpu.vector_store %arg14[%swap3A_265, %swap3A_266], %mul3A_264 {strides = array<i32>} : memref<64x64xf32, #tpu.memory_space<vmem>>, vector<16xf32>,
        %get3A_268 = arith.index_cast %scan3A_257 : i32 to index
        %get3A_269 = arith.constant 16 : index
        %get3A_270 = tpu.vector_load %arg14[%get3A_268, %get3A_269] {strides = array<i32>} : memref<64x64xf32, #tpu.memory_space<vmem>>, vector<16xf32>,
        %mul3A_271 = arith.mulf %get3A_270, %gather3A : vector<16xf32>
        %swap3A_272 = arith.index_cast %scan3A_257 : i32 to index
        %swap3A_273 = arith.constant 16 : index
        %swap3A_274 = tpu.vector_load %arg14[%swap3A_272, %swap3A_273] {strides = array<i32>} : memref<64x64xf32, #tpu.memory_space<vmem>>, vector<16xf32>,
        tpu.vector_store %arg14[%swap3A_272, %swap3A_273], %mul3A_271 {strides = array<i32>} : memref<64x64xf32, #tpu.memory_space<vmem>>, vector<16xf32>,
        %get3A_275 = arith.index_cast %scan3A_257 : i32 to index
        %get3A_276 = arith.constant 32 : index
        %get3A_277 = tpu.vector_load %arg14[%get3A_275, %get3A_276] {strides = array<i32>} : memref<64x64xf32, #tpu.memory_space<vmem>>, vector<16xf32>,
        %mul3A_278 = arith.mulf %get3A_277, %gather3A : vector<16xf32>
        %swap3A_279 = arith.index_cast %scan3A_257 : i32 to index
        %swap3A_280 = arith.constant 32 : index
        %swap3A_281 = tpu.vector_load %arg14[%swap3A_279, %swap3A_280] {strides = array<i32>} : memref<64x64xf32, #tpu.memory_space<vmem>>, vector<16xf32>,
        tpu.vector_store %arg14[%swap3A_279, %swap3A_280], %mul3A_278 {strides = array<i32>} : memref<64x64xf32, #tpu.memory_space<vmem>>, vector<16xf32>,
        %get3A_282 = arith.index_cast %scan3A_257 : i32 to index
        %get3A_283 = arith.constant 48 : index
        %get3A_284 = tpu.vector_load %arg14[%get3A_282, %get3A_283] {strides = array<i32>} : memref<64x64xf32, #tpu.memory_space<vmem>>, vector<16xf32>,
        %mul3A_285 = arith.mulf %get3A_284, %gather3A : vector<16xf32>
        %swap3A_286 = arith.index_cast %scan3A_257 : i32 to index
        %swap3A_287 = arith.constant 48 : index
        %swap3A_288 = tpu.vector_load %arg14[%swap3A_286, %swap3A_287] {strides = array<i32>} : memref<64x64xf32, #tpu.memory_space<vmem>>, vector<16xf32>,
        tpu.vector_store %arg14[%swap3A_286, %swap3A_287], %mul3A_285 {strides = array<i32>} : memref<64x64xf32, #tpu.memory_space<vmem>>, vector<16xf32>,
        %scan3A_289 = arith.constant 0 : i32
        scf.yield %scan3A_289 : i32
      }
      %scan3A_255 = arith.constant 64 : i32
      "tpu.region"() ({
        %run_scoped3A_257 = tpu.sem_alloc : memref<!tpu.dma_semaphore, #tpu.memory_space<semaphore_mem>>
        %dma_start3A_258 = arith.constant 0 : i32
        %dma_start3A_259 = arith.constant 0 : i32
        %dma_start3A_260 = tpu.memref_slice %arg36[%dma_start3A_258, %dma_start3A_259] : memref<10112x64xf32, #tpu.memory_space<vmem_shared>> -> memref<10112x64xf32, #tpu.memory_space<vmem_shared>>
        tpu.enqueue_indirect_dma source(%arg14 : memref<64x64xf32, #tpu.memory_space<vmem>>) target(%dma_start3A_260 : memref<10112x64xf32, #tpu.memory_space<vmem_shared>>) offsets(%arg30 : memref<64xi32, #tpu.memory_space<vmem>>) semaphore(%run_scoped3A_257 : memref<!tpu.dma_semaphore, #tpu.memory_space<semaphore_mem>>) {add = true}
        %dma_wait3A_261 = arith.constant 0 : i32
        %dma_wait3A_262 = arith.constant 0 : i32
        %dma_wait3A_263 = tpu.memref_slice %arg36[%dma_wait3A_261, %dma_wait3A_262] : memref<10112x64xf32, #tpu.memory_space<vmem_shared>> -> memref<10112x64xf32, #tpu.memory_space<vmem_shared>>
        tpu.wait_indirect_dma semaphore(%run_scoped3A_257 : memref<!tpu.dma_semaphore, #tpu.memory_space<semaphore_mem>>) src(%arg14 : memref<64x64xf32, #tpu.memory_space<vmem>>) dst(%dma_wait3A_263 : memref<10112x64xf32, #tpu.memory_space<vmem_shared>>)
        tpu.yield
      }) : () -> ()
      %scan3A_256 = arith.constant 0 : i32
      scf.yield %scan3A_256 : i32
    }
    %scan3A_134 = arith.constant 167 : i32
    %barrier3A_135 = arith.constant 0 : index
    tpu.barrier barrier_id(%barrier3A_135)
    %run_scoped3A_136 = arith.constant 1 : i32
    "tpu.region"() ({
      %run_scoped3A_204 = tpu.sem_alloc : memref<!tpu.dma_semaphore, #tpu.memory_space<semaphore_mem>>
      %dma_start3A = arith.constant 0 : i32
      %dma_start3A_205 = tpu.memref_slice %arg9[%arg0, %run_scoped3A_136, %mul3A_106, %dma_start3A] : memref<2x4x10112x64xf32, #tpu.memory_space<hbm>> -> memref<1x1x632x64xf32, #tpu.memory_space<hbm>>
      %dma_start3A_206 = tpu.memref_squeeze %dma_start3A_205 : memref<1x1x632x64xf32, #tpu.memory_space<hbm>> -> memref<632x64xf32, #tpu.memory_space<hbm>>
      %dma_start3A_207 = arith.constant 0 : i32
      %dma_start3A_208 = tpu.memref_slice %arg36[%mul3A_106, %dma_start3A_207] : memref<10112x64xf32, #tpu.memory_space<vmem_shared>> -> memref<632x64xf32, #tpu.memory_space<vmem_shared>>
      tpu.enqueue_dma source(%dma_start3A_208 : memref<632x64xf32, #tpu.memory_space<vmem_shared>>) target(%dma_start3A_206 : memref<632x64xf32, #tpu.memory_space<hbm>>) target_semaphore(%run_scoped3A_204 : memref<!tpu.dma_semaphore, #tpu.memory_space<semaphore_mem>>)
      %dma_wait3A = arith.constant 0 : i32
      %dma_wait3A_209 = tpu.memref_slice %arg9[%arg0, %run_scoped3A_136, %mul3A_106, %dma_wait3A] : memref<2x4x10112x64xf32, #tpu.memory_space<hbm>> -> memref<1x1x632x64xf32, #tpu.memory_space<hbm>>
      %dma_wait3A_210 = tpu.memref_squeeze %dma_wait3A_209 : memref<1x1x632x64xf32, #tpu.memory_space<hbm>> -> memref<632x64xf32, #tpu.memory_space<hbm>>
      %dma_wait3A_211 = arith.constant 0 : i32
      %dma_wait3A_212 = tpu.memref_slice %arg36[%mul3A_106, %dma_wait3A_211] : memref<10112x64xf32, #tpu.memory_space<vmem_shared>> -> memref<632x64xf32, #tpu.memory_space<vmem_shared>>
      tpu.wait_dma2 semaphore(%run_scoped3A_204 : memref<!tpu.dma_semaphore, #tpu.memory_space<semaphore_mem>>) src(%dma_wait3A_212 : memref<632x64xf32, #tpu.memory_space<vmem_shared>>) dst(%dma_wait3A_210 : memref<632x64xf32, #tpu.memory_space<hbm>>)
      tpu.yield
    }) : () -> ()
    %barrier3A_137 = arith.constant 0 : index
    tpu.barrier barrier_id(%barrier3A_137)
    %mul3A_138 = arith.constant 632 : i32
    %mul3A_139 = arith.muli %arg1, %mul3A_138 : i32
    %add3A_140 = arith.constant 0 : i32
    %add3A_141 = arith.addi %mul3A_139, %add3A_140 : i32
    "tpu.region"() ({
      %run_scoped3A_204 = tpu.sem_alloc : memref<!tpu.dma_semaphore, #tpu.memory_space<semaphore_mem>>
      %dma_start3A = arith.constant 0 : i32
      %dma_start3A_205 = tpu.memref_slice %arg36[%add3A_141, %dma_start3A] : memref<10112x64xf32, #tpu.memory_space<vmem_shared>> -> memref<64x64xf32, #tpu.memory_space<vmem_shared>>
      %dma_start3A_206 = arith.constant 0 : i32
      %dma_start3A_207 = tpu.memref_slice %arg36[%add3A_141, %dma_start3A_206] : memref<10112x64xf32, #tpu.memory_space<vmem_shared>> -> memref<64x64xf32, #tpu.memory_space<vmem_shared>>
      tpu.enqueue_dma source(%arg32 : memref<64x64xf32, #tpu.memory_space<vmem>>) target(%dma_start3A_207 : memref<64x64xf32, #tpu.memory_space<vmem_shared>>) target_semaphore(%run_scoped3A_204 : memref<!tpu.dma_semaphore, #tpu.memory_space<semaphore_mem>>)
      %dma_wait3A = arith.constant 0 : i32
      %dma_wait3A_208 = tpu.memref_slice %arg36[%add3A_141, %dma_wait3A] : memref<10112x64xf32, #tpu.memory_space<vmem_shared>> -> memref<64x64xf32, #tpu.memory_space<vmem_shared>>
      %dma_wait3A_209 = arith.constant 0 : i32
      %dma_wait3A_210 = tpu.memref_slice %arg36[%add3A_141, %dma_wait3A_209] : memref<10112x64xf32, #tpu.memory_space<vmem_shared>> -> memref<64x64xf32, #tpu.memory_space<vmem_shared>>
      tpu.wait_dma2 semaphore(%run_scoped3A_204 : memref<!tpu.dma_semaphore, #tpu.memory_space<semaphore_mem>>) src(%arg32 : memref<64x64xf32, #tpu.memory_space<vmem>>) dst(%dma_wait3A_210 : memref<64x64xf32, #tpu.memory_space<vmem_shared>>)
      tpu.yield
    }) : () -> ()
    %add3A_142 = arith.constant 64 : i32
    %add3A_143 = arith.addi %mul3A_139, %add3A_142 : i32
    "tpu.region"() ({
      %run_scoped3A_204 = tpu.sem_alloc : memref<!tpu.dma_semaphore, #tpu.memory_space<semaphore_mem>>
      %dma_start3A = arith.constant 0 : i32
      %dma_start3A_205 = tpu.memref_slice %arg36[%add3A_143, %dma_start3A] : memref<10112x64xf32, #tpu.memory_space<vmem_shared>> -> memref<64x64xf32, #tpu.memory_space<vmem_shared>>
      %dma_start3A_206 = arith.constant 0 : i32
      %dma_start3A_207 = tpu.memref_slice %arg36[%add3A_143, %dma_start3A_206] : memref<10112x64xf32, #tpu.memory_space<vmem_shared>> -> memref<64x64xf32, #tpu.memory_space<vmem_shared>>
      tpu.enqueue_dma source(%arg32 : memref<64x64xf32, #tpu.memory_space<vmem>>) target(%dma_start3A_207 : memref<64x64xf32, #tpu.memory_space<vmem_shared>>) target_semaphore(%run_scoped3A_204 : memref<!tpu.dma_semaphore, #tpu.memory_space<semaphore_mem>>)
      %dma_wait3A = arith.constant 0 : i32
      %dma_wait3A_208 = tpu.memref_slice %arg36[%add3A_143, %dma_wait3A] : memref<10112x64xf32, #tpu.memory_space<vmem_shared>> -> memref<64x64xf32, #tpu.memory_space<vmem_shared>>
      %dma_wait3A_209 = arith.constant 0 : i32
      %dma_wait3A_210 = tpu.memref_slice %arg36[%add3A_143, %dma_wait3A_209] : memref<10112x64xf32, #tpu.memory_space<vmem_shared>> -> memref<64x64xf32, #tpu.memory_space<vmem_shared>>
      tpu.wait_dma2 semaphore(%run_scoped3A_204 : memref<!tpu.dma_semaphore, #tpu.memory_space<semaphore_mem>>) src(%arg32 : memref<64x64xf32, #tpu.memory_space<vmem>>) dst(%dma_wait3A_210 : memref<64x64xf32, #tpu.memory_space<vmem_shared>>)
      tpu.yield
    }) : () -> ()
    %add3A_144 = arith.constant 128 : i32
    %add3A_145 = arith.addi %mul3A_139, %add3A_144 : i32
    "tpu.region"() ({
      %run_scoped3A_204 = tpu.sem_alloc : memref<!tpu.dma_semaphore, #tpu.memory_space<semaphore_mem>>
      %dma_start3A = arith.constant 0 : i32
      %dma_start3A_205 = tpu.memref_slice %arg36[%add3A_145, %dma_start3A] : memref<10112x64xf32, #tpu.memory_space<vmem_shared>> -> memref<64x64xf32, #tpu.memory_space<vmem_shared>>
      %dma_start3A_206 = arith.constant 0 : i32
      %dma_start3A_207 = tpu.memref_slice %arg36[%add3A_145, %dma_start3A_206] : memref<10112x64xf32, #tpu.memory_space<vmem_shared>> -> memref<64x64xf32, #tpu.memory_space<vmem_shared>>
      tpu.enqueue_dma source(%arg32 : memref<64x64xf32, #tpu.memory_space<vmem>>) target(%dma_start3A_207 : memref<64x64xf32, #tpu.memory_space<vmem_shared>>) target_semaphore(%run_scoped3A_204 : memref<!tpu.dma_semaphore, #tpu.memory_space<semaphore_mem>>)
      %dma_wait3A = arith.constant 0 : i32
      %dma_wait3A_208 = tpu.memref_slice %arg36[%add3A_145, %dma_wait3A] : memref<10112x64xf32, #tpu.memory_space<vmem_shared>> -> memref<64x64xf32, #tpu.memory_space<vmem_shared>>
      %dma_wait3A_209 = arith.constant 0 : i32
      %dma_wait3A_210 = tpu.memref_slice %arg36[%add3A_145, %dma_wait3A_209] : memref<10112x64xf32, #tpu.memory_space<vmem_shared>> -> memref<64x64xf32, #tpu.memory_space<vmem_shared>>
      tpu.wait_dma2 semaphore(%run_scoped3A_204 : memref<!tpu.dma_semaphore, #tpu.memory_space<semaphore_mem>>) src(%arg32 : memref<64x64xf32, #tpu.memory_space<vmem>>) dst(%dma_wait3A_210 : memref<64x64xf32, #tpu.memory_space<vmem_shared>>)
      tpu.yield
    }) : () -> ()
    %add3A_146 = arith.constant 192 : i32
    %add3A_147 = arith.addi %mul3A_139, %add3A_146 : i32
    "tpu.region"() ({
      %run_scoped3A_204 = tpu.sem_alloc : memref<!tpu.dma_semaphore, #tpu.memory_space<semaphore_mem>>
      %dma_start3A = arith.constant 0 : i32
      %dma_start3A_205 = tpu.memref_slice %arg36[%add3A_147, %dma_start3A] : memref<10112x64xf32, #tpu.memory_space<vmem_shared>> -> memref<64x64xf32, #tpu.memory_space<vmem_shared>>
      %dma_start3A_206 = arith.constant 0 : i32
      %dma_start3A_207 = tpu.memref_slice %arg36[%add3A_147, %dma_start3A_206] : memref<10112x64xf32, #tpu.memory_space<vmem_shared>> -> memref<64x64xf32, #tpu.memory_space<vmem_shared>>
      tpu.enqueue_dma source(%arg32 : memref<64x64xf32, #tpu.memory_space<vmem>>) target(%dma_start3A_207 : memref<64x64xf32, #tpu.memory_space<vmem_shared>>) target_semaphore(%run_scoped3A_204 : memref<!tpu.dma_semaphore, #tpu.memory_space<semaphore_mem>>)
      %dma_wait3A = arith.constant 0 : i32
      %dma_wait3A_208 = tpu.memref_slice %arg36[%add3A_147, %dma_wait3A] : memref<10112x64xf32, #tpu.memory_space<vmem_shared>> -> memref<64x64xf32, #tpu.memory_space<vmem_shared>>
      %dma_wait3A_209 = arith.constant 0 : i32
      %dma_wait3A_210 = tpu.memref_slice %arg36[%add3A_147, %dma_wait3A_209] : memref<10112x64xf32, #tpu.memory_space<vmem_shared>> -> memref<64x64xf32, #tpu.memory_space<vmem_shared>>
      tpu.wait_dma2 semaphore(%run_scoped3A_204 : memref<!tpu.dma_semaphore, #tpu.memory_space<semaphore_mem>>) src(%arg32 : memref<64x64xf32, #tpu.memory_space<vmem>>) dst(%dma_wait3A_210 : memref<64x64xf32, #tpu.memory_space<vmem_shared>>)
      tpu.yield
    }) : () -> ()
    %add3A_148 = arith.constant 256 : i32
    %add3A_149 = arith.addi %mul3A_139, %add3A_148 : i32
    "tpu.region"() ({
      %run_scoped3A_204 = tpu.sem_alloc : memref<!tpu.dma_semaphore, #tpu.memory_space<semaphore_mem>>
      %dma_start3A = arith.constant 0 : i32
      %dma_start3A_205 = tpu.memref_slice %arg36[%add3A_149, %dma_start3A] : memref<10112x64xf32, #tpu.memory_space<vmem_shared>> -> memref<64x64xf32, #tpu.memory_space<vmem_shared>>
      %dma_start3A_206 = arith.constant 0 : i32
      %dma_start3A_207 = tpu.memref_slice %arg36[%add3A_149, %dma_start3A_206] : memref<10112x64xf32, #tpu.memory_space<vmem_shared>> -> memref<64x64xf32, #tpu.memory_space<vmem_shared>>
      tpu.enqueue_dma source(%arg32 : memref<64x64xf32, #tpu.memory_space<vmem>>) target(%dma_start3A_207 : memref<64x64xf32, #tpu.memory_space<vmem_shared>>) target_semaphore(%run_scoped3A_204 : memref<!tpu.dma_semaphore, #tpu.memory_space<semaphore_mem>>)
      %dma_wait3A = arith.constant 0 : i32
      %dma_wait3A_208 = tpu.memref_slice %arg36[%add3A_149, %dma_wait3A] : memref<10112x64xf32, #tpu.memory_space<vmem_shared>> -> memref<64x64xf32, #tpu.memory_space<vmem_shared>>
      %dma_wait3A_209 = arith.constant 0 : i32
      %dma_wait3A_210 = tpu.memref_slice %arg36[%add3A_149, %dma_wait3A_209] : memref<10112x64xf32, #tpu.memory_space<vmem_shared>> -> memref<64x64xf32, #tpu.memory_space<vmem_shared>>
      tpu.wait_dma2 semaphore(%run_scoped3A_204 : memref<!tpu.dma_semaphore, #tpu.memory_space<semaphore_mem>>) src(%arg32 : memref<64x64xf32, #tpu.memory_space<vmem>>) dst(%dma_wait3A_210 : memref<64x64xf32, #tpu.memory_space<vmem_shared>>)
      tpu.yield
    }) : () -> ()
    %add3A_150 = arith.constant 320 : i32
    %add3A_151 = arith.addi %mul3A_139, %add3A_150 : i32
    "tpu.region"() ({
      %run_scoped3A_204 = tpu.sem_alloc : memref<!tpu.dma_semaphore, #tpu.memory_space<semaphore_mem>>
      %dma_start3A = arith.constant 0 : i32
      %dma_start3A_205 = tpu.memref_slice %arg36[%add3A_151, %dma_start3A] : memref<10112x64xf32, #tpu.memory_space<vmem_shared>> -> memref<64x64xf32, #tpu.memory_space<vmem_shared>>
      %dma_start3A_206 = arith.constant 0 : i32
      %dma_start3A_207 = tpu.memref_slice %arg36[%add3A_151, %dma_start3A_206] : memref<10112x64xf32, #tpu.memory_space<vmem_shared>> -> memref<64x64xf32, #tpu.memory_space<vmem_shared>>
      tpu.enqueue_dma source(%arg32 : memref<64x64xf32, #tpu.memory_space<vmem>>) target(%dma_start3A_207 : memref<64x64xf32, #tpu.memory_space<vmem_shared>>) target_semaphore(%run_scoped3A_204 : memref<!tpu.dma_semaphore, #tpu.memory_space<semaphore_mem>>)
      %dma_wait3A = arith.constant 0 : i32
      %dma_wait3A_208 = tpu.memref_slice %arg36[%add3A_151, %dma_wait3A] : memref<10112x64xf32, #tpu.memory_space<vmem_shared>> -> memref<64x64xf32, #tpu.memory_space<vmem_shared>>
      %dma_wait3A_209 = arith.constant 0 : i32
      %dma_wait3A_210 = tpu.memref_slice %arg36[%add3A_151, %dma_wait3A_209] : memref<10112x64xf32, #tpu.memory_space<vmem_shared>> -> memref<64x64xf32, #tpu.memory_space<vmem_shared>>
      tpu.wait_dma2 semaphore(%run_scoped3A_204 : memref<!tpu.dma_semaphore, #tpu.memory_space<semaphore_mem>>) src(%arg32 : memref<64x64xf32, #tpu.memory_space<vmem>>) dst(%dma_wait3A_210 : memref<64x64xf32, #tpu.memory_space<vmem_shared>>)
      tpu.yield
    }) : () -> ()
    %add3A_152 = arith.constant 384 : i32
    %add3A_153 = arith.addi %mul3A_139, %add3A_152 : i32
    "tpu.region"() ({
      %run_scoped3A_204 = tpu.sem_alloc : memref<!tpu.dma_semaphore, #tpu.memory_space<semaphore_mem>>
      %dma_start3A = arith.constant 0 : i32
      %dma_start3A_205 = tpu.memref_slice %arg36[%add3A_153, %dma_start3A] : memref<10112x64xf32, #tpu.memory_space<vmem_shared>> -> memref<64x64xf32, #tpu.memory_space<vmem_shared>>
      %dma_start3A_206 = arith.constant 0 : i32
      %dma_start3A_207 = tpu.memref_slice %arg36[%add3A_153, %dma_start3A_206] : memref<10112x64xf32, #tpu.memory_space<vmem_shared>> -> memref<64x64xf32, #tpu.memory_space<vmem_shared>>
      tpu.enqueue_dma source(%arg32 : memref<64x64xf32, #tpu.memory_space<vmem>>) target(%dma_start3A_207 : memref<64x64xf32, #tpu.memory_space<vmem_shared>>) target_semaphore(%run_scoped3A_204 : memref<!tpu.dma_semaphore, #tpu.memory_space<semaphore_mem>>)
      %dma_wait3A = arith.constant 0 : i32
      %dma_wait3A_208 = tpu.memref_slice %arg36[%add3A_153, %dma_wait3A] : memref<10112x64xf32, #tpu.memory_space<vmem_shared>> -> memref<64x64xf32, #tpu.memory_space<vmem_shared>>
      %dma_wait3A_209 = arith.constant 0 : i32
      %dma_wait3A_210 = tpu.memref_slice %arg36[%add3A_153, %dma_wait3A_209] : memref<10112x64xf32, #tpu.memory_space<vmem_shared>> -> memref<64x64xf32, #tpu.memory_space<vmem_shared>>
      tpu.wait_dma2 semaphore(%run_scoped3A_204 : memref<!tpu.dma_semaphore, #tpu.memory_space<semaphore_mem>>) src(%arg32 : memref<64x64xf32, #tpu.memory_space<vmem>>) dst(%dma_wait3A_210 : memref<64x64xf32, #tpu.memory_space<vmem_shared>>)
      tpu.yield
    }) : () -> ()
    %add3A_154 = arith.constant 448 : i32
    %add3A_155 = arith.addi %mul3A_139, %add3A_154 : i32
    "tpu.region"() ({
      %run_scoped3A_204 = tpu.sem_alloc : memref<!tpu.dma_semaphore, #tpu.memory_space<semaphore_mem>>
      %dma_start3A = arith.constant 0 : i32
      %dma_start3A_205 = tpu.memref_slice %arg36[%add3A_155, %dma_start3A] : memref<10112x64xf32, #tpu.memory_space<vmem_shared>> -> memref<64x64xf32, #tpu.memory_space<vmem_shared>>
      %dma_start3A_206 = arith.constant 0 : i32
      %dma_start3A_207 = tpu.memref_slice %arg36[%add3A_155, %dma_start3A_206] : memref<10112x64xf32, #tpu.memory_space<vmem_shared>> -> memref<64x64xf32, #tpu.memory_space<vmem_shared>>
      tpu.enqueue_dma source(%arg32 : memref<64x64xf32, #tpu.memory_space<vmem>>) target(%dma_start3A_207 : memref<64x64xf32, #tpu.memory_space<vmem_shared>>) target_semaphore(%run_scoped3A_204 : memref<!tpu.dma_semaphore, #tpu.memory_space<semaphore_mem>>)
      %dma_wait3A = arith.constant 0 : i32
      %dma_wait3A_208 = tpu.memref_slice %arg36[%add3A_155, %dma_wait3A] : memref<10112x64xf32, #tpu.memory_space<vmem_shared>> -> memref<64x64xf32, #tpu.memory_space<vmem_shared>>
      %dma_wait3A_209 = arith.constant 0 : i32
      %dma_wait3A_210 = tpu.memref_slice %arg36[%add3A_155, %dma_wait3A_209] : memref<10112x64xf32, #tpu.memory_space<vmem_shared>> -> memref<64x64xf32, #tpu.memory_space<vmem_shared>>
      tpu.wait_dma2 semaphore(%run_scoped3A_204 : memref<!tpu.dma_semaphore, #tpu.memory_space<semaphore_mem>>) src(%arg32 : memref<64x64xf32, #tpu.memory_space<vmem>>) dst(%dma_wait3A_210 : memref<64x64xf32, #tpu.memory_space<vmem_shared>>)
      tpu.yield
    }) : () -> ()
    %add3A_156 = arith.constant 512 : i32
    %add3A_157 = arith.addi %mul3A_139, %add3A_156 : i32
    "tpu.region"() ({
      %run_scoped3A_204 = tpu.sem_alloc : memref<!tpu.dma_semaphore, #tpu.memory_space<semaphore_mem>>
      %dma_start3A = arith.constant 0 : i32
      %dma_start3A_205 = tpu.memref_slice %arg36[%add3A_157, %dma_start3A] : memref<10112x64xf32, #tpu.memory_space<vmem_shared>> -> memref<64x64xf32, #tpu.memory_space<vmem_shared>>
      %dma_start3A_206 = arith.constant 0 : i32
      %dma_start3A_207 = tpu.memref_slice %arg36[%add3A_157, %dma_start3A_206] : memref<10112x64xf32, #tpu.memory_space<vmem_shared>> -> memref<64x64xf32, #tpu.memory_space<vmem_shared>>
      tpu.enqueue_dma source(%arg32 : memref<64x64xf32, #tpu.memory_space<vmem>>) target(%dma_start3A_207 : memref<64x64xf32, #tpu.memory_space<vmem_shared>>) target_semaphore(%run_scoped3A_204 : memref<!tpu.dma_semaphore, #tpu.memory_space<semaphore_mem>>)
      %dma_wait3A = arith.constant 0 : i32
      %dma_wait3A_208 = tpu.memref_slice %arg36[%add3A_157, %dma_wait3A] : memref<10112x64xf32, #tpu.memory_space<vmem_shared>> -> memref<64x64xf32, #tpu.memory_space<vmem_shared>>
      %dma_wait3A_209 = arith.constant 0 : i32
      %dma_wait3A_210 = tpu.memref_slice %arg36[%add3A_157, %dma_wait3A_209] : memref<10112x64xf32, #tpu.memory_space<vmem_shared>> -> memref<64x64xf32, #tpu.memory_space<vmem_shared>>
      tpu.wait_dma2 semaphore(%run_scoped3A_204 : memref<!tpu.dma_semaphore, #tpu.memory_space<semaphore_mem>>) src(%arg32 : memref<64x64xf32, #tpu.memory_space<vmem>>) dst(%dma_wait3A_210 : memref<64x64xf32, #tpu.memory_space<vmem_shared>>)
      tpu.yield
    }) : () -> ()
    %add3A_158 = arith.constant 576 : i32
    %add3A_159 = arith.addi %mul3A_139, %add3A_158 : i32
    "tpu.region"() ({
      %run_scoped3A_204 = tpu.sem_alloc : memref<!tpu.dma_semaphore, #tpu.memory_space<semaphore_mem>>
      %dma_start3A = arith.constant 0 : i32
      %dma_start3A_205 = arith.constant 0 : i32
      %dma_start3A_206 = tpu.memref_slice %arg32[%dma_start3A, %dma_start3A_205] : memref<64x64xf32, #tpu.memory_space<vmem>> -> memref<56x64xf32, #tpu.memory_space<vmem>>
      %dma_start3A_207 = arith.constant 0 : i32
      %dma_start3A_208 = tpu.memref_slice %arg36[%add3A_159, %dma_start3A_207] : memref<10112x64xf32, #tpu.memory_space<vmem_shared>> -> memref<56x64xf32, #tpu.memory_space<vmem_shared>>
      %dma_start3A_209 = arith.constant 0 : i32
      %dma_start3A_210 = tpu.memref_slice %arg36[%add3A_159, %dma_start3A_209] : memref<10112x64xf32, #tpu.memory_space<vmem_shared>> -> memref<56x64xf32, #tpu.memory_space<vmem_shared>>
      %dma_start3A_211 = arith.constant 0 : i32
      %dma_start3A_212 = arith.constant 0 : i32
      %dma_start3A_213 = tpu.memref_slice %arg32[%dma_start3A_211, %dma_start3A_212] : memref<64x64xf32, #tpu.memory_space<vmem>> -> memref<56x64xf32, #tpu.memory_space<vmem>>
      tpu.enqueue_dma source(%dma_start3A_213 : memref<56x64xf32, #tpu.memory_space<vmem>>) target(%dma_start3A_210 : memref<56x64xf32, #tpu.memory_space<vmem_shared>>) target_semaphore(%run_scoped3A_204 : memref<!tpu.dma_semaphore, #tpu.memory_space<semaphore_mem>>)
      %dma_wait3A = arith.constant 0 : i32
      %dma_wait3A_214 = arith.constant 0 : i32
      %dma_wait3A_215 = tpu.memref_slice %arg32[%dma_wait3A, %dma_wait3A_214] : memref<64x64xf32, #tpu.memory_space<vmem>> -> memref<56x64xf32, #tpu.memory_space<vmem>>
      %dma_wait3A_216 = arith.constant 0 : i32
      %dma_wait3A_217 = tpu.memref_slice %arg36[%add3A_159, %dma_wait3A_216] : memref<10112x64xf32, #tpu.memory_space<vmem_shared>> -> memref<56x64xf32, #tpu.memory_space<vmem_shared>>
      %dma_wait3A_218 = arith.constant 0 : i32
      %dma_wait3A_219 = tpu.memref_slice %arg36[%add3A_159, %dma_wait3A_218] : memref<10112x64xf32, #tpu.memory_space<vmem_shared>> -> memref<56x64xf32, #tpu.memory_space<vmem_shared>>
      %dma_wait3A_220 = arith.constant 0 : i32
      %dma_wait3A_221 = arith.constant 0 : i32
      %dma_wait3A_222 = tpu.memref_slice %arg32[%dma_wait3A_220, %dma_wait3A_221] : memref<64x64xf32, #tpu.memory_space<vmem>> -> memref<56x64xf32, #tpu.memory_space<vmem>>
      tpu.wait_dma2 semaphore(%run_scoped3A_204 : memref<!tpu.dma_semaphore, #tpu.memory_space<semaphore_mem>>) src(%dma_wait3A_222 : memref<56x64xf32, #tpu.memory_space<vmem>>) dst(%dma_wait3A_219 : memref<56x64xf32, #tpu.memory_space<vmem_shared>>)
      tpu.yield
    }) : () -> ()
    %barrier3A_160 = arith.constant 0 : index
    tpu.barrier barrier_id(%barrier3A_160)
    %scan3A_161 = arith.constant 0 : i32
    %scan3A_162 = arith.constant 0 : i32
    %scan3A_163 = arith.constant 167 : i32
    %scan3A_164 = arith.addi %scan3A_162, %scan3A_163 : i32
    %scan3A_165 = arith.constant 1 : i32
    %scan3A_166 = scf.for %scan3A_204 = %scan3A_162 to %scan3A_164 step %scan3A_165 iter_args(%scan3A_205 = %scan3A_161) -> (i32)  : i32 {
      %mul3A_206 = arith.constant 64 : i32
      %mul3A_207 = arith.muli %scan3A_204, %mul3A_206 : i32
      %dma_start3A = arith.constant 0 : i32
      %dma_start3A_208 = tpu.memref_slice %arg10[%mul3A_207] : memref<10688xi32, #tpu.memory_space<vmem>> -> memref<64xi32, #tpu.memory_space<vmem>>
      %dma_start3A_209 = arith.constant 0 : i32
      %dma_start3A_210 = arith.constant 0 : i32
      %dma_start3A_211 = tpu.memref_slice %arg6[%arg0, %dma_start3A, %dma_start3A_209, %dma_start3A_210] : memref<2x2x10000x64xf32, #tpu.memory_space<hbm>> -> memref<1x1x10000x64xf32, #tpu.memory_space<hbm>>
      %dma_start3A_212 = tpu.memref_squeeze %dma_start3A_211 : memref<1x1x10000x64xf32, #tpu.memory_space<hbm>> -> memref<10000x64xf32, #tpu.memory_space<hbm>>
      %dma_start3A_213 = arith.constant 0 : i32
      %dma_start3A_214 = arith.constant 0 : i32
      %dma_start3A_215 = tpu.memref_slice %dma_start3A_212[%dma_start3A_213, %dma_start3A_214] : memref<10000x64xf32, #tpu.memory_space<hbm>> -> memref<10000x64xf32, #tpu.memory_space<hbm>>
      tpu.enqueue_indirect_dma source(%dma_start3A_215 : memref<10000x64xf32, #tpu.memory_space<hbm>>) target(%arg14 : memref<64x64xf32, #tpu.memory_space<vmem>>) offsets(%dma_start3A_208 : memref<64xi32, #tpu.memory_space<vmem>>) semaphore(%arg38 : memref<!tpu.dma_semaphore, #tpu.memory_space<semaphore_mem>>)
      %dma_wait3A = arith.constant 0 : i32
      %dma_wait3A_216 = tpu.memref_slice %arg10[%mul3A_207] : memref<10688xi32, #tpu.memory_space<vmem>> -> memref<64xi32, #tpu.memory_space<vmem>>
      %dma_wait3A_217 = arith.constant 0 : i32
      %dma_wait3A_218 = arith.constant 0 : i32
      %dma_wait3A_219 = tpu.memref_slice %arg6[%arg0, %dma_wait3A, %dma_wait3A_217, %dma_wait3A_218] : memref<2x2x10000x64xf32, #tpu.memory_space<hbm>> -> memref<1x1x10000x64xf32, #tpu.memory_space<hbm>>
      %dma_wait3A_220 = tpu.memref_squeeze %dma_wait3A_219 : memref<1x1x10000x64xf32, #tpu.memory_space<hbm>> -> memref<10000x64xf32, #tpu.memory_space<hbm>>
      %dma_wait3A_221 = arith.constant 0 : i32
      %dma_wait3A_222 = arith.constant 0 : i32
      %dma_wait3A_223 = tpu.memref_slice %dma_wait3A_220[%dma_wait3A_221, %dma_wait3A_222] : memref<10000x64xf32, #tpu.memory_space<hbm>> -> memref<10000x64xf32, #tpu.memory_space<hbm>>
      tpu.wait_indirect_dma semaphore(%arg38 : memref<!tpu.dma_semaphore, #tpu.memory_space<semaphore_mem>>) src(%dma_wait3A_223 : memref<10000x64xf32, #tpu.memory_space<hbm>>) dst(%arg14 : memref<64x64xf32, #tpu.memory_space<vmem>>)
      %mul3A_224 = arith.constant 64 : i32
      %mul3A_225 = arith.muli %scan3A_204, %mul3A_224 : i32
      %add3A_226 = arith.constant 0 : i32
      %add3A_227 = arith.addi %mul3A_225, %add3A_226 : i32
      %get3A_228 = arith.index_cast %add3A_227 : i32 to index
      %get3A_229 = tpu.vector_load %arg11[%get3A_228] {strides = array<i32>} : memref<10688xi32, #tpu.memory_space<vmem>>, vector<16xi32>,
      %swap3A = arith.constant 0 : index
      %swap3A_230 = tpu.vector_load %arg30[%swap3A] {strides = array<i32>} : memref<64xi32, #tpu.memory_space<vmem>>, vector<16xi32>,
      tpu.vector_store %arg30[%swap3A], %get3A_229 {strides = array<i32>} : memref<64xi32, #tpu.memory_space<vmem>>, vector<16xi32>,
      %add3A_231 = arith.constant 16 : i32
      %add3A_232 = arith.addi %mul3A_225, %add3A_231 : i32
      %get3A_233 = arith.index_cast %add3A_232 : i32 to index
      %get3A_234 = tpu.vector_load %arg11[%get3A_233] {strides = array<i32>} : memref<10688xi32, #tpu.memory_space<vmem>>, vector<16xi32>,
      %swap3A_235 = arith.constant 16 : index
      %swap3A_236 = tpu.vector_load %arg30[%swap3A_235] {strides = array<i32>} : memref<64xi32, #tpu.memory_space<vmem>>, vector<16xi32>,
      tpu.vector_store %arg30[%swap3A_235], %get3A_234 {strides = array<i32>} : memref<64xi32, #tpu.memory_space<vmem>>, vector<16xi32>,
      %add3A_237 = arith.constant 32 : i32
      %add3A_238 = arith.addi %mul3A_225, %add3A_237 : i32
      %get3A_239 = arith.index_cast %add3A_238 : i32 to index
      %get3A_240 = tpu.vector_load %arg11[%get3A_239] {strides = array<i32>} : memref<10688xi32, #tpu.memory_space<vmem>>, vector<16xi32>,
      %swap3A_241 = arith.constant 32 : index
      %swap3A_242 = tpu.vector_load %arg30[%swap3A_241] {strides = array<i32>} : memref<64xi32, #tpu.memory_space<vmem>>, vector<16xi32>,
      tpu.vector_store %arg30[%swap3A_241], %get3A_240 {strides = array<i32>} : memref<64xi32, #tpu.memory_space<vmem>>, vector<16xi32>,
      %add3A_243 = arith.constant 48 : i32
      %add3A_244 = arith.addi %mul3A_225, %add3A_243 : i32
      %get3A_245 = arith.index_cast %add3A_244 : i32 to index
      %get3A_246 = tpu.vector_load %arg11[%get3A_245] {strides = array<i32>} : memref<10688xi32, #tpu.memory_space<vmem>>, vector<16xi32>,
      %swap3A_247 = arith.constant 48 : index
      %swap3A_248 = tpu.vector_load %arg30[%swap3A_247] {strides = array<i32>} : memref<64xi32, #tpu.memory_space<vmem>>, vector<16xi32>,
      tpu.vector_store %arg30[%swap3A_247], %get3A_246 {strides = array<i32>} : memref<64xi32, #tpu.memory_space<vmem>>, vector<16xi32>,
      %scan3A_249 = arith.constant 0 : i32
      %scan3A_250 = arith.constant 0 : i32
      %scan3A_251 = arith.constant 64 : i32
      %scan3A_252 = arith.addi %scan3A_250, %scan3A_251 : i32
      %scan3A_253 = arith.constant 1 : i32
      %scan3A_254 = scf.for %scan3A_257 = %scan3A_250 to %scan3A_252 step %scan3A_253 iter_args(%scan3A_258 = %scan3A_249) -> (i32)  : i32 {
        %add3A_259 = arith.addi %mul3A_225, %scan3A_257 : i32
        %broadcast_in_dim3A_260 = vector.broadcast %add3A_259 : i32 to vector<16xi32>
        %gather3A = tpu.vector_load_idx %arg12[%broadcast_in_dim3A_260] : memref<10688xf32, #tpu.memory_space<vmem>>[vector<16xi32>], vector<16xf32>,
        %get3A_261 = arith.index_cast %scan3A_257 : i32 to index
        %get3A_262 = arith.constant 0 : index
        %get3A_263 = tpu.vector_load %arg14[%get3A_261, %get3A_262] {strides = array<i32>} : memref<64x64xf32, #tpu.memory_space<vmem>>, vector<16xf32>,
        %mul3A_264 = arith.mulf %get3A_263, %gather3A : vector<16xf32>
        %swap3A_265 = arith.index_cast %scan3A_257 : i32 to index
        %swap3A_266 = arith.constant 0 : index
        %swap3A_267 = tpu.vector_load %arg14[%swap3A_265, %swap3A_266] {strides = array<i32>} : memref<64x64xf32, #tpu.memory_space<vmem>>, vector<16xf32>,
        tpu.vector_store %arg14[%swap3A_265, %swap3A_266], %mul3A_264 {strides = array<i32>} : memref<64x64xf32, #tpu.memory_space<vmem>>, vector<16xf32>,
        %get3A_268 = arith.index_cast %scan3A_257 : i32 to index
        %get3A_269 = arith.constant 16 : index
        %get3A_270 = tpu.vector_load %arg14[%get3A_268, %get3A_269] {strides = array<i32>} : memref<64x64xf32, #tpu.memory_space<vmem>>, vector<16xf32>,
        %mul3A_271 = arith.mulf %get3A_270, %gather3A : vector<16xf32>
        %swap3A_272 = arith.index_cast %scan3A_257 : i32 to index
        %swap3A_273 = arith.constant 16 : index
        %swap3A_274 = tpu.vector_load %arg14[%swap3A_272, %swap3A_273] {strides = array<i32>} : memref<64x64xf32, #tpu.memory_space<vmem>>, vector<16xf32>,
        tpu.vector_store %arg14[%swap3A_272, %swap3A_273], %mul3A_271 {strides = array<i32>} : memref<64x64xf32, #tpu.memory_space<vmem>>, vector<16xf32>,
        %get3A_275 = arith.index_cast %scan3A_257 : i32 to index
        %get3A_276 = arith.constant 32 : index
        %get3A_277 = tpu.vector_load %arg14[%get3A_275, %get3A_276] {strides = array<i32>} : memref<64x64xf32, #tpu.memory_space<vmem>>, vector<16xf32>,
        %mul3A_278 = arith.mulf %get3A_277, %gather3A : vector<16xf32>
        %swap3A_279 = arith.index_cast %scan3A_257 : i32 to index
        %swap3A_280 = arith.constant 32 : index
        %swap3A_281 = tpu.vector_load %arg14[%swap3A_279, %swap3A_280] {strides = array<i32>} : memref<64x64xf32, #tpu.memory_space<vmem>>, vector<16xf32>,
        tpu.vector_store %arg14[%swap3A_279, %swap3A_280], %mul3A_278 {strides = array<i32>} : memref<64x64xf32, #tpu.memory_space<vmem>>, vector<16xf32>,
        %get3A_282 = arith.index_cast %scan3A_257 : i32 to index
        %get3A_283 = arith.constant 48 : index
        %get3A_284 = tpu.vector_load %arg14[%get3A_282, %get3A_283] {strides = array<i32>} : memref<64x64xf32, #tpu.memory_space<vmem>>, vector<16xf32>,
        %mul3A_285 = arith.mulf %get3A_284, %gather3A : vector<16xf32>
        %swap3A_286 = arith.index_cast %scan3A_257 : i32 to index
        %swap3A_287 = arith.constant 48 : index
        %swap3A_288 = tpu.vector_load %arg14[%swap3A_286, %swap3A_287] {strides = array<i32>} : memref<64x64xf32, #tpu.memory_space<vmem>>, vector<16xf32>,
        tpu.vector_store %arg14[%swap3A_286, %swap3A_287], %mul3A_285 {strides = array<i32>} : memref<64x64xf32, #tpu.memory_space<vmem>>, vector<16xf32>,
        %scan3A_289 = arith.constant 0 : i32
        scf.yield %scan3A_289 : i32
      }
      %scan3A_255 = arith.constant 64 : i32
      "tpu.region"() ({
        %run_scoped3A_257 = tpu.sem_alloc : memref<!tpu.dma_semaphore, #tpu.memory_space<semaphore_mem>>
        %dma_start3A_258 = arith.constant 0 : i32
        %dma_start3A_259 = arith.constant 0 : i32
        %dma_start3A_260 = tpu.memref_slice %arg36[%dma_start3A_258, %dma_start3A_259] : memref<10112x64xf32, #tpu.memory_space<vmem_shared>> -> memref<10112x64xf32, #tpu.memory_space<vmem_shared>>
        tpu.enqueue_indirect_dma source(%arg14 : memref<64x64xf32, #tpu.memory_space<vmem>>) target(%dma_start3A_260 : memref<10112x64xf32, #tpu.memory_space<vmem_shared>>) offsets(%arg30 : memref<64xi32, #tpu.memory_space<vmem>>) semaphore(%run_scoped3A_257 : memref<!tpu.dma_semaphore, #tpu.memory_space<semaphore_mem>>) {add = true}
        %dma_wait3A_261 = arith.constant 0 : i32
        %dma_wait3A_262 = arith.constant 0 : i32
        %dma_wait3A_263 = tpu.memref_slice %arg36[%dma_wait3A_261, %dma_wait3A_262] : memref<10112x64xf32, #tpu.memory_space<vmem_shared>> -> memref<10112x64xf32, #tpu.memory_space<vmem_shared>>
        tpu.wait_indirect_dma semaphore(%run_scoped3A_257 : memref<!tpu.dma_semaphore, #tpu.memory_space<semaphore_mem>>) src(%arg14 : memref<64x64xf32, #tpu.memory_space<vmem>>) dst(%dma_wait3A_263 : memref<10112x64xf32, #tpu.memory_space<vmem_shared>>)
        tpu.yield
      }) : () -> ()
      %scan3A_256 = arith.constant 0 : i32
      scf.yield %scan3A_256 : i32
    }
    %scan3A_167 = arith.constant 167 : i32
    %barrier3A_168 = arith.constant 0 : index
    tpu.barrier barrier_id(%barrier3A_168)
    %run_scoped3A_169 = arith.constant 2 : i32
    "tpu.region"() ({
      %run_scoped3A_204 = tpu.sem_alloc : memref<!tpu.dma_semaphore, #tpu.memory_space<semaphore_mem>>
      %dma_start3A = arith.constant 0 : i32
      %dma_start3A_205 = tpu.memref_slice %arg9[%arg0, %run_scoped3A_169, %mul3A_139, %dma_start3A] : memref<2x4x10112x64xf32, #tpu.memory_space<hbm>> -> memref<1x1x632x64xf32, #tpu.memory_space<hbm>>
      %dma_start3A_206 = tpu.memref_squeeze %dma_start3A_205 : memref<1x1x632x64xf32, #tpu.memory_space<hbm>> -> memref<632x64xf32, #tpu.memory_space<hbm>>
      %dma_start3A_207 = arith.constant 0 : i32
      %dma_start3A_208 = tpu.memref_slice %arg36[%mul3A_139, %dma_start3A_207] : memref<10112x64xf32, #tpu.memory_space<vmem_shared>> -> memref<632x64xf32, #tpu.memory_space<vmem_shared>>
      tpu.enqueue_dma source(%dma_start3A_208 : memref<632x64xf32, #tpu.memory_space<vmem_shared>>) target(%dma_start3A_206 : memref<632x64xf32, #tpu.memory_space<hbm>>) target_semaphore(%run_scoped3A_204 : memref<!tpu.dma_semaphore, #tpu.memory_space<semaphore_mem>>)
      %dma_wait3A = arith.constant 0 : i32
      %dma_wait3A_209 = tpu.memref_slice %arg9[%arg0, %run_scoped3A_169, %mul3A_139, %dma_wait3A] : memref<2x4x10112x64xf32, #tpu.memory_space<hbm>> -> memref<1x1x632x64xf32, #tpu.memory_space<hbm>>
      %dma_wait3A_210 = tpu.memref_squeeze %dma_wait3A_209 : memref<1x1x632x64xf32, #tpu.memory_space<hbm>> -> memref<632x64xf32, #tpu.memory_space<hbm>>
      %dma_wait3A_211 = arith.constant 0 : i32
      %dma_wait3A_212 = tpu.memref_slice %arg36[%mul3A_139, %dma_wait3A_211] : memref<10112x64xf32, #tpu.memory_space<vmem_shared>> -> memref<632x64xf32, #tpu.memory_space<vmem_shared>>
      tpu.wait_dma2 semaphore(%run_scoped3A_204 : memref<!tpu.dma_semaphore, #tpu.memory_space<semaphore_mem>>) src(%dma_wait3A_212 : memref<632x64xf32, #tpu.memory_space<vmem_shared>>) dst(%dma_wait3A_210 : memref<632x64xf32, #tpu.memory_space<hbm>>)
      tpu.yield
    }) : () -> ()
    %barrier3A_170 = arith.constant 0 : index
    tpu.barrier barrier_id(%barrier3A_170)
    %mul3A_171 = arith.constant 632 : i32
    %mul3A_172 = arith.muli %arg1, %mul3A_171 : i32
    %add3A_173 = arith.constant 0 : i32
    %add3A_174 = arith.addi %mul3A_172, %add3A_173 : i32
    "tpu.region"() ({
      %run_scoped3A_204 = tpu.sem_alloc : memref<!tpu.dma_semaphore, #tpu.memory_space<semaphore_mem>>
      %dma_start3A = arith.constant 0 : i32
      %dma_start3A_205 = tpu.memref_slice %arg36[%add3A_174, %dma_start3A] : memref<10112x64xf32, #tpu.memory_space<vmem_shared>> -> memref<64x64xf32, #tpu.memory_space<vmem_shared>>
      %dma_start3A_206 = arith.constant 0 : i32
      %dma_start3A_207 = tpu.memref_slice %arg36[%add3A_174, %dma_start3A_206] : memref<10112x64xf32, #tpu.memory_space<vmem_shared>> -> memref<64x64xf32, #tpu.memory_space<vmem_shared>>
      tpu.enqueue_dma source(%arg32 : memref<64x64xf32, #tpu.memory_space<vmem>>) target(%dma_start3A_207 : memref<64x64xf32, #tpu.memory_space<vmem_shared>>) target_semaphore(%run_scoped3A_204 : memref<!tpu.dma_semaphore, #tpu.memory_space<semaphore_mem>>)
      %dma_wait3A = arith.constant 0 : i32
      %dma_wait3A_208 = tpu.memref_slice %arg36[%add3A_174, %dma_wait3A] : memref<10112x64xf32, #tpu.memory_space<vmem_shared>> -> memref<64x64xf32, #tpu.memory_space<vmem_shared>>
      %dma_wait3A_209 = arith.constant 0 : i32
      %dma_wait3A_210 = tpu.memref_slice %arg36[%add3A_174, %dma_wait3A_209] : memref<10112x64xf32, #tpu.memory_space<vmem_shared>> -> memref<64x64xf32, #tpu.memory_space<vmem_shared>>
      tpu.wait_dma2 semaphore(%run_scoped3A_204 : memref<!tpu.dma_semaphore, #tpu.memory_space<semaphore_mem>>) src(%arg32 : memref<64x64xf32, #tpu.memory_space<vmem>>) dst(%dma_wait3A_210 : memref<64x64xf32, #tpu.memory_space<vmem_shared>>)
      tpu.yield
    }) : () -> ()
    %add3A_175 = arith.constant 64 : i32
    %add3A_176 = arith.addi %mul3A_172, %add3A_175 : i32
    "tpu.region"() ({
      %run_scoped3A_204 = tpu.sem_alloc : memref<!tpu.dma_semaphore, #tpu.memory_space<semaphore_mem>>
      %dma_start3A = arith.constant 0 : i32
      %dma_start3A_205 = tpu.memref_slice %arg36[%add3A_176, %dma_start3A] : memref<10112x64xf32, #tpu.memory_space<vmem_shared>> -> memref<64x64xf32, #tpu.memory_space<vmem_shared>>
      %dma_start3A_206 = arith.constant 0 : i32
      %dma_start3A_207 = tpu.memref_slice %arg36[%add3A_176, %dma_start3A_206] : memref<10112x64xf32, #tpu.memory_space<vmem_shared>> -> memref<64x64xf32, #tpu.memory_space<vmem_shared>>
      tpu.enqueue_dma source(%arg32 : memref<64x64xf32, #tpu.memory_space<vmem>>) target(%dma_start3A_207 : memref<64x64xf32, #tpu.memory_space<vmem_shared>>) target_semaphore(%run_scoped3A_204 : memref<!tpu.dma_semaphore, #tpu.memory_space<semaphore_mem>>)
      %dma_wait3A = arith.constant 0 : i32
      %dma_wait3A_208 = tpu.memref_slice %arg36[%add3A_176, %dma_wait3A] : memref<10112x64xf32, #tpu.memory_space<vmem_shared>> -> memref<64x64xf32, #tpu.memory_space<vmem_shared>>
      %dma_wait3A_209 = arith.constant 0 : i32
      %dma_wait3A_210 = tpu.memref_slice %arg36[%add3A_176, %dma_wait3A_209] : memref<10112x64xf32, #tpu.memory_space<vmem_shared>> -> memref<64x64xf32, #tpu.memory_space<vmem_shared>>
      tpu.wait_dma2 semaphore(%run_scoped3A_204 : memref<!tpu.dma_semaphore, #tpu.memory_space<semaphore_mem>>) src(%arg32 : memref<64x64xf32, #tpu.memory_space<vmem>>) dst(%dma_wait3A_210 : memref<64x64xf32, #tpu.memory_space<vmem_shared>>)
      tpu.yield
    }) : () -> ()
    %add3A_177 = arith.constant 128 : i32
    %add3A_178 = arith.addi %mul3A_172, %add3A_177 : i32
    "tpu.region"() ({
      %run_scoped3A_204 = tpu.sem_alloc : memref<!tpu.dma_semaphore, #tpu.memory_space<semaphore_mem>>
      %dma_start3A = arith.constant 0 : i32
      %dma_start3A_205 = tpu.memref_slice %arg36[%add3A_178, %dma_start3A] : memref<10112x64xf32, #tpu.memory_space<vmem_shared>> -> memref<64x64xf32, #tpu.memory_space<vmem_shared>>
      %dma_start3A_206 = arith.constant 0 : i32
      %dma_start3A_207 = tpu.memref_slice %arg36[%add3A_178, %dma_start3A_206] : memref<10112x64xf32, #tpu.memory_space<vmem_shared>> -> memref<64x64xf32, #tpu.memory_space<vmem_shared>>
      tpu.enqueue_dma source(%arg32 : memref<64x64xf32, #tpu.memory_space<vmem>>) target(%dma_start3A_207 : memref<64x64xf32, #tpu.memory_space<vmem_shared>>) target_semaphore(%run_scoped3A_204 : memref<!tpu.dma_semaphore, #tpu.memory_space<semaphore_mem>>)
      %dma_wait3A = arith.constant 0 : i32
      %dma_wait3A_208 = tpu.memref_slice %arg36[%add3A_178, %dma_wait3A] : memref<10112x64xf32, #tpu.memory_space<vmem_shared>> -> memref<64x64xf32, #tpu.memory_space<vmem_shared>>
      %dma_wait3A_209 = arith.constant 0 : i32
      %dma_wait3A_210 = tpu.memref_slice %arg36[%add3A_178, %dma_wait3A_209] : memref<10112x64xf32, #tpu.memory_space<vmem_shared>> -> memref<64x64xf32, #tpu.memory_space<vmem_shared>>
      tpu.wait_dma2 semaphore(%run_scoped3A_204 : memref<!tpu.dma_semaphore, #tpu.memory_space<semaphore_mem>>) src(%arg32 : memref<64x64xf32, #tpu.memory_space<vmem>>) dst(%dma_wait3A_210 : memref<64x64xf32, #tpu.memory_space<vmem_shared>>)
      tpu.yield
    }) : () -> ()
    %add3A_179 = arith.constant 192 : i32
    %add3A_180 = arith.addi %mul3A_172, %add3A_179 : i32
    "tpu.region"() ({
      %run_scoped3A_204 = tpu.sem_alloc : memref<!tpu.dma_semaphore, #tpu.memory_space<semaphore_mem>>
      %dma_start3A = arith.constant 0 : i32
      %dma_start3A_205 = tpu.memref_slice %arg36[%add3A_180, %dma_start3A] : memref<10112x64xf32, #tpu.memory_space<vmem_shared>> -> memref<64x64xf32, #tpu.memory_space<vmem_shared>>
      %dma_start3A_206 = arith.constant 0 : i32
      %dma_start3A_207 = tpu.memref_slice %arg36[%add3A_180, %dma_start3A_206] : memref<10112x64xf32, #tpu.memory_space<vmem_shared>> -> memref<64x64xf32, #tpu.memory_space<vmem_shared>>
      tpu.enqueue_dma source(%arg32 : memref<64x64xf32, #tpu.memory_space<vmem>>) target(%dma_start3A_207 : memref<64x64xf32, #tpu.memory_space<vmem_shared>>) target_semaphore(%run_scoped3A_204 : memref<!tpu.dma_semaphore, #tpu.memory_space<semaphore_mem>>)
      %dma_wait3A = arith.constant 0 : i32
      %dma_wait3A_208 = tpu.memref_slice %arg36[%add3A_180, %dma_wait3A] : memref<10112x64xf32, #tpu.memory_space<vmem_shared>> -> memref<64x64xf32, #tpu.memory_space<vmem_shared>>
      %dma_wait3A_209 = arith.constant 0 : i32
      %dma_wait3A_210 = tpu.memref_slice %arg36[%add3A_180, %dma_wait3A_209] : memref<10112x64xf32, #tpu.memory_space<vmem_shared>> -> memref<64x64xf32, #tpu.memory_space<vmem_shared>>
      tpu.wait_dma2 semaphore(%run_scoped3A_204 : memref<!tpu.dma_semaphore, #tpu.memory_space<semaphore_mem>>) src(%arg32 : memref<64x64xf32, #tpu.memory_space<vmem>>) dst(%dma_wait3A_210 : memref<64x64xf32, #tpu.memory_space<vmem_shared>>)
      tpu.yield
    }) : () -> ()
    %add3A_181 = arith.constant 256 : i32
    %add3A_182 = arith.addi %mul3A_172, %add3A_181 : i32
    "tpu.region"() ({
      %run_scoped3A_204 = tpu.sem_alloc : memref<!tpu.dma_semaphore, #tpu.memory_space<semaphore_mem>>
      %dma_start3A = arith.constant 0 : i32
      %dma_start3A_205 = tpu.memref_slice %arg36[%add3A_182, %dma_start3A] : memref<10112x64xf32, #tpu.memory_space<vmem_shared>> -> memref<64x64xf32, #tpu.memory_space<vmem_shared>>
      %dma_start3A_206 = arith.constant 0 : i32
      %dma_start3A_207 = tpu.memref_slice %arg36[%add3A_182, %dma_start3A_206] : memref<10112x64xf32, #tpu.memory_space<vmem_shared>> -> memref<64x64xf32, #tpu.memory_space<vmem_shared>>
      tpu.enqueue_dma source(%arg32 : memref<64x64xf32, #tpu.memory_space<vmem>>) target(%dma_start3A_207 : memref<64x64xf32, #tpu.memory_space<vmem_shared>>) target_semaphore(%run_scoped3A_204 : memref<!tpu.dma_semaphore, #tpu.memory_space<semaphore_mem>>)
      %dma_wait3A = arith.constant 0 : i32
      %dma_wait3A_208 = tpu.memref_slice %arg36[%add3A_182, %dma_wait3A] : memref<10112x64xf32, #tpu.memory_space<vmem_shared>> -> memref<64x64xf32, #tpu.memory_space<vmem_shared>>
      %dma_wait3A_209 = arith.constant 0 : i32
      %dma_wait3A_210 = tpu.memref_slice %arg36[%add3A_182, %dma_wait3A_209] : memref<10112x64xf32, #tpu.memory_space<vmem_shared>> -> memref<64x64xf32, #tpu.memory_space<vmem_shared>>
      tpu.wait_dma2 semaphore(%run_scoped3A_204 : memref<!tpu.dma_semaphore, #tpu.memory_space<semaphore_mem>>) src(%arg32 : memref<64x64xf32, #tpu.memory_space<vmem>>) dst(%dma_wait3A_210 : memref<64x64xf32, #tpu.memory_space<vmem_shared>>)
      tpu.yield
    }) : () -> ()
    %add3A_183 = arith.constant 320 : i32
    %add3A_184 = arith.addi %mul3A_172, %add3A_183 : i32
    "tpu.region"() ({
      %run_scoped3A_204 = tpu.sem_alloc : memref<!tpu.dma_semaphore, #tpu.memory_space<semaphore_mem>>
      %dma_start3A = arith.constant 0 : i32
      %dma_start3A_205 = tpu.memref_slice %arg36[%add3A_184, %dma_start3A] : memref<10112x64xf32, #tpu.memory_space<vmem_shared>> -> memref<64x64xf32, #tpu.memory_space<vmem_shared>>
      %dma_start3A_206 = arith.constant 0 : i32
      %dma_start3A_207 = tpu.memref_slice %arg36[%add3A_184, %dma_start3A_206] : memref<10112x64xf32, #tpu.memory_space<vmem_shared>> -> memref<64x64xf32, #tpu.memory_space<vmem_shared>>
      tpu.enqueue_dma source(%arg32 : memref<64x64xf32, #tpu.memory_space<vmem>>) target(%dma_start3A_207 : memref<64x64xf32, #tpu.memory_space<vmem_shared>>) target_semaphore(%run_scoped3A_204 : memref<!tpu.dma_semaphore, #tpu.memory_space<semaphore_mem>>)
      %dma_wait3A = arith.constant 0 : i32
      %dma_wait3A_208 = tpu.memref_slice %arg36[%add3A_184, %dma_wait3A] : memref<10112x64xf32, #tpu.memory_space<vmem_shared>> -> memref<64x64xf32, #tpu.memory_space<vmem_shared>>
      %dma_wait3A_209 = arith.constant 0 : i32
      %dma_wait3A_210 = tpu.memref_slice %arg36[%add3A_184, %dma_wait3A_209] : memref<10112x64xf32, #tpu.memory_space<vmem_shared>> -> memref<64x64xf32, #tpu.memory_space<vmem_shared>>
      tpu.wait_dma2 semaphore(%run_scoped3A_204 : memref<!tpu.dma_semaphore, #tpu.memory_space<semaphore_mem>>) src(%arg32 : memref<64x64xf32, #tpu.memory_space<vmem>>) dst(%dma_wait3A_210 : memref<64x64xf32, #tpu.memory_space<vmem_shared>>)
      tpu.yield
    }) : () -> ()
    %add3A_185 = arith.constant 384 : i32
    %add3A_186 = arith.addi %mul3A_172, %add3A_185 : i32
    "tpu.region"() ({
      %run_scoped3A_204 = tpu.sem_alloc : memref<!tpu.dma_semaphore, #tpu.memory_space<semaphore_mem>>
      %dma_start3A = arith.constant 0 : i32
      %dma_start3A_205 = tpu.memref_slice %arg36[%add3A_186, %dma_start3A] : memref<10112x64xf32, #tpu.memory_space<vmem_shared>> -> memref<64x64xf32, #tpu.memory_space<vmem_shared>>
      %dma_start3A_206 = arith.constant 0 : i32
      %dma_start3A_207 = tpu.memref_slice %arg36[%add3A_186, %dma_start3A_206] : memref<10112x64xf32, #tpu.memory_space<vmem_shared>> -> memref<64x64xf32, #tpu.memory_space<vmem_shared>>
      tpu.enqueue_dma source(%arg32 : memref<64x64xf32, #tpu.memory_space<vmem>>) target(%dma_start3A_207 : memref<64x64xf32, #tpu.memory_space<vmem_shared>>) target_semaphore(%run_scoped3A_204 : memref<!tpu.dma_semaphore, #tpu.memory_space<semaphore_mem>>)
      %dma_wait3A = arith.constant 0 : i32
      %dma_wait3A_208 = tpu.memref_slice %arg36[%add3A_186, %dma_wait3A] : memref<10112x64xf32, #tpu.memory_space<vmem_shared>> -> memref<64x64xf32, #tpu.memory_space<vmem_shared>>
      %dma_wait3A_209 = arith.constant 0 : i32
      %dma_wait3A_210 = tpu.memref_slice %arg36[%add3A_186, %dma_wait3A_209] : memref<10112x64xf32, #tpu.memory_space<vmem_shared>> -> memref<64x64xf32, #tpu.memory_space<vmem_shared>>
      tpu.wait_dma2 semaphore(%run_scoped3A_204 : memref<!tpu.dma_semaphore, #tpu.memory_space<semaphore_mem>>) src(%arg32 : memref<64x64xf32, #tpu.memory_space<vmem>>) dst(%dma_wait3A_210 : memref<64x64xf32, #tpu.memory_space<vmem_shared>>)
      tpu.yield
    }) : () -> ()
    %add3A_187 = arith.constant 448 : i32
    %add3A_188 = arith.addi %mul3A_172, %add3A_187 : i32
    "tpu.region"() ({
      %run_scoped3A_204 = tpu.sem_alloc : memref<!tpu.dma_semaphore, #tpu.memory_space<semaphore_mem>>
      %dma_start3A = arith.constant 0 : i32
      %dma_start3A_205 = tpu.memref_slice %arg36[%add3A_188, %dma_start3A] : memref<10112x64xf32, #tpu.memory_space<vmem_shared>> -> memref<64x64xf32, #tpu.memory_space<vmem_shared>>
      %dma_start3A_206 = arith.constant 0 : i32
      %dma_start3A_207 = tpu.memref_slice %arg36[%add3A_188, %dma_start3A_206] : memref<10112x64xf32, #tpu.memory_space<vmem_shared>> -> memref<64x64xf32, #tpu.memory_space<vmem_shared>>
      tpu.enqueue_dma source(%arg32 : memref<64x64xf32, #tpu.memory_space<vmem>>) target(%dma_start3A_207 : memref<64x64xf32, #tpu.memory_space<vmem_shared>>) target_semaphore(%run_scoped3A_204 : memref<!tpu.dma_semaphore, #tpu.memory_space<semaphore_mem>>)
      %dma_wait3A = arith.constant 0 : i32
      %dma_wait3A_208 = tpu.memref_slice %arg36[%add3A_188, %dma_wait3A] : memref<10112x64xf32, #tpu.memory_space<vmem_shared>> -> memref<64x64xf32, #tpu.memory_space<vmem_shared>>
      %dma_wait3A_209 = arith.constant 0 : i32
      %dma_wait3A_210 = tpu.memref_slice %arg36[%add3A_188, %dma_wait3A_209] : memref<10112x64xf32, #tpu.memory_space<vmem_shared>> -> memref<64x64xf32, #tpu.memory_space<vmem_shared>>
      tpu.wait_dma2 semaphore(%run_scoped3A_204 : memref<!tpu.dma_semaphore, #tpu.memory_space<semaphore_mem>>) src(%arg32 : memref<64x64xf32, #tpu.memory_space<vmem>>) dst(%dma_wait3A_210 : memref<64x64xf32, #tpu.memory_space<vmem_shared>>)
      tpu.yield
    }) : () -> ()
    %add3A_189 = arith.constant 512 : i32
    %add3A_190 = arith.addi %mul3A_172, %add3A_189 : i32
    "tpu.region"() ({
      %run_scoped3A_204 = tpu.sem_alloc : memref<!tpu.dma_semaphore, #tpu.memory_space<semaphore_mem>>
      %dma_start3A = arith.constant 0 : i32
      %dma_start3A_205 = tpu.memref_slice %arg36[%add3A_190, %dma_start3A] : memref<10112x64xf32, #tpu.memory_space<vmem_shared>> -> memref<64x64xf32, #tpu.memory_space<vmem_shared>>
      %dma_start3A_206 = arith.constant 0 : i32
      %dma_start3A_207 = tpu.memref_slice %arg36[%add3A_190, %dma_start3A_206] : memref<10112x64xf32, #tpu.memory_space<vmem_shared>> -> memref<64x64xf32, #tpu.memory_space<vmem_shared>>
      tpu.enqueue_dma source(%arg32 : memref<64x64xf32, #tpu.memory_space<vmem>>) target(%dma_start3A_207 : memref<64x64xf32, #tpu.memory_space<vmem_shared>>) target_semaphore(%run_scoped3A_204 : memref<!tpu.dma_semaphore, #tpu.memory_space<semaphore_mem>>)
      %dma_wait3A = arith.constant 0 : i32
      %dma_wait3A_208 = tpu.memref_slice %arg36[%add3A_190, %dma_wait3A] : memref<10112x64xf32, #tpu.memory_space<vmem_shared>> -> memref<64x64xf32, #tpu.memory_space<vmem_shared>>
      %dma_wait3A_209 = arith.constant 0 : i32
      %dma_wait3A_210 = tpu.memref_slice %arg36[%add3A_190, %dma_wait3A_209] : memref<10112x64xf32, #tpu.memory_space<vmem_shared>> -> memref<64x64xf32, #tpu.memory_space<vmem_shared>>
      tpu.wait_dma2 semaphore(%run_scoped3A_204 : memref<!tpu.dma_semaphore, #tpu.memory_space<semaphore_mem>>) src(%arg32 : memref<64x64xf32, #tpu.memory_space<vmem>>) dst(%dma_wait3A_210 : memref<64x64xf32, #tpu.memory_space<vmem_shared>>)
      tpu.yield
    }) : () -> ()
    %add3A_191 = arith.constant 576 : i32
    %add3A_192 = arith.addi %mul3A_172, %add3A_191 : i32
    "tpu.region"() ({
      %run_scoped3A_204 = tpu.sem_alloc : memref<!tpu.dma_semaphore, #tpu.memory_space<semaphore_mem>>
      %dma_start3A = arith.constant 0 : i32
      %dma_start3A_205 = arith.constant 0 : i32
      %dma_start3A_206 = tpu.memref_slice %arg32[%dma_start3A, %dma_start3A_205] : memref<64x64xf32, #tpu.memory_space<vmem>> -> memref<56x64xf32, #tpu.memory_space<vmem>>
      %dma_start3A_207 = arith.constant 0 : i32
      %dma_start3A_208 = tpu.memref_slice %arg36[%add3A_192, %dma_start3A_207] : memref<10112x64xf32, #tpu.memory_space<vmem_shared>> -> memref<56x64xf32, #tpu.memory_space<vmem_shared>>
      %dma_start3A_209 = arith.constant 0 : i32
      %dma_start3A_210 = tpu.memref_slice %arg36[%add3A_192, %dma_start3A_209] : memref<10112x64xf32, #tpu.memory_space<vmem_shared>> -> memref<56x64xf32, #tpu.memory_space<vmem_shared>>
      %dma_start3A_211 = arith.constant 0 : i32
      %dma_start3A_212 = arith.constant 0 : i32
      %dma_start3A_213 = tpu.memref_slice %arg32[%dma_start3A_211, %dma_start3A_212] : memref<64x64xf32, #tpu.memory_space<vmem>> -> memref<56x64xf32, #tpu.memory_space<vmem>>
      tpu.enqueue_dma source(%dma_start3A_213 : memref<56x64xf32, #tpu.memory_space<vmem>>) target(%dma_start3A_210 : memref<56x64xf32, #tpu.memory_space<vmem_shared>>) target_semaphore(%run_scoped3A_204 : memref<!tpu.dma_semaphore, #tpu.memory_space<semaphore_mem>>)
      %dma_wait3A = arith.constant 0 : i32
      %dma_wait3A_214 = arith.constant 0 : i32
      %dma_wait3A_215 = tpu.memref_slice %arg32[%dma_wait3A, %dma_wait3A_214] : memref<64x64xf32, #tpu.memory_space<vmem>> -> memref<56x64xf32, #tpu.memory_space<vmem>>
      %dma_wait3A_216 = arith.constant 0 : i32
      %dma_wait3A_217 = tpu.memref_slice %arg36[%add3A_192, %dma_wait3A_216] : memref<10112x64xf32, #tpu.memory_space<vmem_shared>> -> memref<56x64xf32, #tpu.memory_space<vmem_shared>>
      %dma_wait3A_218 = arith.constant 0 : i32
      %dma_wait3A_219 = tpu.memref_slice %arg36[%add3A_192, %dma_wait3A_218] : memref<10112x64xf32, #tpu.memory_space<vmem_shared>> -> memref<56x64xf32, #tpu.memory_space<vmem_shared>>
      %dma_wait3A_220 = arith.constant 0 : i32
      %dma_wait3A_221 = arith.constant 0 : i32
      %dma_wait3A_222 = tpu.memref_slice %arg32[%dma_wait3A_220, %dma_wait3A_221] : memref<64x64xf32, #tpu.memory_space<vmem>> -> memref<56x64xf32, #tpu.memory_space<vmem>>
      tpu.wait_dma2 semaphore(%run_scoped3A_204 : memref<!tpu.dma_semaphore, #tpu.memory_space<semaphore_mem>>) src(%dma_wait3A_222 : memref<56x64xf32, #tpu.memory_space<vmem>>) dst(%dma_wait3A_219 : memref<56x64xf32, #tpu.memory_space<vmem_shared>>)
      tpu.yield
    }) : () -> ()
    %barrier3A_193 = arith.constant 0 : index
    tpu.barrier barrier_id(%barrier3A_193)
    %scan3A_194 = arith.constant 0 : i32
    %scan3A_195 = arith.constant 0 : i32
    %scan3A_196 = arith.constant 167 : i32
    %scan3A_197 = arith.addi %scan3A_195, %scan3A_196 : i32
    %scan3A_198 = arith.constant 1 : i32
    %scan3A_199 = scf.for %scan3A_204 = %scan3A_195 to %scan3A_197 step %scan3A_198 iter_args(%scan3A_205 = %scan3A_194) -> (i32)  : i32 {
      %mul3A_206 = arith.constant 64 : i32
      %mul3A_207 = arith.muli %scan3A_204, %mul3A_206 : i32
      %dma_start3A = arith.constant 0 : i32
      %dma_start3A_208 = tpu.memref_slice %arg10[%mul3A_207] : memref<10688xi32, #tpu.memory_space<vmem>> -> memref<64xi32, #tpu.memory_space<vmem>>
      %dma_start3A_209 = arith.constant 0 : i32
      %dma_start3A_210 = arith.constant 0 : i32
      %dma_start3A_211 = tpu.memref_slice %arg7[%arg0, %dma_start3A, %dma_start3A_209, %dma_start3A_210] : memref<2x2x10000x64xf32, #tpu.memory_space<hbm>> -> memref<1x1x10000x64xf32, #tpu.memory_space<hbm>>
      %dma_start3A_212 = tpu.memref_squeeze %dma_start3A_211 : memref<1x1x10000x64xf32, #tpu.memory_space<hbm>> -> memref<10000x64xf32, #tpu.memory_space<hbm>>
      %dma_start3A_213 = arith.constant 0 : i32
      %dma_start3A_214 = arith.constant 0 : i32
      %dma_start3A_215 = tpu.memref_slice %dma_start3A_212[%dma_start3A_213, %dma_start3A_214] : memref<10000x64xf32, #tpu.memory_space<hbm>> -> memref<10000x64xf32, #tpu.memory_space<hbm>>
      tpu.enqueue_indirect_dma source(%dma_start3A_215 : memref<10000x64xf32, #tpu.memory_space<hbm>>) target(%arg14 : memref<64x64xf32, #tpu.memory_space<vmem>>) offsets(%dma_start3A_208 : memref<64xi32, #tpu.memory_space<vmem>>) semaphore(%arg38 : memref<!tpu.dma_semaphore, #tpu.memory_space<semaphore_mem>>)
      %dma_wait3A = arith.constant 0 : i32
      %dma_wait3A_216 = tpu.memref_slice %arg10[%mul3A_207] : memref<10688xi32, #tpu.memory_space<vmem>> -> memref<64xi32, #tpu.memory_space<vmem>>
      %dma_wait3A_217 = arith.constant 0 : i32
      %dma_wait3A_218 = arith.constant 0 : i32
      %dma_wait3A_219 = tpu.memref_slice %arg7[%arg0, %dma_wait3A, %dma_wait3A_217, %dma_wait3A_218] : memref<2x2x10000x64xf32, #tpu.memory_space<hbm>> -> memref<1x1x10000x64xf32, #tpu.memory_space<hbm>>
      %dma_wait3A_220 = tpu.memref_squeeze %dma_wait3A_219 : memref<1x1x10000x64xf32, #tpu.memory_space<hbm>> -> memref<10000x64xf32, #tpu.memory_space<hbm>>
      %dma_wait3A_221 = arith.constant 0 : i32
      %dma_wait3A_222 = arith.constant 0 : i32
      %dma_wait3A_223 = tpu.memref_slice %dma_wait3A_220[%dma_wait3A_221, %dma_wait3A_222] : memref<10000x64xf32, #tpu.memory_space<hbm>> -> memref<10000x64xf32, #tpu.memory_space<hbm>>
      tpu.wait_indirect_dma semaphore(%arg38 : memref<!tpu.dma_semaphore, #tpu.memory_space<semaphore_mem>>) src(%dma_wait3A_223 : memref<10000x64xf32, #tpu.memory_space<hbm>>) dst(%arg14 : memref<64x64xf32, #tpu.memory_space<vmem>>)
      %mul3A_224 = arith.constant 64 : i32
      %mul3A_225 = arith.muli %scan3A_204, %mul3A_224 : i32
      %add3A_226 = arith.constant 0 : i32
      %add3A_227 = arith.addi %mul3A_225, %add3A_226 : i32
      %get3A_228 = arith.index_cast %add3A_227 : i32 to index
      %get3A_229 = tpu.vector_load %arg11[%get3A_228] {strides = array<i32>} : memref<10688xi32, #tpu.memory_space<vmem>>, vector<16xi32>,
      %swap3A = arith.constant 0 : index
      %swap3A_230 = tpu.vector_load %arg30[%swap3A] {strides = array<i32>} : memref<64xi32, #tpu.memory_space<vmem>>, vector<16xi32>,
      tpu.vector_store %arg30[%swap3A], %get3A_229 {strides = array<i32>} : memref<64xi32, #tpu.memory_space<vmem>>, vector<16xi32>,
      %add3A_231 = arith.constant 16 : i32
      %add3A_232 = arith.addi %mul3A_225, %add3A_231 : i32
      %get3A_233 = arith.index_cast %add3A_232 : i32 to index
      %get3A_234 = tpu.vector_load %arg11[%get3A_233] {strides = array<i32>} : memref<10688xi32, #tpu.memory_space<vmem>>, vector<16xi32>,
      %swap3A_235 = arith.constant 16 : index
      %swap3A_236 = tpu.vector_load %arg30[%swap3A_235] {strides = array<i32>} : memref<64xi32, #tpu.memory_space<vmem>>, vector<16xi32>,
      tpu.vector_store %arg30[%swap3A_235], %get3A_234 {strides = array<i32>} : memref<64xi32, #tpu.memory_space<vmem>>, vector<16xi32>,
      %add3A_237 = arith.constant 32 : i32
      %add3A_238 = arith.addi %mul3A_225, %add3A_237 : i32
      %get3A_239 = arith.index_cast %add3A_238 : i32 to index
      %get3A_240 = tpu.vector_load %arg11[%get3A_239] {strides = array<i32>} : memref<10688xi32, #tpu.memory_space<vmem>>, vector<16xi32>,
      %swap3A_241 = arith.constant 32 : index
      %swap3A_242 = tpu.vector_load %arg30[%swap3A_241] {strides = array<i32>} : memref<64xi32, #tpu.memory_space<vmem>>, vector<16xi32>,
      tpu.vector_store %arg30[%swap3A_241], %get3A_240 {strides = array<i32>} : memref<64xi32, #tpu.memory_space<vmem>>, vector<16xi32>,
      %add3A_243 = arith.constant 48 : i32
      %add3A_244 = arith.addi %mul3A_225, %add3A_243 : i32
      %get3A_245 = arith.index_cast %add3A_244 : i32 to index
      %get3A_246 = tpu.vector_load %arg11[%get3A_245] {strides = array<i32>} : memref<10688xi32, #tpu.memory_space<vmem>>, vector<16xi32>,
      %swap3A_247 = arith.constant 48 : index
      %swap3A_248 = tpu.vector_load %arg30[%swap3A_247] {strides = array<i32>} : memref<64xi32, #tpu.memory_space<vmem>>, vector<16xi32>,
      tpu.vector_store %arg30[%swap3A_247], %get3A_246 {strides = array<i32>} : memref<64xi32, #tpu.memory_space<vmem>>, vector<16xi32>,
      %scan3A_249 = arith.constant 0 : i32
      %scan3A_250 = arith.constant 0 : i32
      %scan3A_251 = arith.constant 64 : i32
      %scan3A_252 = arith.addi %scan3A_250, %scan3A_251 : i32
      %scan3A_253 = arith.constant 1 : i32
      %scan3A_254 = scf.for %scan3A_257 = %scan3A_250 to %scan3A_252 step %scan3A_253 iter_args(%scan3A_258 = %scan3A_249) -> (i32)  : i32 {
        %add3A_259 = arith.addi %mul3A_225, %scan3A_257 : i32
        %broadcast_in_dim3A_260 = vector.broadcast %add3A_259 : i32 to vector<16xi32>
        %gather3A = tpu.vector_load_idx %arg12[%broadcast_in_dim3A_260] : memref<10688xf32, #tpu.memory_space<vmem>>[vector<16xi32>], vector<16xf32>,
        %get3A_261 = arith.index_cast %scan3A_257 : i32 to index
        %get3A_262 = arith.constant 0 : index
        %get3A_263 = tpu.vector_load %arg14[%get3A_261, %get3A_262] {strides = array<i32>} : memref<64x64xf32, #tpu.memory_space<vmem>>, vector<16xf32>,
        %mul3A_264 = arith.mulf %get3A_263, %gather3A : vector<16xf32>
        %swap3A_265 = arith.index_cast %scan3A_257 : i32 to index
        %swap3A_266 = arith.constant 0 : index
        %swap3A_267 = tpu.vector_load %arg14[%swap3A_265, %swap3A_266] {strides = array<i32>} : memref<64x64xf32, #tpu.memory_space<vmem>>, vector<16xf32>,
        tpu.vector_store %arg14[%swap3A_265, %swap3A_266], %mul3A_264 {strides = array<i32>} : memref<64x64xf32, #tpu.memory_space<vmem>>, vector<16xf32>,
        %get3A_268 = arith.index_cast %scan3A_257 : i32 to index
        %get3A_269 = arith.constant 16 : index
        %get3A_270 = tpu.vector_load %arg14[%get3A_268, %get3A_269] {strides = array<i32>} : memref<64x64xf32, #tpu.memory_space<vmem>>, vector<16xf32>,
        %mul3A_271 = arith.mulf %get3A_270, %gather3A : vector<16xf32>
        %swap3A_272 = arith.index_cast %scan3A_257 : i32 to index
        %swap3A_273 = arith.constant 16 : index
        %swap3A_274 = tpu.vector_load %arg14[%swap3A_272, %swap3A_273] {strides = array<i32>} : memref<64x64xf32, #tpu.memory_space<vmem>>, vector<16xf32>,
        tpu.vector_store %arg14[%swap3A_272, %swap3A_273], %mul3A_271 {strides = array<i32>} : memref<64x64xf32, #tpu.memory_space<vmem>>, vector<16xf32>,
        %get3A_275 = arith.index_cast %scan3A_257 : i32 to index
        %get3A_276 = arith.constant 32 : index
        %get3A_277 = tpu.vector_load %arg14[%get3A_275, %get3A_276] {strides = array<i32>} : memref<64x64xf32, #tpu.memory_space<vmem>>, vector<16xf32>,
        %mul3A_278 = arith.mulf %get3A_277, %gather3A : vector<16xf32>
        %swap3A_279 = arith.index_cast %scan3A_257 : i32 to index
        %swap3A_280 = arith.constant 32 : index
        %swap3A_281 = tpu.vector_load %arg14[%swap3A_279, %swap3A_280] {strides = array<i32>} : memref<64x64xf32, #tpu.memory_space<vmem>>, vector<16xf32>,
        tpu.vector_store %arg14[%swap3A_279, %swap3A_280], %mul3A_278 {strides = array<i32>} : memref<64x64xf32, #tpu.memory_space<vmem>>, vector<16xf32>,
        %get3A_282 = arith.index_cast %scan3A_257 : i32 to index
        %get3A_283 = arith.constant 48 : index
        %get3A_284 = tpu.vector_load %arg14[%get3A_282, %get3A_283] {strides = array<i32>} : memref<64x64xf32, #tpu.memory_space<vmem>>, vector<16xf32>,
        %mul3A_285 = arith.mulf %get3A_284, %gather3A : vector<16xf32>
        %swap3A_286 = arith.index_cast %scan3A_257 : i32 to index
        %swap3A_287 = arith.constant 48 : index
        %swap3A_288 = tpu.vector_load %arg14[%swap3A_286, %swap3A_287] {strides = array<i32>} : memref<64x64xf32, #tpu.memory_space<vmem>>, vector<16xf32>,
        tpu.vector_store %arg14[%swap3A_286, %swap3A_287], %mul3A_285 {strides = array<i32>} : memref<64x64xf32, #tpu.memory_space<vmem>>, vector<16xf32>,
        %scan3A_289 = arith.constant 0 : i32
        scf.yield %scan3A_289 : i32
      }
      %scan3A_255 = arith.constant 64 : i32
      "tpu.region"() ({
        %run_scoped3A_257 = tpu.sem_alloc : memref<!tpu.dma_semaphore, #tpu.memory_space<semaphore_mem>>
        %dma_start3A_258 = arith.constant 0 : i32
        %dma_start3A_259 = arith.constant 0 : i32
        %dma_start3A_260 = tpu.memref_slice %arg36[%dma_start3A_258, %dma_start3A_259] : memref<10112x64xf32, #tpu.memory_space<vmem_shared>> -> memref<10112x64xf32, #tpu.memory_space<vmem_shared>>
        tpu.enqueue_indirect_dma source(%arg14 : memref<64x64xf32, #tpu.memory_space<vmem>>) target(%dma_start3A_260 : memref<10112x64xf32, #tpu.memory_space<vmem_shared>>) offsets(%arg30 : memref<64xi32, #tpu.memory_space<vmem>>) semaphore(%run_scoped3A_257 : memref<!tpu.dma_semaphore, #tpu.memory_space<semaphore_mem>>) {add = true}
        %dma_wait3A_261 = arith.constant 0 : i32
        %dma_wait3A_262 = arith.constant 0 : i32
        %dma_wait3A_263 = tpu.memref_slice %arg36[%dma_wait3A_261, %dma_wait3A_262] : memref<10112x64xf32, #tpu.memory_space<vmem_shared>> -> memref<10112x64xf32, #tpu.memory_space<vmem_shared>>
        tpu.wait_indirect_dma semaphore(%run_scoped3A_257 : memref<!tpu.dma_semaphore, #tpu.memory_space<semaphore_mem>>) src(%arg14 : memref<64x64xf32, #tpu.memory_space<vmem>>) dst(%dma_wait3A_263 : memref<10112x64xf32, #tpu.memory_space<vmem_shared>>)
        tpu.yield
      }) : () -> ()
      %scan3A_256 = arith.constant 0 : i32
      scf.yield %scan3A_256 : i32
    }
    %scan3A_200 = arith.constant 167 : i32
    %barrier3A_201 = arith.constant 0 : index
    tpu.barrier barrier_id(%barrier3A_201)
    %run_scoped3A_202 = arith.constant 3 : i32
    "tpu.region"() ({
      %run_scoped3A_204 = tpu.sem_alloc : memref<!tpu.dma_semaphore, #tpu.memory_space<semaphore_mem>>
      %dma_start3A = arith.constant 0 : i32
      %dma_start3A_205 = tpu.memref_slice %arg9[%arg0, %run_scoped3A_202, %mul3A_172, %dma_start3A] : memref<2x4x10112x64xf32, #tpu.memory_space<hbm>> -> memref<1x1x632x64xf32, #tpu.memory_space<hbm>>
      %dma_start3A_206 = tpu.memref_squeeze %dma_start3A_205 : memref<1x1x632x64xf32, #tpu.memory_space<hbm>> -> memref<632x64xf32, #tpu.memory_space<hbm>>
      %dma_start3A_207 = arith.constant 0 : i32
      %dma_start3A_208 = tpu.memref_slice %arg36[%mul3A_172, %dma_start3A_207] : memref<10112x64xf32, #tpu.memory_space<vmem_shared>> -> memref<632x64xf32, #tpu.memory_space<vmem_shared>>
      tpu.enqueue_dma source(%dma_start3A_208 : memref<632x64xf32, #tpu.memory_space<vmem_shared>>) target(%dma_start3A_206 : memref<632x64xf32, #tpu.memory_space<hbm>>) target_semaphore(%run_scoped3A_204 : memref<!tpu.dma_semaphore, #tpu.memory_space<semaphore_mem>>)
      %dma_wait3A = arith.constant 0 : i32
      %dma_wait3A_209 = tpu.memref_slice %arg9[%arg0, %run_scoped3A_202, %mul3A_172, %dma_wait3A] : memref<2x4x10112x64xf32, #tpu.memory_space<hbm>> -> memref<1x1x632x64xf32, #tpu.memory_space<hbm>>
      %dma_wait3A_210 = tpu.memref_squeeze %dma_wait3A_209 : memref<1x1x632x64xf32, #tpu.memory_space<hbm>> -> memref<632x64xf32, #tpu.memory_space<hbm>>
      %dma_wait3A_211 = arith.constant 0 : i32
      %dma_wait3A_212 = tpu.memref_slice %arg36[%mul3A_172, %dma_wait3A_211] : memref<10112x64xf32, #tpu.memory_space<vmem_shared>> -> memref<632x64xf32, #tpu.memory_space<vmem_shared>>
      tpu.wait_dma2 semaphore(%run_scoped3A_204 : memref<!tpu.dma_semaphore, #tpu.memory_space<semaphore_mem>>) src(%dma_wait3A_212 : memref<632x64xf32, #tpu.memory_space<vmem_shared>>) dst(%dma_wait3A_210 : memref<632x64xf32, #tpu.memory_space<hbm>>)
      tpu.yield
    }) : () -> ()
    %barrier3A_203 = arith.constant 0 : index
    tpu.barrier barrier_id(%barrier3A_203)
    return
  }
}

module attributes {stable_mosaic.version = 14 : i64} {
  func.func @_mm_body(%arg0: i32, %arg1: i32, %arg2: memref<1000x256xf32, #tpu.memory_space<vmem>>, %arg3: memref<1x256x256xf32, #tpu.memory_space<vmem>>, %arg4: memref<1x1x256xf32, #tpu.memory_space<vmem>>, %arg5: memref<1x1000x64xf32, #tpu.memory_space<vmem>>, %arg6: memref<1x1000x64xf32, #tpu.memory_space<vmem>>, %arg7: memref<1x1000x64xf32, #tpu.memory_space<vmem>>, %arg8: memref<1x1000x64xf32, #tpu.memory_space<vmem>>) attributes {dimension_semantics = [#tpu.dimension_semantics<arbitrary>, #tpu.dimension_semantics<arbitrary>], iteration_bounds = array<i64: 4, 10>, scalar_prefetch = 0 : i64, scratch_operands = 0 : i64, tpu.core_type = #tpu.core_type<tc>, window_params = [{transform_indices = @transform_0, window_bounds = array<i64: 1000, 256>}, {transform_indices = @transform_1, window_bounds = array<i64: 1, 256, 256>}, {transform_indices = @transform_2, window_bounds = array<i64: 1, 1, 256>}, {transform_indices = @transform_3, window_bounds = array<i64: 1, 1000, 64>}, {transform_indices = @transform_4, window_bounds = array<i64: 1, 1000, 64>}, {transform_indices = @transform_5, window_bounds = array<i64: 1, 1000, 64>}, {transform_indices = @transform_6, window_bounds = array<i64: 1, 1000, 64>}]} {
    %get3A = arith.constant 0 : index
    %get3A_0 = arith.constant 0 : index
    %get3A_1 = vector.load %arg2[%get3A, %get3A_0] : memref<1000x256xf32, #tpu.memory_space<vmem>>, vector<1000x256xf32>
    %get3A_2 = arith.constant 0 : index
    %get3A_3 = arith.constant 0 : index
    %get3A_4 = arith.constant 0 : index
    %get3A_5 = vector.load %arg3[%get3A_2, %get3A_3, %get3A_4] : memref<1x256x256xf32, #tpu.memory_space<vmem>>, vector<1x256x256xf32>
    %get3A_6 = vector.shape_cast %get3A_5 : vector<1x256x256xf32> to vector<256x256xf32>
    %dot_general3A = arith.constant dense<0.000000e+00> : vector<1000x256xf32>
    %dot_general3A_7 = tpu.matmul %get3A_1, %get3A_6, %dot_general3A {dimension_numbers = #tpu.dot_dimension_numbers<[1], [0], [0], [1], [0, 0, 1, 1], [], []>, transpose_lhs_hint = false} : vector<1000x256xf32>, vector<256x256xf32>, vector<1000x256xf32> -> vector<1000x256xf32>
    %get3A_8 = arith.constant 0 : index
    %get3A_9 = arith.constant 0 : index
    %get3A_10 = arith.constant 0 : index
    %get3A_11 = vector.load %arg4[%get3A_8, %get3A_9, %get3A_10] : memref<1x1x256xf32, #tpu.memory_space<vmem>>, vector<1x1x256xf32>
    %get3A_12 = vector.shape_cast %get3A_11 : vector<1x1x256xf32> to vector<256xf32>
    %broadcast_in_dim3A = vector.shape_cast %get3A_12 : vector<256xf32> to vector<1x256xf32>
    %add3A = vector.broadcast %broadcast_in_dim3A : vector<1x256xf32> to vector<1000x256xf32>
    %add3A_13 = arith.addf %dot_general3A_7, %add3A : vector<1000x256xf32>
    %slice3A = vector.extract_strided_slice %add3A_13 {offsets = [0, 0], sizes = [1000, 64], strides = [1, 1]} : vector<1000x256xf32> to vector<1000x64xf32>
    %swap3A = arith.constant 0 : index
    %swap3A_14 = arith.constant 0 : index
    %swap3A_15 = arith.constant 0 : index
    %swap3A_16 = vector.load %arg5[%swap3A, %swap3A_14, %swap3A_15] : memref<1x1000x64xf32, #tpu.memory_space<vmem>>, vector<1x1000x64xf32>
    %swap3A_17 = vector.shape_cast %swap3A_16 : vector<1x1000x64xf32> to vector<1000x64xf32>
    %swap3A_18 = vector.shape_cast %slice3A : vector<1000x64xf32> to vector<1x1000x64xf32>
    tpu.vector_store %arg5[%swap3A, %swap3A_14, %swap3A_15], %swap3A_18 {strides = array<i32>} : memref<1x1000x64xf32, #tpu.memory_space<vmem>>, vector<1x1000x64xf32>,
    %slice3A_19 = vector.extract_strided_slice %add3A_13 {offsets = [0, 64], sizes = [1000, 64], strides = [1, 1]} : vector<1000x256xf32> to vector<1000x64xf32>
    %swap3A_20 = arith.constant 0 : index
    %swap3A_21 = arith.constant 0 : index
    %swap3A_22 = arith.constant 0 : index
    %swap3A_23 = vector.load %arg6[%swap3A_20, %swap3A_21, %swap3A_22] : memref<1x1000x64xf32, #tpu.memory_space<vmem>>, vector<1x1000x64xf32>
    %swap3A_24 = vector.shape_cast %swap3A_23 : vector<1x1000x64xf32> to vector<1000x64xf32>
    %swap3A_25 = vector.shape_cast %slice3A_19 : vector<1000x64xf32> to vector<1x1000x64xf32>
    tpu.vector_store %arg6[%swap3A_20, %swap3A_21, %swap3A_22], %swap3A_25 {strides = array<i32>} : memref<1x1000x64xf32, #tpu.memory_space<vmem>>, vector<1x1000x64xf32>,
    %slice3A_26 = vector.extract_strided_slice %add3A_13 {offsets = [0, 128], sizes = [1000, 64], strides = [1, 1]} : vector<1000x256xf32> to vector<1000x64xf32>
    %swap3A_27 = arith.constant 0 : index
    %swap3A_28 = arith.constant 0 : index
    %swap3A_29 = arith.constant 0 : index
    %swap3A_30 = vector.load %arg7[%swap3A_27, %swap3A_28, %swap3A_29] : memref<1x1000x64xf32, #tpu.memory_space<vmem>>, vector<1x1000x64xf32>
    %swap3A_31 = vector.shape_cast %swap3A_30 : vector<1x1000x64xf32> to vector<1000x64xf32>
    %swap3A_32 = vector.shape_cast %slice3A_26 : vector<1000x64xf32> to vector<1x1000x64xf32>
    tpu.vector_store %arg7[%swap3A_27, %swap3A_28, %swap3A_29], %swap3A_32 {strides = array<i32>} : memref<1x1000x64xf32, #tpu.memory_space<vmem>>, vector<1x1000x64xf32>,
    %slice3A_33 = vector.extract_strided_slice %add3A_13 {offsets = [0, 192], sizes = [1000, 64], strides = [1, 1]} : vector<1000x256xf32> to vector<1000x64xf32>
    %swap3A_34 = arith.constant 0 : index
    %swap3A_35 = arith.constant 0 : index
    %swap3A_36 = arith.constant 0 : index
    %swap3A_37 = vector.load %arg8[%swap3A_34, %swap3A_35, %swap3A_36] : memref<1x1000x64xf32, #tpu.memory_space<vmem>>, vector<1x1000x64xf32>
    %swap3A_38 = vector.shape_cast %swap3A_37 : vector<1x1000x64xf32> to vector<1000x64xf32>
    %swap3A_39 = vector.shape_cast %slice3A_33 : vector<1000x64xf32> to vector<1x1000x64xf32>
    tpu.vector_store %arg8[%swap3A_34, %swap3A_35, %swap3A_36], %swap3A_39 {strides = array<i32>} : memref<1x1000x64xf32, #tpu.memory_space<vmem>>, vector<1x1000x64xf32>,
    return
  }
  func.func @transform_0(%arg0: i32, %arg1: i32) -> (i32, i32) {
    %c0_i32 = arith.constant 0 : i32
    %c0_i32_0 = arith.constant 0 : i32
    return %arg1, %c0_i32 : i32, i32
  }
  func.func @transform_1(%arg0: i32, %arg1: i32) -> (i32, i32, i32) {
    %c0_i32 = arith.constant 0 : i32
    %c0_i32_0 = arith.constant 0 : i32
    %c0_i32_1 = arith.constant 0 : i32
    return %arg0, %c0_i32, %c0_i32_0 : i32, i32, i32
  }
  func.func @transform_2(%arg0: i32, %arg1: i32) -> (i32, i32, i32) {
    %c0_i32 = arith.constant 0 : i32
    %c0_i32_0 = arith.constant 0 : i32
    %c0_i32_1 = arith.constant 0 : i32
    return %arg0, %c0_i32, %c0_i32_0 : i32, i32, i32
  }
  func.func @transform_3(%arg0: i32, %arg1: i32) -> (i32, i32, i32) {
    %c0_i32 = arith.constant 0 : i32
    %c0_i32_0 = arith.constant 0 : i32
    return %arg0, %arg1, %c0_i32 : i32, i32, i32
  }
  func.func @transform_4(%arg0: i32, %arg1: i32) -> (i32, i32, i32) {
    %c0_i32 = arith.constant 0 : i32
    %c0_i32_0 = arith.constant 0 : i32
    return %arg0, %arg1, %c0_i32 : i32, i32, i32
  }
  func.func @transform_5(%arg0: i32, %arg1: i32) -> (i32, i32, i32) {
    %c0_i32 = arith.constant 0 : i32
    %c0_i32_0 = arith.constant 0 : i32
    return %arg0, %arg1, %c0_i32 : i32, i32, i32
  }
  func.func @transform_6(%arg0: i32, %arg1: i32) -> (i32, i32, i32) {
    %c0_i32 = arith.constant 0 : i32
    %c0_i32_0 = arith.constant 0 : i32
    return %arg0, %arg1, %c0_i32 : i32, i32, i32
  }
}

module attributes {stable_mosaic.version = 14 : i64} {
  func.func @_fin_body(%arg0: i32, %arg1: memref<2x4x1000x64xf32, #tpu.memory_space<vmem>>, %arg2: memref<1xf32, #tpu.memory_space<smem>>, %arg3: memref<1x1x256xf32, #tpu.memory_space<vmem>>, %arg4: memref<1x1x256xf32, #tpu.memory_space<vmem>>, %arg5: memref<1000x256xf32, #tpu.memory_space<vmem>>) attributes {dimension_semantics = [#tpu.dimension_semantics<arbitrary>], iteration_bounds = array<i64: 10>, scalar_prefetch = 0 : i64, scratch_operands = 0 : i64, tpu.core_type = #tpu.core_type<tc>, window_params = [{transform_indices = @transform_0, window_bounds = array<i64: 2, 4, 1000, 64>}, {transform_indices = @transform_1, window_bounds = array<i64: 1>}, {pipeline_mode = #tpu.pipeline_mode<synchronous>, transform_indices = @transform_2, window_bounds = array<i64: 1, 1, 256>}, {pipeline_mode = #tpu.pipeline_mode<synchronous>, transform_indices = @transform_3, window_bounds = array<i64: 1, 1, 256>}, {transform_indices = @transform_4, window_bounds = array<i64: 1000, 256>}]} {
    %get3A = arith.constant 0 : index
    %get3A_0 = arith.constant 0 : index
    %get3A_1 = arith.constant 0 : index
    %get3A_2 = arith.constant 0 : index
    %get3A_3 = vector.load %arg1[%get3A, %get3A_0, %get3A_1, %get3A_2] : memref<2x4x1000x64xf32, #tpu.memory_space<vmem>>, vector<2x4x1000x64xf32>
    %slice3A = vector.extract_strided_slice %get3A_3 {offsets = [0, 0, 0, 0], sizes = [1, 1, 1000, 64], strides = [1, 1, 1, 1]} : vector<2x4x1000x64xf32> to vector<1x1x1000x64xf32>
    %squeeze3A = vector.shape_cast %slice3A : vector<1x1x1000x64xf32> to vector<1000x64xf32>
    %slice3A_4 = vector.extract_strided_slice %get3A_3 {offsets = [0, 1, 0, 0], sizes = [1, 1, 1000, 64], strides = [1, 1, 1, 1]} : vector<2x4x1000x64xf32> to vector<1x1x1000x64xf32>
    %squeeze3A_5 = vector.shape_cast %slice3A_4 : vector<1x1x1000x64xf32> to vector<1000x64xf32>
    %slice3A_6 = vector.extract_strided_slice %get3A_3 {offsets = [0, 2, 0, 0], sizes = [1, 1, 1000, 64], strides = [1, 1, 1, 1]} : vector<2x4x1000x64xf32> to vector<1x1x1000x64xf32>
    %squeeze3A_7 = vector.shape_cast %slice3A_6 : vector<1x1x1000x64xf32> to vector<1000x64xf32>
    %slice3A_8 = vector.extract_strided_slice %get3A_3 {offsets = [0, 3, 0, 0], sizes = [1, 1, 1000, 64], strides = [1, 1, 1, 1]} : vector<2x4x1000x64xf32> to vector<1x1x1000x64xf32>
    %squeeze3A_9 = vector.shape_cast %slice3A_8 : vector<1x1x1000x64xf32> to vector<1000x64xf32>
    %concatenate3A = tpu.concatenate %squeeze3A, %squeeze3A_5, %squeeze3A_7, %squeeze3A_9 in 1 : vector<1000x64xf32>, vector<1000x64xf32>, vector<1000x64xf32>, vector<1000x64xf32> -> vector<1000x256xf32>
    %slice3A_10 = vector.extract_strided_slice %get3A_3 {offsets = [1, 0, 0, 0], sizes = [1, 1, 1000, 64], strides = [1, 1, 1, 1]} : vector<2x4x1000x64xf32> to vector<1x1x1000x64xf32>
    %squeeze3A_11 = vector.shape_cast %slice3A_10 : vector<1x1x1000x64xf32> to vector<1000x64xf32>
    %slice3A_12 = vector.extract_strided_slice %get3A_3 {offsets = [1, 1, 0, 0], sizes = [1, 1, 1000, 64], strides = [1, 1, 1, 1]} : vector<2x4x1000x64xf32> to vector<1x1x1000x64xf32>
    %squeeze3A_13 = vector.shape_cast %slice3A_12 : vector<1x1x1000x64xf32> to vector<1000x64xf32>
    %slice3A_14 = vector.extract_strided_slice %get3A_3 {offsets = [1, 2, 0, 0], sizes = [1, 1, 1000, 64], strides = [1, 1, 1, 1]} : vector<2x4x1000x64xf32> to vector<1x1x1000x64xf32>
    %squeeze3A_15 = vector.shape_cast %slice3A_14 : vector<1x1x1000x64xf32> to vector<1000x64xf32>
    %slice3A_16 = vector.extract_strided_slice %get3A_3 {offsets = [1, 3, 0, 0], sizes = [1, 1, 1000, 64], strides = [1, 1, 1, 1]} : vector<2x4x1000x64xf32> to vector<1x1x1000x64xf32>
    %squeeze3A_17 = vector.shape_cast %slice3A_16 : vector<1x1x1000x64xf32> to vector<1000x64xf32>
    %concatenate3A_18 = tpu.concatenate %squeeze3A_11, %squeeze3A_13, %squeeze3A_15, %squeeze3A_17 in 1 : vector<1000x64xf32>, vector<1000x64xf32>, vector<1000x64xf32>, vector<1000x64xf32> -> vector<1000x256xf32>
    %get3A_19 = arith.constant 0 : index
    %get3A_20 = arith.constant 0 : index
    %get3A_21 = arith.constant 0 : index
    %get3A_22 = vector.load %arg3[%get3A_19, %get3A_20, %get3A_21] : memref<1x1x256xf32, #tpu.memory_space<vmem>>, vector<1x1x256xf32>
    %get3A_23 = vector.shape_cast %get3A_22 : vector<1x1x256xf32> to vector<256xf32>
    %broadcast_in_dim3A = vector.shape_cast %get3A_23 : vector<256xf32> to vector<1x256xf32>
    %add3A = vector.broadcast %broadcast_in_dim3A : vector<1x256xf32> to vector<1000x256xf32>
    %add3A_24 = arith.addf %concatenate3A, %add3A : vector<1000x256xf32>
    %get3A_25 = arith.constant 0 : index
    %get3A_26 = memref.load %arg2[%get3A_25] : memref<1xf32, #tpu.memory_space<smem>>
    %get3A_27 = arith.constant 0 : index
    %get3A_28 = arith.constant 0 : index
    %get3A_29 = arith.constant 0 : index
    %get3A_30 = vector.load %arg4[%get3A_27, %get3A_28, %get3A_29] : memref<1x1x256xf32, #tpu.memory_space<vmem>>, vector<1x1x256xf32>
    %get3A_31 = vector.shape_cast %get3A_30 : vector<1x1x256xf32> to vector<256xf32>
    %broadcast_in_dim3A_32 = vector.shape_cast %get3A_31 : vector<256xf32> to vector<1x256xf32>
    %add3A_33 = vector.broadcast %broadcast_in_dim3A_32 : vector<1x256xf32> to vector<1000x256xf32>
    %add3A_34 = arith.addf %concatenate3A_18, %add3A_33 : vector<1000x256xf32>
    %mul3A = vector.broadcast %get3A_26 : f32 to vector<1000x256xf32>
    %mul3A_35 = arith.mulf %mul3A, %add3A_34 : vector<1000x256xf32>
    %add3A_36 = arith.addf %add3A_24, %mul3A_35 : vector<1000x256xf32>
    %swap3A = arith.constant 0 : index
    %swap3A_37 = arith.constant 0 : index
    %swap3A_38 = vector.load %arg5[%swap3A, %swap3A_37] : memref<1000x256xf32, #tpu.memory_space<vmem>>, vector<1000x256xf32>
    tpu.vector_store %arg5[%swap3A, %swap3A_37], %add3A_36 {strides = array<i32>} : memref<1000x256xf32, #tpu.memory_space<vmem>>, vector<1000x256xf32>,
    return
  }
  func.func @transform_0(%arg0: i32) -> (i32, i32, i32, i32) {
    %c0_i32 = arith.constant 0 : i32
    %c0_i32_0 = arith.constant 0 : i32
    %c0_i32_1 = arith.constant 0 : i32
    %c0_i32_2 = arith.constant 0 : i32
    return %c0_i32, %c0_i32_0, %arg0, %c0_i32_1 : i32, i32, i32, i32
  }
  func.func @transform_1(%arg0: i32) -> i32 {
    %c0_i32 = arith.constant 0 : i32
    %c0_i32_0 = arith.constant 0 : i32
    return %c0_i32 : i32
  }
  func.func @transform_2(%arg0: i32) -> (i32, i32, i32) {
    %c0_i32 = arith.constant 0 : i32
    %c0_i32_0 = arith.constant 0 : i32
    %c0_i32_1 = arith.constant 0 : i32
    %c0_i32_2 = arith.constant 0 : i32
    return %c0_i32, %c0_i32_0, %c0_i32_1 : i32, i32, i32
  }
  func.func @transform_3(%arg0: i32) -> (i32, i32, i32) {
    %c0_i32 = arith.constant 0 : i32
    %c0_i32_0 = arith.constant 0 : i32
    %c0_i32_1 = arith.constant 0 : i32
    %c0_i32_2 = arith.constant 0 : i32
    return %c0_i32, %c0_i32_0, %c0_i32_1 : i32, i32, i32
  }
  func.func @transform_4(%arg0: i32) -> (i32, i32) {
    %c0_i32 = arith.constant 0 : i32
    %c0_i32_0 = arith.constant 0 : i32
    return %arg0, %c0_i32 : i32, i32
  }
}

</mosaic_0001>

<sc_bundles>
// kernel: kernel.5.cloned.1.call-start
scs
__scs_entry_jumppad:
0x0: {  	(pc) =	sbr.rel $0x88, $3  }
0x1: {  	(tag) =	ssettag $0x0;
	lr =	simm.s32 $0x1  }
0x2: {  	[smem:$0x3F91] =	sst lr;
	_ =	strace $0xD0000000  }
0x3: {  	_ = 	snop  }
0x4: {  	_ = 	snop  }
0x5: {  	_ = 	snop  }
0x6: {  	_ = 	snop  }
0x7: {  	_ = 	snop  }
__scs_overlays_trampoline_lowered:
0x8: {  	[smem:$0x3FA0] =	sst s0  }
0x9: {  	[smem:$0x3FA1] =	sst s1  }
0xa: {  	[smem:$0x3FA2] =	sst s2  }
0xb: {  	[smem:$0x3FA3] =	sst s3  }
0xc: {  	[smem:$0x3FA4] =	sst s4  }
0xd: {  	[smem:$0x3FA5] =	sst s5  }
0xe: {  	[smem:$0x3FA6] =	sst s6  }
0xf: {  	[smem:$0x3FA7] =	sst s7  }
0x10: {  	[smem:$0x3FA8] =	sst s8  }
0x11: {  	[smem:$0x3FA9] =	sst s9;
	s0 =	simm.s32 @!p0 $0x0  }
0x12: {  	s1 =	sld [smem:$0x3F8F];
	s0 =	simm.s32 @p0 $0x1  }
0x13: {  	[smem:$0x3FAA] =	sst s0;
	s0 =	simm.s32 @!p1 $0x0  }
0x14: {  	s2 =	sld [smem:$0x3F8E];
	s0 =	simm.s32 @p1 $0x1  }
0x15: {  	[smem:$0x3FAB] =	sst s0;
	s0 =	simm.s32 @!p2 $0x0  }
0x16: {  	s3 =	sld [smem:$0x3FDB];
	s0 =	simm.s32 @p2 $0x1  }
0x17: {  	s4 =	simm.s32 $0x1BF5;
	[smem:$0x3FAD] =	sst s0  }
0x18: {  	s0 =	sld [smem:$0x3F90];
	_ =	swait.ge [sflag:s4], $0x0  }
0x19: {  	s7 =	sld [smem:$0x3F91]  }
0x1a: {  	s8 =	sadd.s32 $0xFFFFE003, lr  }
0x1b: {  	s9 =	sadd.s32 $0xFFFFFEF7, lr;
	s5 =	simm.s32 $0xFFFFFFFF;
	p2 =	slt.u32 s8, $0xFFFFF086  }
0x1c: {  	p1 =	slt.u32 s9, $0xF7A;
	s5 =	simm.s32 @!p2 $0x0  }
0x1d: {  	s5 =	simm.s32 @p1 $0x1;
	p0 =	seq.s32 s7, s2  }
0x1e: {  	s7 =	smul.u32 @!p0 $0xF7A, s2;
	p2 =	seq.s32 @!p0 s5, $0x0  }
0x1f: {  	s9 =	smul.u32 $0xF7A, s1;
	s8 =	simm.s32 @!p0 $0x1BF5;
	p2 =	por !p2, p0  }
0x20: {  	[sflag:s8] =	ssyncset.s32 @!p0 $0xFFFFF086;
	s6 =	sadd.s32 @!p0 s3, s7;
	s7 =	simm.s32 @!p0 $0x108  }
0x21: {  	s3 =	sadd.s32 s3, s9;
	s6 =	sadd.s32 @!p0 $0x88, s6;
	s7 =	simm.s32 @p2 $0x1082  }
0x22: {  	[simem:s7], [sflag:s8] =	dma.local @!p0 [hbm:s6], $0xF7A  }
0x23: {  	s9 =	sor.u32 $0xD0000000, s2;
	s6 =	simm.s32 $0x108;
	_ =	swait.ge @!p0 [sflag:s8], $0x0  }
0x24: {  	s3 =	sadd.s32 $0x88, s3;
	s6 =	simm.s32 @!p1 $0x1082;
	[sflag:s4] =	ssyncset.s32 $0xFFFFF086  }
0x25: {  	[simem:s6], [sflag:s4] =	dma.local [hbm:s3], $0xF7A  }
0x26: {  	[smem:$0x3F91] =	sst s1;
	(tag) =	ssettag s2;
	_ =	strace s9  }
0x27: {  	s1 =	sld [smem:$0x3FA1]  }
0x28: {  	s2 =	sld [smem:$0x3FA2]  }
0x29: {  	s4 =	sld [smem:$0x3FA4]  }
0x2a: {  	p0 =	seq.s32 s5, $0x0;
	s5 =	sld [smem:$0x3FA5]  }
0x2b: {  	s6 =	sld [smem:$0x3FA6]  }
0x2c: {  	s7 =	sld [smem:$0x3FA7]  }
0x2d: {  	s3 =	simm.s32 $0x108;
	s8 =	sld [smem:$0x3FA8]  }
0x2e: {  	s3 =	simm.s32 @!p0 $0x1082;
	s9 =	sld [smem:$0x3FA9]  }
0x2f: {  	lr =	sadd.s32 s0, s3;
	s0 =	sld [smem:$0x3FA0]  }
0x30: {  	s3 =	sld [smem:$0x3FA3]  }
0x31: {  	[smem:$0x3FAC] =	sst s10  }
0x32: {  	s10 =	sld [smem:$0x3FAA];
	_ =	sdelay $0x3  }
0x33: {  	p0 =	seq.s32 s10, $0x1;
	s10 =	sld [smem:$0x3FAC];
	_ =	sdelay $0x3  }
0x34: {  	[smem:$0x3FAC] =	sst s10  }
0x35: {  	s10 =	sld [smem:$0x3FAB];
	_ =	sdelay $0x3  }
0x36: {  	p1 =	seq.s32 s10, $0x1;
	s10 =	sld [smem:$0x3FAC];
	_ =	sdelay $0x3  }
0x37: {  	[smem:$0x3FAC] =	sst s10  }
0x38: {  	s10 =	sld [smem:$0x3FAD]  }
0x39: {  	_ = 	snop;
	(pc) =	sbr.ind lr, $3  }
0x3a: {  	_ = 	snop  }
0x3b: {  	_ = 	snop  }
0x3c: {  	p2 =	seq.s32 s10, $0x1;
	s10 =	sld [smem:$0x3FAC]  }
0x3d: {  	_ =	shalt  }
0x3e: {  	_ =	shalt  }
0x3f: {  	_ =	shalt  }
0x40: {  	_ =	shalt  }
0x41: {  	_ =	shalt  }
0x42: {  	_ =	shalt  }
0x43: {  	_ =	shalt  }
0x44: {  	_ =	shalt  }
0x45: {  	_ =	shalt  }
0x46: {  	_ =	shalt  }
0x47: {  	_ =	shalt  }
0x48: {  	_ =	shalt  }
0x49: {  	_ =	shalt  }
0x4a: {  	_ =	shalt  }
0x4b: {  	_ =	shalt  }
0x4c: {  	_ =	shalt  }
0x4d: {  	_ =	shalt  }
0x4e: {  	_ =	shalt  }
0x4f: {  	_ =	shalt  }
0x50: {  	_ =	shalt  }
0x51: {  	_ =	shalt  }
0x52: {  	_ =	shalt  }
0x53: {  	_ =	shalt  }
0x54: {  	_ =	shalt  }
0x55: {  	_ =	shalt  }
0x56: {  	_ =	shalt  }
0x57: {  	_ =	shalt  }
0x58: {  	_ =	shalt  }
0x59: {  	_ =	shalt  }
0x5a: {  	_ =	shalt  }
0x5b: {  	_ =	shalt  }
0x5c: {  	_ =	shalt  }
0x5d: {  	_ =	shalt  }
0x5e: {  	_ =	shalt  }
0x5f: {  	_ =	shalt  }
0x60: {  	_ =	shalt  }
0x61: {  	_ =	shalt  }
0x62: {  	_ =	shalt  }
0x63: {  	_ =	shalt  }
0x64: {  	_ =	shalt  }
0x65: {  	_ =	shalt  }
0x66: {  	_ =	shalt  }
0x67: {  	_ =	shalt  }
0x68: {  	_ =	shalt  }
0x69: {  	_ =	shalt  }
0x6a: {  	_ =	shalt  }
0x6b: {  	_ =	shalt  }
0x6c: {  	_ =	shalt  }
0x6d: {  	_ =	shalt  }
0x6e: {  	_ =	shalt  }
0x6f: {  	_ =	shalt  }
0x70: {  	_ =	shalt  }
0x71: {  	_ =	shalt  }
0x72: {  	_ =	shalt  }
0x73: {  	_ =	shalt  }
0x74: {  	_ =	shalt  }
0x75: {  	_ =	shalt  }
0x76: {  	_ =	shalt  }
0x77: {  	_ =	shalt  }
0x78: {  	_ =	shalt  }
0x79: {  	_ =	shalt  }
0x7a: {  	_ =	shalt  }
0x7b: {  	_ =	shalt  }
0x7c: {  	_ =	shalt  }
0x7d: {  	_ =	shalt  }
0x7e: {  	_ =	shalt  }
0x7f: {  	_ =	shalt  }
0x80: {  	_ =	shalt  }
0x81: {  	_ =	shalt  }
0x82: {  	_ =	shalt  }
0x83: {  	_ =	shalt  }
0x84: {  	_ =	shalt  }
0x85: {  	_ =	shalt  }
0x86: {  	_ =	shalt  }
0x87: {  	_ =	shalt  }
.Lfunc_end0:
.L_simem_size_0:
called_computation_lowered:
.L_overlay_start_0:
0x88: {  	s2 =	sld [smem:$0x3FD9]  }
0x89: {  	s3 =	sld [smem:$0x3FFE];
	_ =	sdelay $0x1  }
0x8a: {  	s1 =	srdreg.scid  }
0x8b: {  	s0 =	sand.u32 $0x1, s1  }
0x8c: {  	s17 =	sshll.u32 s0, $0xA;
	s2 =	sadd.s32 s3, s2  }
0x8d: {  	s2 =	sadd.s32 s2, s17  }
0x8e: {  	[smem:$0x3FB8] =	sst s2  }
0x8f: {  	_ = 	snop  }
0x90: {  	s2 =	sld [smem:$0x3FD0];
	(tm) =	ssettm $0x1  }
0x91: {  	s18 =	sld [smem:$0x3FFB];
	_ =	sdelay $0x3  }
0x92: {  	_ =	strace s18  }
0x93: {  	s3 =	sld [smem:$0x3FFC];
	_ =	sdelay $0x3  }
0x94: {  	_ =	strace s3  }
0x95: {  	s3 =	sld [smem:$0x3FFD];
	_ =	sdelay $0x3  }
0x96: {  	_ =	strace s3  }
0x97: {  	_ =	strace $0x8FFFFFFF  }
0x98: {  	s19 =	sld [smem:$0x3FDB];
	_ =	sdelay $0x1  }
0x99: {  	s4 =	simm.s32 $_scs_section_size  }
0x9a: {  	s5 =	simm.s32 $_size__tile_overlayer_lowered;
	s6 =	simm.s32 $_tile_overlayer_lowered  }
0x9b: {  	s22 =	simm.s32 $0x1BFF;
	s21 =	sshll.u32 s6, $0x1;
	s3 =	sadd.s32 s4, s19  }
0x9c: {  	s7 =	simm.s32 $0x0;
	s20 =	sshll.u32 s5, $0x1;
	s5 =	sadd.s32 s21, s3  }
0x9d: {  	[timem:s7], [sflag:s22] =	dma.local [hbm:s5], s20  }
0x9e: {  	_ =	swait.ge [sflag:s22], s20  }
0x9f: {  	s4 =	ssub.s32 $0x0, s20;
	[sflag:s22] =	ssyncset.done $0x0  }
0xa0: {  	[sflag:s22] =	ssyncadd.s32 s4;
	_ =	sdelay $0x1  }
0xa1: {  	s23 =	simm.s32 $0x1B8B  }
0xa2: {  	_ =	swait.ge [sflag:s23], $0x1  }
0xa3: {  	[sflag:s23] =	ssyncset.done $0x0  }
0xa4: {  	s25 =	simm.s32 $0x1B8E;
	s24 =	sld [smem:$0x3FFE];
	[sflag:s23] =	ssyncadd.s32 $0xFFFFFFFF  }
0xa5: {  	s26 =	simm.s32 $execute0_lowered;
	[smem:$0x3FD2] =	sst s25  }
0xa6: {  	s5 =	sshll.u32 s26, $0x1;
	_ =	strace $0x80000046;
	[dreg:$0x1] =	wrdreg $0xFFFFFFFF  }
0xa7: {  	s28 =	simm.s32 $_size_execute0_lowered;
	s3 =	sadd.s32 s3, s5;
	[dreg:$0x0] =	wrdreg $0x0  }
0xa8: {  	s5 =	sshll.u32 s28, $0x1;
	[dreg:$0x2] =	wrdreg s3  }
0xa9: {  	[dreg:$0x3] =	wrdreg s5  }
0xaa: {  	[dreg:$0x4] =	wrdreg $0xC0  }
0xab: {  	_ =	task [dreg:s7], $0x5FFFF  }
0xac: {  	[dreg:$0x1] =	wrdreg $0xFFFFFFFF  }
0xad: {  	[dreg:$0x0] =	wrdreg $0x60  }
0xae: {  	[dreg:$0x2] =	wrdreg s24  }
0xaf: {  	[dreg:$0x3] =	wrdreg s2  }
0xb0: {  	[dreg:$0x4] =	wrdreg $0x1D7800  }
0xb1: {  	[dreg:$0x5] =	wrdreg $0x139800  }
0xb2: {  	[dreg:$0x6] =	wrdreg $0x9  }
0xb3: {  	_ =	task.clear_ibuf [dreg:s7], $0x7FFFF;
	_ =	strace $0x90000046  }
0xb4: {  	s29 =	simm.s32 $0x9;
	_ =	strace $0x80000048  }
0xb5: {  	_ =	swait.ge [sflag:s29], $0x1  }
0xb6: {  	[sflag:s29] =	ssyncadd.s32 $0xFFFFFFFF  }
0xb7: {  	_ =	strace $0x90000048  }
0xb8: {  	_ =	sfence  }
0xb9: {  	s30 =	sld [smem:$0x0];
	_ =	sdelay $0x2  }
0xba: {  	s31 =	sshll.u32 s1, $0xD;
	s1 =	sshrl.u32 s1, $0x2  }
0xbb: {  	s3 =	sand.u32 $0x4000, s31;
	s1 =	sadd.s32 s1, s30  }
0xbc: {  	s0 =	sor.u32 s3, s0;
	s1 =	sshll.u32 s1, $0x11  }
0xbd: {  	s0 =	sor.u32 s1, s0  }
0xbe: {  	s0 =	sadd.s32 $0x8F2B, s0  }
0xbf: {  	[sflag:s0] =	ssyncadd.remote.s32 $0x1  }
0xc0: {  	_ =	sfence.sel $0xFFFF  }
0xc1: {  	[dreg:$0x0] =	wrdreg $0xFFFFFFFF;
	(pc) =	sbr.abs _section_cstart, $3  }
0xc2: {  	[dreg:$0x1] =	wrdreg $0xFFFFFFFF  }
0xc3: {  	_ =	task.clear_ibuf [dreg:s7], $0x2FFFF;
	_ =	strace $0x9FFFFFFF  }
0xc4: {  	(tm) =	ssettm $0x7FFFFFFF  }
0xc5: {  	_ =	shalt  }
tec
execute0_lowered:
.L_overlay_start_1:
0x0: {  	(tag) =	ssettag $0x1  }
0x1: {  	s0 =	rddreg [dreg:$0x0]  }
0x2: {  	s1 =	srdreg.scid;
	s2 =	rddreg [dreg:$0x1]  }
0x3: {  	s15 =	stileid.u32;
	s16 =	rddreg [dreg:$0x2]  }
0x4: {  	s3 =	rddreg [dreg:$0x3];
	s6 =	simm.s32 $0x0;
	s5 =	smul.u32 $0x29C0, s15  }
0x5: {  	s28 =	simm.s32 $0x124C0;
	[smem:$0x7FF] =	sst s6;
	s6 =	smul.u32 $0x9E00, s15  }
0x6: {  	s29 =	simm.s32 $0x7D40;
	s1 =	sand.u32 $0x1, s1;
	s12 =	smul.u32 $0x9E0, s15  }
0x7: {  	s17 =	sadd.s32 $0x4F800, s0;
	s10 =	sadd.s32 $0x272600, s0;
	s4 =	smul.u32 $0x29C00, s1  }
0x8: {  	s9 =	sadd.s32 $0x1600, s0;
	_ =	strace $0x80000047;
	s8 =	smul.u32 $0x278000, s1  }
0x9: {  	s7 =	sshll.u32 s1, $0x5;
	s11 =	ssub.s32 $0x2, s1;
	s14 =	smul.u32 $0x138800, s1  }
0xa: {  	s7 =	sadd.s32 s7, s0;
	s13 =	sshrl.u32 s11, $0x1;
	s4 =	sadd.s32 s5, s4  }
0xb: {  	s8 =	sadd.s32 s6, s8;
	s21 =	sshrl.u32 s14, $0x3;
	s7 =	sadd.s32 $0x9DA00, s7  }
0xc: {  	s4 =	sshrl.u32 s4, $0x3;
	[dreg:$0x7] =	wrdreg s7;
	s23 =	sadd.s32 s2, s21  }
0xd: {  	s8 =	sshrl.u32 s8, $0x3;
	s25 =	sadd.s32 s17, s21;
	[dreg:$0x9] =	wrdreg s23  }
0xe: {  	s22 =	sadd.s32 $0x13880, s21;
	s30 =	sadd.s32 s9, s21;
	[dreg:$0xb] =	wrdreg s25  }
0xf: {  	s4 =	sadd.s32 s4, s0;
	s24 =	sadd.s32 s2, s22;
	[dreg:$0xd] =	wrdreg s30  }
0x10: {  	s0 =	sadd.s32 s8, s0;
	s26 =	sadd.s32 s17, s22;
	[dreg:$0xa] =	wrdreg s24  }
0x11: {  	s8 =	ssub.s32 s11, s13;
	s13 =	sadd.s32 s6, s3;
	[dreg:$0xc] =	wrdreg s26  }
0x12: {  	s1 =	smul.u32 $0x27100, s1;
	s19 =	sadd.s32 $0xA8400, s4;
	[dreg:$0xe] =	wrdreg s13  }
0x13: {  	s20 =	sshrl.u32 s12, $0x2;
	s4 =	sadd.s32 $0x9DC00, s4;
	[dreg:$0x5] =	wrdreg s19  }
0x14: {  	s12 =	smul.u32 $0x27800, s15;
	s11 =	sadd.s32 $0xC6800, s0;
	[dreg:$0x6] =	wrdreg s4  }
0x15: {  	s15 =	sadd.s32 s10, s21;
	s25 =	sadd.s32 $0xDA400, s0;
	[dreg:$0x19] =	wrdreg s11  }
0x16: {  	s21 =	sadd.s32 s10, s1;
	s26 =	smax.u32 s8, $0x1;
	[dreg:$0x1a] =	wrdreg s25  }
0x17: {  	s30 =	sshrl.u32 s12, $0x2;
	s4 =	sadd.s32 s20, s16;
	[dreg:$0x1c] =	wrdreg s26  }
0x18: {  	s16 =	sadd.s32 s10, s22;
	s10 =	sadd.s32 $0xB2C00, s0;
	[dreg:$0x8] =	wrdreg s4  }
0x19: {  	s0 =	sadd.s32 $0xEE000, s0;
	s4 =	sadd.s32 s30, s3;
	[dreg:$0x18] =	wrdreg s10  }
0x1a: {  	s31 =	simm.s32 $0x5380;
	[dreg:$0x1b] =	wrdreg s0;
	s6 =	sadd.s32 $0x7000, s4  }
0x1b: {  	s14 =	sadd.s32 s9, s22;
	s7 =	sadd.s32 $0x8000, s4;
	[dreg:$0x15] =	wrdreg s6  }
0x1c: {  	s20 =	sadd.s32 s9, s1;
	s9 =	sadd.s32 $0x9000, s4;
	[dreg:$0x16] =	wrdreg s7  }
0x1d: {  	s18 =	sadd.s32 s2, s1;
	s5 =	sadd.s32 $0x1000, s4;
	[dreg:$0x17] =	wrdreg s9  }
0x1e: {  	s19 =	sadd.s32 s17, s1;
	s17 =	sadd.s32 $0x2000, s4;
	[dreg:$0xf] =	wrdreg s5  }
0x1f: {  	s8 =	simm.s32 $0x2;
	s22 =	sadd.s32 $0x3000, s4;
	[dreg:$0x10] =	wrdreg s17  }
0x20: {  	s1 =	simm.s32 $0x40;
	s23 =	sadd.s32 $0x4000, s4;
	[dreg:$0x11] =	wrdreg s22  }
0x21: {  	v1 =	vlaneseq.u32;
	s25 =	simm.s32 $0x1;
	s24 =	sadd.s32 $0x5000, s4;
	[dreg:$0x12] =	wrdreg s23  }
0x22: {  	v1 =	vmul.u32 $0x10, v1;
	s26 =	simm.s32 $0x13780;
	s30 =	sadd.s32 $0x6000, s4;
	[dreg:$0x13] =	wrdreg s24  }
0x23: {  	v0 =	vimm.f32 $0.0e+00;
	s0 =	simm.s32 $0xA4C0;
	s4 =	simm.s32 $0x0;
	[dreg:$0x14] =	wrdreg s30  }
.LBB2_1:
0x24: {  	[dreg:$0x1d] =	wrdreg s4  }
0x25: {  	s2 =	simm.s32 $0x0;
	s22 =	rddreg [dreg:$0x5]  }
0x26: {  	[tilespmem:s2], [sflag:$0x2] =	stream.linear.gather [hbm4b:s22+s2], $0x29C0, $0x38;
	[tilespmem:$0x1D9F8] =	vst v63  }
0x27: {  	_ =	swait.ge [sflag:s8], $0x29C0  }
0x28: {  	[sflag:s8] =	ssyncset.done $0x0  }
0x29: {  	s5 =	simm.s32 $0x29C0;
	s23 =	rddreg [dreg:$0x6];
	[sflag:s8] =	ssyncadd.s32 $0xFFFFD640  }
0x2a: {  	[tilespmem:s5], [sflag:$0x2] =	stream.linear.gather [hbm4b:s23+s2], $0x29C0, $0x38;
	[tilespmem:$0x1D9F8] =	vst v63  }
0x2b: {  	_ =	swait.ge [sflag:s8], $0x29C0  }
0x2c: {  	[sflag:s8] =	ssyncset.done $0x0  }
0x2d: {  	s30 =	simm.s32 $0x13880;
	s24 =	rddreg [dreg:$0x7];
	[sflag:s8] =	ssyncadd.s32 $0xFFFFD640  }
0x2e: {  	[tilespmem:s30], [sflag:$0x2] =	stream.linear.gather [hbm4b:s24+s2], $0x100, $0x38;
	[tilespmem:$0x1D9F8] =	vst v63  }
0x2f: {  	_ =	swait.ge [sflag:s8], $0x100  }
0x30: {  	[sflag:s8] =	ssyncset.done $0x0  }
0x31: {  	[sflag:s8] =	ssyncadd.s32 $0xFFFFFF00  }
0x32: {  	[tilespmem:$0x13500] =	vst v0  }
0x33: {  	[tilespmem:$0x13510] =	vst v0  }
0x34: {  	[tilespmem:$0x13520] =	vst v0  }
0x35: {  	[tilespmem:$0x13530] =	vst v0  }
0x36: {  	[tilespmem:$0x13540] =	vst v0  }
0x37: {  	[tilespmem:$0x13550] =	vst v0  }
0x38: {  	[tilespmem:$0x13560] =	vst v0  }
0x39: {  	[tilespmem:$0x13570] =	vst v0  }
0x3a: {  	[tilespmem:$0x13580] =	vst v0  }
0x3b: {  	[tilespmem:$0x13590] =	vst v0  }
0x3c: {  	[tilespmem:$0x135A0] =	vst v0  }
0x3d: {  	[tilespmem:$0x135B0] =	vst v0  }
0x3e: {  	[tilespmem:$0x135C0] =	vst v0  }
0x3f: {  	[tilespmem:$0x135D0] =	vst v0  }
0x40: {  	[tilespmem:$0x135E0] =	vst v0  }
0x41: {  	[tilespmem:$0x135F0] =	vst v0  }
0x42: {  	[tilespmem:$0x13600] =	vst v0  }
0x43: {  	[tilespmem:$0x13610] =	vst v0  }
0x44: {  	[tilespmem:$0x13620] =	vst v0  }
0x45: {  	[tilespmem:$0x13630] =	vst v0  }
0x46: {  	[tilespmem:$0x13640] =	vst v0  }
0x47: {  	[tilespmem:$0x13650] =	vst v0  }
0x48: {  	[tilespmem:$0x13660] =	vst v0  }
0x49: {  	[tilespmem:$0x13670] =	vst v0  }
0x4a: {  	v2 =	vld [tilespmem:$0x13880];
	[tilespmem:$0x13680] =	vst v0  }
0x4b: {  	v3 =	vld [tilespmem:$0x13890];
	[tilespmem:$0x13690] =	vst v0  }
0x4c: {  	v4 =	vld [tilespmem:$0x138A0];
	[tilespmem:$0x136A0] =	vst v0  }
0x4d: {  	v5 =	vld [tilespmem:$0x138B0];
	[tilespmem:$0x136B0] =	vst v0  }
0x4e: {  	v6 =	vld [tilespmem:$0x138C0];
	[tilespmem:$0x136C0] =	vst v0  }
0x4f: {  	v7 =	vld [tilespmem:$0x138D0];
	[tilespmem:$0x136D0] =	vst v0  }
0x50: {  	v8 =	vld [tilespmem:$0x138E0];
	[tilespmem:$0x136E0] =	vst v0  }
0x51: {  	v9 =	vld [tilespmem:$0x138F0];
	[tilespmem:$0x136F0] =	vst v0  }
0x52: {  	v10 =	vld [tilespmem:$0x13900];
	[tilespmem:$0x13700] =	vst v0  }
0x53: {  	v11 =	vld [tilespmem:$0x13910];
	[tilespmem:$0x13710] =	vst v0  }
0x54: {  	v12 =	vld [tilespmem:$0x13920];
	[tilespmem:$0x13720] =	vst v0  }
0x55: {  	v13 =	vld [tilespmem:$0x13930];
	[tilespmem:$0x13730] =	vst v0  }
0x56: {  	v14 =	vld [tilespmem:$0x13940];
	[tilespmem:$0x13740] =	vst v0  }
0x57: {  	v15 =	vld [tilespmem:$0x13950];
	[tilespmem:$0x13750] =	vst v0  }
0x58: {  	v16 =	vld [tilespmem:$0x13960];
	[tilespmem:$0x13760] =	vst v0  }
0x59: {  	s4 =	simm.s32 $0x100;
	s2 =	simm.s32 $0x0;
	v17 =	vld [tilespmem:$0x13970];
	[tilespmem:$0x13770] =	vst v0  }
.LBB2_2:
0x5a: {  	p0 =	sne.s32 s4, $0x3F00;
	[tilespmem:s2+$0x12530] =	vst v0;
	s5 =	smov.u32 s4;
	s4 =	sadd.s32 $0x100, s4  }
.Ltmp0:
0x5b: {  	[tilespmem:s2+$0x12520] =	vst v0;
	(pc) =	sbr.rel @p0 .LBB2_2-.Ltmp0, $3  }
0x5c: {  	[tilespmem:s2+$0x12500] =	vst v0  }
0x5d: {  	[tilespmem:s2+$0x12510] =	vst v0;
	_ =	sdelay $0x1  }
0x5e: {  	s2 =	sshra.s32 s5, $0x2  }
0x5f: {  	[tilespmem:s2+$0x12530] =	vst v0  }
0x60: {  	[tilespmem:s2+$0x12520] =	vst v0  }
0x61: {  	[tilespmem:s2+$0x12500] =	vst v0  }
0x62: {  	[tilespmem:s2+$0x12510] =	vst v0;
	s30 =	rddreg [dreg:$0x8];
	s4 =	simm.s32 $0x13500  }
0x63: {  	[spmem:s30] =	stream.linear.scatter [tilespmem:s4], [sflag:$0x2], $0x278, $0x38;
	[tilespmem:$0x1D9F8] =	vst v63  }
0x64: {  	_ =	swait.ge [sflag:s8], $0x278  }
0x65: {  	[sflag:s8] =	ssyncset.done $0x0  }
0x66: {  	[sflag:s8] =	ssyncadd.s32 $0xFFFFFD88  }
0x67: {  	s17 =	simm.s32 $0x0;
	[bflag:$0x0] =	sbarrier.arrive $0xFFFF  }
.LBB2_4:
0x68: {  	s2 =	sshll.u32 s17, $0x6;
	s4 =	rddreg [dreg:$0x9]  }
0x69: {  	[tilespmem:s0], [sflag:$0x1] =	stream.indirect.gather [hbm4b:s4+s1], $0x40, s2, s1, $0xb8;
	[tilespmem:$0x1D9F8] =	vst v63  }
0x6a: {  	s5 =	rddreg [dreg:$0xa];
	s6 =	simm.s32 $0xE4C0;
	s4 =	sadd.s32 $0x29C0, s2  }
0x6b: {  	[tilespmem:s6], [sflag:$0x1] =	stream.indirect.gather [hbm4b:s5+s1], $0x40, s4, s1, $0xb8;
	[tilespmem:$0x1D9F8] =	vst v63  }
0x6c: {  	s7 =	rddreg [dreg:$0xb];
	s9 =	simm.s32 $0xB4C0  }
0x6d: {  	[tilespmem:s9], [sflag:$0x1] =	stream.indirect.gather [hbm4b:s7+s1], $0x40, s2, s1, $0xb8;
	[tilespmem:$0x1D9F8] =	vst v63  }
0x6e: {  	s10 =	rddreg [dreg:$0xc];
	s11 =	simm.s32 $0xF4C0  }
0x6f: {  	[tilespmem:s11], [sflag:$0x1] =	stream.indirect.gather [hbm4b:s10+s1], $0x40, s4, s1, $0xb8;
	[tilespmem:$0x1D9F8] =	vst v63  }
0x70: {  	s12 =	rddreg [dreg:$0xd];
	s13 =	simm.s32 $0xC4C0  }
0x71: {  	[tilespmem:s13], [sflag:$0x1] =	stream.indirect.gather [hbm4b:s12+s1], $0x40, s2, s1, $0xb8;
	[tilespmem:$0x1D9F8] =	vst v63  }
0x72: {  	s22 =	simm.s32 $0x104C0  }
0x73: {  	[tilespmem:s22], [sflag:$0x1] =	stream.indirect.gather [hbm4b:s14+s1], $0x40, s4, s1, $0xb8;
	[tilespmem:$0x1D9F8] =	vst v63  }
0x74: {  	s23 =	simm.s32 $0xD4C0  }
0x75: {  	[tilespmem:s23], [sflag:$0x1] =	stream.indirect.gather [hbm4b:s15+s1], $0x40, s2, s1, $0xb8;
	[tilespmem:$0x1D9F8] =	vst v63  }
0x76: {  	s24 =	simm.s32 $0x114C0  }
0x77: {  	[tilespmem:s24], [sflag:$0x1] =	stream.indirect.gather [hbm4b:s16+s1], $0x40, s4, s1, $0xb8;
	[tilespmem:$0x1D9F8] =	vst v63  }
0x78: {  	_ =	swait.ge [sflag:s25], $0x1000  }
0x79: {  	[sflag:s25] =	ssyncset.done $0x0  }
0x7a: {  	[sflag:s25] =	ssyncadd.s32 $0xFFFFF000  }
0x7b: {  	_ =	swait.ge [sflag:s25], $0x1000  }
0x7c: {  	[sflag:s25] =	ssyncset.done $0x0  }
0x7d: {  	[sflag:s25] =	ssyncadd.s32 $0xFFFFF000  }
0x7e: {  	_ =	swait.ge [sflag:s25], $0x1000  }
0x7f: {  	[sflag:s25] =	ssyncset.done $0x0  }
0x80: {  	[sflag:s25] =	ssyncadd.s32 $0xFFFFF000  }
0x81: {  	_ =	swait.ge [sflag:s25], $0x1000  }
0x82: {  	[sflag:s25] =	ssyncset.done $0x0  }
0x83: {  	[sflag:s25] =	ssyncadd.s32 $0xFFFFF000  }
0x84: {  	_ =	swait.ge [sflag:s25], $0x1000  }
0x85: {  	[sflag:s25] =	ssyncset.done $0x0  }
0x86: {  	[sflag:s25] =	ssyncadd.s32 $0xFFFFF000  }
0x87: {  	_ =	swait.ge [sflag:s25], $0x1000  }
0x88: {  	[sflag:s25] =	ssyncset.done $0x0  }
0x89: {  	[sflag:s25] =	ssyncadd.s32 $0xFFFFF000  }
0x8a: {  	_ =	swait.ge [sflag:s25], $0x1000  }
0x8b: {  	[sflag:s25] =	ssyncset.done $0x0  }
0x8c: {  	[sflag:s25] =	ssyncadd.s32 $0xFFFFF000  }
0x8d: {  	_ =	swait.ge [sflag:s25], $0x1000  }
0x8e: {  	[sflag:s25] =	ssyncset.done $0x0  }
0x8f: {  	[sflag:s25] =	ssyncadd.s32 $0xFFFFF000  }
0x90: {  	v18 =	vld [tilespmem:s2+$0x29C0];
	_ =	sdelay $0x4  }
0x91: {  	[tilespmem:$0x124C0] =	vst v18  }
0x92: {  	v18 =	vld [tilespmem:s2+$0x29D0];
	_ =	sdelay $0x4  }
0x93: {  	[tilespmem:$0x124D0] =	vst v18  }
0x94: {  	v18 =	vld [tilespmem:s2+$0x29E0];
	_ =	sdelay $0x4  }
0x95: {  	[tilespmem:$0x124E0] =	vst v18  }
0x96: {  	v18 =	vld [tilespmem:s2+$0x29F0];
	_ =	sdelay $0x1  }
0x97: {  	s30 =	simm.s32 $0xA4E0  }
0x98: {  	s5 =	simm.s32 $0xE4E0;
	s6 =	simm.s32 $0xB4F0;
	s7 =	simm.s32 $0xF4F0  }
0x99: {  	s9 =	simm.s32 $0x0;
	s22 =	simm.s32 $0x104F0;
	s2 =	sadd.s32 $0x5380, s2  }
0x9a: {  	s23 =	simm.s32 $0xD4F0;
	s4 =	simm.s32 $0xC4F0;
	s24 =	simm.s32 $0x114F0;
	[tilespmem:$0x124F0] =	vst v18;
	v18 =	vmov s2  }
.LBB2_5:
0x9b: {  	v26 =	vmov s5  }
0x9c: {  	v25 =	vmov s30;
	_ =	sdelay $0x2  }
0x9d: {  	s10 =	simm.s32 $0x0  }
0x9e: {  	v19 =	vld.idx.msk [tilespmem:v26+s10+$0xFFFFFFE0 ss:$0x1], $0xffff  }
0x9f: {  	v20 =	vld.idx.msk [tilespmem:v25+s10+$0xFFFFFFE0 ss:$0x1], $0xffff  }
0xa0: {  	v22 =	vld.idx.msk [tilespmem:v26+s10+$0xFFFFFFF0 ss:$0x1], $0xffff  }
0xa1: {  	v24 =	vmov s7;
	v27 =	vld.idx.msk [tilespmem:v25+s10+$0xFFFFFFF0 ss:$0x1], $0xffff  }
0xa2: {  	v23 =	vmov s6;
	v28 =	vld.idx.msk [tilespmem:v26+s10+$0x0 ss:$0x1], $0xffff  }
0xa3: {  	v29 =	vld.idx.msk [tilespmem:v25+s10+$0x0 ss:$0x1], $0xffff  }
0xa4: {  	v30 =	vld.idx.msk [tilespmem:v26+s10+$0x10 ss:$0x1], $0xffff  }
0xa5: {  	v31 =	vld.idx.msk [tilespmem:v25+s10+$0x10 ss:$0x1], $0xffff  }
0xa6: {  	v32 =	vld.idx.msk [tilespmem:v24+s10+$0xFFFFFFD0 ss:$0x1], $0xffff;
	v20 =	vadd.f32 v19, v20  }
0xa7: {  	v34 =	vld.idx.msk [tilespmem:v23+s10+$0xFFFFFFD0 ss:$0x1], $0xffff  }
0xa8: {  	v21 =	vmov s4;
	v37 =	vld.idx.msk [tilespmem:v24+s10+$0xFFFFFFF0 ss:$0x1], $0xffff;
	v27 =	vadd.f32 v22, v27;
	v33 =	vmul.f32 $2.000000030e-01, v20  }
0xa9: {  	v57 =	vld.idx.msk [tilespmem:v23+s10+$0xFFFFFFF0 ss:$0x1], $0xffff;
	v22 =	vmov s22;
	v19 =	vmov s23;
	vm0 =	vgt.f32 v20, $0.0e+00  }
0xaa: {  	v35 =	vld.idx.msk [tilespmem:v24+s10+$0xFFFFFFE0 ss:$0x1], $0xffff;
	v28 =	vadd.f32 v28, v29;
	v36 =	vmul.f32 $2.000000030e-01, v27;
	v33 =	vsel vm0, v20, v33  }
0xab: {  	v29 =	vld.idx.msk [tilespmem:v23+s10+$0xFFFFFFE0 ss:$0x1], $0xffff;
	v30 =	vadd.f32 v30, v31;
	vm13 =	vgt.f32 v27, $0.0e+00;
	v33 =	vmul.f32 v33, v2  }
0xac: {  	v38 =	vld.idx.msk [tilespmem:v24+s10+$0x0 ss:$0x1], $0xffff;
	v32 =	vadd.f32 v32, v34;
	v56 =	vmul.f32 $2.000000030e-01, v28;
	v27 =	vsel vm13, v27, v36  }
0xad: {  	v59 =	vld.idx.msk [tilespmem:v23+s10+$0x0 ss:$0x1], $0xffff;
	vm14 =	vgt.f32 v28, $0.0e+00;
	v27 =	vmul.f32 v27, v3;
	v33 =	vadd.f32 $0.0e+00, v33  }
0xae: {  	v31 =	vadd.f32 v37, v57;
	v58 =	vmul.f32 $2.000000030e-01, v30;
	v28 =	vsel vm14, v28, v56  }
0xaf: {  	vm15 =	vgt.f32 v30, $0.0e+00;
	v28 =	vmul.f32 v28, v4;
	v27 =	vadd.f32 v27, v33  }
0xb0: {  	v62 =	vld.idx.msk [tilespmem:v21+s10+$0xFFFFFFD0 ss:$0x1], $0xffff;
	v61 =	vmul.f32 $2.000000030e-01, v32;
	v30 =	vsel vm15, v30, v58;
	v29 =	vadd.f32 v35, v29  }
0xb1: {  	vm4 =	vgt.f32 v32, $0.0e+00;
	v60 =	vld.idx.msk [tilespmem:v22+s10+$0xFFFFFFD0 ss:$0x1], $0xffff;
	v27 =	vadd.f32 v28, v27;
	v28 =	vmul.f32 v30, v5  }
0xb2: {  	v41 =	vld.idx.msk [tilespmem:v21+s10+$0xFFFFFFE0 ss:$0x1], $0xffff;
	v34 =	vadd.f32 v38, v59;
	v32 =	vsel vm4, v32, v61;
	v40 =	vmul.f32 $2.000000030e-01, v29  }
0xb3: {  	v63 =	vld.idx.msk [tilespmem:v22+s10+$0xFFFFFFE0 ss:$0x1], $0xffff;
	vm5 =	vgt.f32 v29, $0.0e+00;
	v27 =	vadd.f32 v28, v27;
	v28 =	vmul.f32 v32, v6  }
0xb4: {  	v44 =	vld.idx.msk [tilespmem:v21+s10+$0xFFFFFFF0 ss:$0x1], $0xffff;
	v43 =	vmul.f32 $2.000000030e-01, v31;
	v20 =	vmov s24;
	v29 =	vsel vm5, v29, v40  }
0xb5: {  	vm6 =	vgt.f32 v31, $0.0e+00;
	v42 =	vld.idx.msk [tilespmem:v22+s10+$0xFFFFFFF0 ss:$0x1], $0xffff;
	v27 =	vadd.f32 v28, v27;
	v28 =	vmul.f32 v29, v7  }
0xb6: {  	v46 =	vld.idx.msk [tilespmem:v21+s10+$0x0 ss:$0x1], $0xffff;
	v45 =	vmul.f32 $2.000000030e-01, v34;
	v31 =	vsel vm6, v31, v43;
	v33 =	vadd.f32 v60, v62  }
0xb7: {  	vm7 =	vgt.f32 v34, $0.0e+00;
	v29 =	vld.idx.msk [tilespmem:v22+s10+$0x0 ss:$0x1], $0xffff;
	v27 =	vadd.f32 v28, v27;
	v28 =	vmul.f32 v31, v8  }
0xb8: {  	v34 =	vsel vm7, v34, v45;
	v49 =	vld.idx.msk [tilespmem:v19+s10+$0xFFFFFFD0 ss:$0x1], $0xffff;
	v30 =	vadd.f32 v63, v41;
	v48 =	vmul.f32 $2.000000030e-01, v33  }
0xb9: {  	v47 =	vld.idx.msk [tilespmem:v20+s10+$0xFFFFFFD0 ss:$0x1], $0xffff;
	vm8 =	vgt.f32 v33, $0.0e+00;
	v27 =	vadd.f32 v28, v27;
	v28 =	vmul.f32 v34, v9  }
0xba: {  	v52 =	vld.idx.msk [tilespmem:v19+s10+$0xFFFFFFE0 ss:$0x1], $0xffff;
	v51 =	vmul.f32 $2.000000030e-01, v30;
	v32 =	vadd.f32 v42, v44;
	v33 =	vsel vm8, v33, v48  }
0xbb: {  	v50 =	vld.idx.msk [tilespmem:v20+s10+$0xFFFFFFE0 ss:$0x1], $0xffff;
	vm9 =	vgt.f32 v30, $0.0e+00;
	v27 =	vadd.f32 v28, v27;
	v28 =	vmul.f32 v33, v10  }
0xbc: {  	v55 =	vld.idx.msk [tilespmem:v19+s10+$0xFFFFFFF0 ss:$0x1], $0xffff;
	v30 =	vsel vm9, v30, v51;
	v54 =	vmul.f32 $2.000000030e-01, v32;
	v29 =	vadd.f32 v29, v46  }
0xbd: {  	v53 =	vld.idx.msk [tilespmem:v20+s10+$0xFFFFFFF0 ss:$0x1], $0xffff;
	vm10 =	vgt.f32 v32, $0.0e+00;
	v27 =	vadd.f32 v28, v27;
	v28 =	vmul.f32 v30, v11  }
0xbe: {  	v58 =	vld.idx.msk [tilespmem:v19+s10+$0x0 ss:$0x1], $0xffff;
	v32 =	vsel vm10, v32, v54;
	v31 =	vadd.f32 v47, v49;
	v57 =	vmul.f32 $2.000000030e-01, v29  }
0xbf: {  	v56 =	vld.idx.msk [tilespmem:v20+s10+$0x0 ss:$0x1], $0xffff;
	vm11 =	vgt.f32 v29, $0.0e+00;
	v27 =	vadd.f32 v28, v27;
	v28 =	vmul.f32 v32, v12  }
0xc0: {  	v59 =	vmul.f32 $2.000000030e-01, v31;
	v34 =	vadd.f32 v50, v52;
	v29 =	vsel vm11, v29, v57  }
0xc1: {  	vm12 =	vgt.f32 v31, $0.0e+00;
	v27 =	vadd.f32 v28, v27;
	v28 =	vmul.f32 v29, v13  }
0xc2: {  	v61 =	vadd.f32 v53, v55;
	v60 =	vmul.f32 $2.000000030e-01, v34;
	v29 =	vsel vm12, v31, v59  }
0xc3: {  	vm13 =	vgt.f32 v34, $0.0e+00;
	v27 =	vadd.f32 v28, v27;
	v28 =	vmul.f32 v29, v14  }
0xc4: {  	v62 =	vmul.f32 $2.000000030e-01, v61;
	v30 =	vadd.f32 v56, v58;
	v29 =	vsel vm13, v34, v60  }
0xc5: {  	vm14 =	vgt.f32 v61, $0.0e+00;
	v27 =	vadd.f32 v28, v27;
	v28 =	vmul.f32 v29, v15  }
0xc6: {  	v63 =	vmul.f32 $2.000000030e-01, v30;
	v29 =	vsel vm14, v61, v62  }
0xc7: {  	vm15 =	vgt.f32 v30, $0.0e+00;
	v27 =	vadd.f32 v28, v27;
	v28 =	vmul.f32 v29, v16  }
0xc8: {  	v29 =	vsel vm15, v30, v63  }
0xc9: {  	v27 =	vadd.f32 v28, v27;
	v28 =	vmul.f32 v29, v17;
	_ =	sdelay $0x1  }
0xca: {  	v27 =	vadd.f32 v28, v27  }
0xcb: {  	s10 =	simm.s32 $0x13780  }
0xcc: {  	s12 =	simm.s32 $0x40;
	[tilespmem:s10+$0x0] =	vst v27  }
0xcd: {  	s11 =	simm.s32 $0x0;
	s13 =	simm.s32 $0x200;
	v27 =	vld.idx.msk [tilespmem:v26+s12+$0xFFFFFFE0 ss:$0x1], $0xffff  }
.LBB2_6:
0xce: {  	p0 =	sne.s32 s13, $0xF00;
	v28 =	vld.idx.msk [tilespmem:v25+s12+$0xFFFFFFE0 ss:$0x1], $0xffff  }
0xcf: {  	v29 =	vld.idx.msk [tilespmem:v26+s12+$0xFFFFFFF0 ss:$0x1], $0xffff  }
0xd0: {  	v30 =	vld.idx.msk [tilespmem:v25+s12+$0xFFFFFFF0 ss:$0x1], $0xffff  }
0xd1: {  	v31 =	vld.idx.msk [tilespmem:v26+s12+$0x0 ss:$0x1], $0xffff  }
0xd2: {  	v32 =	vld.idx.msk [tilespmem:v25+s12+$0x0 ss:$0x1], $0xffff  }
0xd3: {  	v33 =	vld.idx.msk [tilespmem:v26+s12+$0x10 ss:$0x1], $0xffff  }
0xd4: {  	v27 =	vadd.f32 v27, v28;
	v28 =	vld.idx.msk [tilespmem:v25+s12+$0x10 ss:$0x1], $0xffff  }
0xd5: {  	v34 =	vld.idx.msk [tilespmem:v24+s12+$0xFFFFFFD0 ss:$0x1], $0xffff  }
0xd6: {  	v35 =	vmul.f32 $2.000000030e-01, v27;
	v29 =	vadd.f32 v29, v30;
	v30 =	vld.idx.msk [tilespmem:v23+s12+$0xFFFFFFD0 ss:$0x1], $0xffff  }
0xd7: {  	vm0 =	vgt.f32 v27, $0.0e+00;
	v36 =	vld.idx.msk [tilespmem:v24+s12+$0xFFFFFFE0 ss:$0x1], $0xffff  }
0xd8: {  	v27 =	vsel vm0, v27, v35;
	v35 =	vmul.f32 $2.000000030e-01, v29;
	v31 =	vadd.f32 v31, v32;
	v32 =	vld.idx.msk [tilespmem:v23+s12+$0xFFFFFFE0 ss:$0x1], $0xffff  }
0xd9: {  	vm0 =	vgt.f32 v29, $0.0e+00;
	v27 =	vmul.f32 v27, v2;
	v37 =	vld.idx.msk [tilespmem:v24+s12+$0xFFFFFFF0 ss:$0x1], $0xffff  }
0xda: {  	v29 =	vsel vm0, v29, v35;
	v35 =	vmul.f32 $2.000000030e-01, v31;
	v28 =	vadd.f32 v33, v28;
	v33 =	vld.idx.msk [tilespmem:v23+s12+$0xFFFFFFF0 ss:$0x1], $0xffff  }
0xdb: {  	vm0 =	vgt.f32 v31, $0.0e+00;
	v27 =	vadd.f32 $0.0e+00, v27;
	v29 =	vmul.f32 v29, v3;
	v38 =	vld.idx.msk [tilespmem:v24+s12+$0x0 ss:$0x1], $0xffff  }
0xdc: {  	v31 =	vsel vm0, v31, v35;
	v35 =	vmul.f32 $2.000000030e-01, v28;
	v30 =	vadd.f32 v34, v30;
	v34 =	vld.idx.msk [tilespmem:v23+s12+$0x0 ss:$0x1], $0xffff  }
0xdd: {  	vm0 =	vgt.f32 v28, $0.0e+00;
	v27 =	vadd.f32 v29, v27;
	v29 =	vmul.f32 v31, v4;
	v31 =	vld.idx.msk [tilespmem:v22+s12+$0xFFFFFFD0 ss:$0x1], $0xffff  }
0xde: {  	v28 =	vsel vm0, v28, v35;
	v35 =	vmul.f32 $2.000000030e-01, v30;
	v32 =	vadd.f32 v36, v32;
	v36 =	vld.idx.msk [tilespmem:v21+s12+$0xFFFFFFD0 ss:$0x1], $0xffff  }
0xdf: {  	vm0 =	vgt.f32 v30, $0.0e+00;
	v27 =	vadd.f32 v29, v27;
	v28 =	vmul.f32 v28, v5;
	v29 =	vld.idx.msk [tilespmem:v22+s12+$0xFFFFFFE0 ss:$0x1], $0xffff  }
0xe0: {  	v30 =	vsel vm0, v30, v35;
	v35 =	vmul.f32 $2.000000030e-01, v32;
	v33 =	vadd.f32 v37, v33;
	v37 =	vld.idx.msk [tilespmem:v21+s12+$0xFFFFFFE0 ss:$0x1], $0xffff  }
0xe1: {  	vm0 =	vgt.f32 v32, $0.0e+00;
	v27 =	vadd.f32 v28, v27;
	v28 =	vmul.f32 v30, v6;
	v30 =	vld.idx.msk [tilespmem:v22+s12+$0xFFFFFFF0 ss:$0x1], $0xffff  }
0xe2: {  	v32 =	vsel vm0, v32, v35;
	v35 =	vmul.f32 $2.000000030e-01, v33;
	v34 =	vadd.f32 v38, v34;
	v38 =	vld.idx.msk [tilespmem:v21+s12+$0xFFFFFFF0 ss:$0x1], $0xffff  }
0xe3: {  	vm0 =	vgt.f32 v33, $0.0e+00;
	v27 =	vadd.f32 v28, v27;
	v28 =	vmul.f32 v32, v7;
	v32 =	vld.idx.msk [tilespmem:v22+s12+$0x0 ss:$0x1], $0xffff  }
0xe4: {  	v33 =	vsel vm0, v33, v35;
	v35 =	vmul.f32 $2.000000030e-01, v34;
	v31 =	vadd.f32 v31, v36;
	v36 =	vld.idx.msk [tilespmem:v21+s12+$0x0 ss:$0x1], $0xffff  }
0xe5: {  	vm0 =	vgt.f32 v34, $0.0e+00;
	v27 =	vadd.f32 v28, v27;
	v28 =	vmul.f32 v33, v8;
	v33 =	vld.idx.msk [tilespmem:v20+s12+$0xFFFFFFD0 ss:$0x1], $0xffff  }
0xe6: {  	v34 =	vsel vm0, v34, v35;
	v35 =	vmul.f32 $2.000000030e-01, v31;
	v29 =	vadd.f32 v29, v37;
	v37 =	vld.idx.msk [tilespmem:v19+s12+$0xFFFFFFD0 ss:$0x1], $0xffff  }
0xe7: {  	vm0 =	vgt.f32 v31, $0.0e+00;
	v27 =	vadd.f32 v28, v27;
	v28 =	vmul.f32 v34, v9;
	v34 =	vld.idx.msk [tilespmem:v20+s12+$0xFFFFFFE0 ss:$0x1], $0xffff  }
0xe8: {  	v31 =	vsel vm0, v31, v35;
	v35 =	vmul.f32 $2.000000030e-01, v29;
	v30 =	vadd.f32 v30, v38;
	v38 =	vld.idx.msk [tilespmem:v19+s12+$0xFFFFFFE0 ss:$0x1], $0xffff  }
0xe9: {  	vm0 =	vgt.f32 v29, $0.0e+00;
	v27 =	vadd.f32 v28, v27;
	v28 =	vmul.f32 v31, v10;
	v31 =	vld.idx.msk [tilespmem:v20+s12+$0xFFFFFFF0 ss:$0x1], $0xffff  }
0xea: {  	v29 =	vsel vm0, v29, v35;
	v35 =	vmul.f32 $2.000000030e-01, v30;
	v32 =	vadd.f32 v32, v36;
	v36 =	vld.idx.msk [tilespmem:v19+s12+$0xFFFFFFF0 ss:$0x1], $0xffff  }
0xeb: {  	vm0 =	vgt.f32 v30, $0.0e+00;
	v27 =	vadd.f32 v28, v27;
	v28 =	vmul.f32 v29, v11;
	v29 =	vld.idx.msk [tilespmem:v20+s12+$0x0 ss:$0x1], $0xffff  }
0xec: {  	v30 =	vsel vm0, v30, v35;
	v35 =	vmul.f32 $2.000000030e-01, v32;
	v33 =	vadd.f32 v33, v37;
	v37 =	vld.idx.msk [tilespmem:v19+s12+$0x0 ss:$0x1], $0xffff  }
0xed: {  	vm0 =	vgt.f32 v32, $0.0e+00;
	v27 =	vadd.f32 v28, v27;
	v28 =	vmul.f32 v30, v12  }
0xee: {  	v30 =	vsel vm0, v32, v35;
	v32 =	vmul.f32 $2.000000030e-01, v33;
	v34 =	vadd.f32 v34, v38  }
0xef: {  	vm0 =	vgt.f32 v33, $0.0e+00;
	v27 =	vadd.f32 v28, v27;
	v28 =	vmul.f32 v30, v13  }
0xf0: {  	v30 =	vsel vm0, v33, v32;
	v32 =	vmul.f32 $2.000000030e-01, v34;
	v31 =	vadd.f32 v31, v36  }
0xf1: {  	vm0 =	vgt.f32 v34, $0.0e+00;
	v27 =	vadd.f32 v28, v27;
	v28 =	vmul.f32 v30, v14  }
0xf2: {  	v30 =	vsel vm0, v34, v32;
	v32 =	vmul.f32 $2.000000030e-01, v31;
	v29 =	vadd.f32 v29, v37  }
0xf3: {  	vm0 =	vgt.f32 v31, $0.0e+00;
	v27 =	vadd.f32 v28, v27;
	v28 =	vmul.f32 v30, v15  }
0xf4: {  	v30 =	vsel vm0, v31, v32;
	v31 =	vmul.f32 $2.000000030e-01, v29  }
0xf5: {  	vm0 =	vgt.f32 v29, $0.0e+00;
	v27 =	vadd.f32 v28, v27;
	v28 =	vmul.f32 v30, v16  }
0xf6: {  	v29 =	vsel vm0, v29, v31  }
0xf7: {  	v27 =	vadd.f32 v28, v27;
	v28 =	vmul.f32 v29, v17  }
.Ltmp1:
0xf8: {  	(pc) =	sbr.rel @p0 .LBB2_6-.Ltmp1, $4  }
0xf9: {  	v27 =	vadd.f32 v28, v27  }
0xfa: {  	s10 =	sadd.s32 $0x10, s10  }
0xfb: {  	s12 =	sshra.s32 s13, $0x2;
	[tilespmem:s10+$0x0] =	vst v27  }
0xfc: {  	s13 =	sadd.s32 $0x100, s13;
	v27 =	vld.idx.msk [tilespmem:v26+s12+$0xFFFFFFE0 ss:$0x1], $0xffff  }
0xfd: {  	_ =	sdelay $0x3  }
0xfe: {  	v28 =	vld.idx.msk [tilespmem:v25+s12+$0xFFFFFFE0 ss:$0x1], $0xffff  }
0xff: {  	v29 =	vld.idx.msk [tilespmem:v26+s12+$0xFFFFFFF0 ss:$0x1], $0xffff  }
0x100: {  	v30 =	vld.idx.msk [tilespmem:v25+s12+$0xFFFFFFF0 ss:$0x1], $0xffff  }
0x101: {  	v31 =	vld.idx.msk [tilespmem:v26+s12+$0x0 ss:$0x1], $0xffff  }
0x102: {  	v32 =	vld.idx.msk [tilespmem:v25+s12+$0x0 ss:$0x1], $0xffff  }
0x103: {  	v53 =	vld.idx.msk [tilespmem:v26+s12+$0x10 ss:$0x1], $0xffff;
	v27 =	vadd.f32 v27, v28  }
0x104: {  	v54 =	vld.idx.msk [tilespmem:v25+s12+$0x10 ss:$0x1], $0xffff  }
0x105: {  	v55 =	vld.idx.msk [tilespmem:v24+s12+$0xFFFFFFD0 ss:$0x1], $0xffff;
	v29 =	vadd.f32 v29, v30;
	v33 =	vmul.f32 $2.000000030e-01, v27  }
0x106: {  	v56 =	vld.idx.msk [tilespmem:v23+s12+$0xFFFFFFD0 ss:$0x1], $0xffff;
	vm0 =	vgt.f32 v27, $0.0e+00  }
0x107: {  	v34 =	vld.idx.msk [tilespmem:v24+s12+$0xFFFFFFE0 ss:$0x1], $0xffff;
	v31 =	vadd.f32 v31, v32;
	v57 =	vmul.f32 $2.000000030e-01, v29;
	v27 =	vsel vm0, v27, v33  }
0x108: {  	v58 =	vld.idx.msk [tilespmem:v23+s12+$0xFFFFFFE0 ss:$0x1], $0xffff;
	vm13 =	vgt.f32 v29, $0.0e+00;
	v27 =	vmul.f32 v27, v2  }
0x109: {  	v35 =	vld.idx.msk [tilespmem:v24+s12+$0xFFFFFFF0 ss:$0x1], $0xffff;
	v25 =	vadd.f32 v53, v54;
	v59 =	vmul.f32 $2.000000030e-01, v31;
	v29 =	vsel vm13, v29, v57  }
0x10a: {  	v60 =	vld.idx.msk [tilespmem:v23+s12+$0xFFFFFFF0 ss:$0x1], $0xffff;
	vm14 =	vgt.f32 v31, $0.0e+00;
	v29 =	vmul.f32 v29, v3;
	v27 =	vadd.f32 $0.0e+00, v27  }
0x10b: {  	v61 =	vld.idx.msk [tilespmem:v24+s12+$0x0 ss:$0x1], $0xffff;
	v28 =	vadd.f32 v55, v56;
	v62 =	vmul.f32 $2.000000030e-01, v25;
	v31 =	vsel vm14, v31, v59  }
0x10c: {  	v23 =	vld.idx.msk [tilespmem:v23+s12+$0x0 ss:$0x1], $0xffff;
	vm15 =	vgt.f32 v25, $0.0e+00;
	v63 =	vmul.f32 v31, v4;
	v27 =	vadd.f32 v29, v27  }
0x10d: {  	v36 =	vld.idx.msk [tilespmem:v22+s12+$0xFFFFFFD0 ss:$0x1], $0xffff;
	v32 =	vadd.f32 v34, v58;
	v37 =	vmul.f32 $2.000000030e-01, v28;
	v25 =	vsel vm15, v25, v62  }
0x10e: {  	v38 =	vld.idx.msk [tilespmem:v21+s12+$0xFFFFFFD0 ss:$0x1], $0xffff;
	vm4 =	vgt.f32 v28, $0.0e+00;
	v25 =	vmul.f32 v25, v5;
	v27 =	vadd.f32 v63, v27  }
0x10f: {  	v39 =	vld.idx.msk [tilespmem:v22+s12+$0xFFFFFFE0 ss:$0x1], $0xffff;
	v26 =	vadd.f32 v35, v60;
	v40 =	vmul.f32 $2.000000030e-01, v32;
	v28 =	vsel vm4, v28, v37  }
0x110: {  	v41 =	vld.idx.msk [tilespmem:v21+s12+$0xFFFFFFE0 ss:$0x1], $0xffff;
	vm5 =	vgt.f32 v32, $0.0e+00;
	v42 =	vmul.f32 v28, v6;
	v25 =	vadd.f32 v25, v27  }
0x111: {  	v43 =	vld.idx.msk [tilespmem:v22+s12+$0xFFFFFFF0 ss:$0x1], $0xffff;
	v23 =	vadd.f32 v61, v23;
	v44 =	vmul.f32 $2.000000030e-01, v26;
	v31 =	vsel vm5, v32, v40  }
0x112: {  	v45 =	vld.idx.msk [tilespmem:v21+s12+$0xFFFFFFF0 ss:$0x1], $0xffff;
	vm6 =	vgt.f32 v26, $0.0e+00;
	v46 =	vmul.f32 v31, v7;
	v25 =	vadd.f32 v42, v25  }
0x113: {  	v22 =	vld.idx.msk [tilespmem:v22+s12+$0x0 ss:$0x1], $0xffff;
	v30 =	vadd.f32 v36, v38;
	v47 =	vmul.f32 $2.000000030e-01, v23;
	v26 =	vsel vm6, v26, v44  }
0x114: {  	v21 =	vld.idx.msk [tilespmem:v21+s12+$0x0 ss:$0x1], $0xffff;
	vm7 =	vgt.f32 v23, $0.0e+00;
	v26 =	vmul.f32 v26, v8;
	v25 =	vadd.f32 v46, v25  }
0x115: {  	v48 =	vld.idx.msk [tilespmem:v20+s12+$0xFFFFFFD0 ss:$0x1], $0xffff;
	v49 =	vmul.f32 $2.000000030e-01, v30;
	v23 =	vsel vm7, v23, v47;
	v29 =	vadd.f32 v39, v41  }
0x116: {  	v50 =	vld.idx.msk [tilespmem:v19+s12+$0xFFFFFFD0 ss:$0x1], $0xffff;
	vm8 =	vgt.f32 v30, $0.0e+00;
	v23 =	vmul.f32 v23, v9;
	v25 =	vadd.f32 v26, v25  }
0x117: {  	v51 =	vld.idx.msk [tilespmem:v20+s12+$0xFFFFFFE0 ss:$0x1], $0xffff;
	v24 =	vadd.f32 v43, v45;
	v30 =	vsel vm8, v30, v49;
	v52 =	vmul.f32 $2.000000030e-01, v29  }
0x118: {  	v53 =	vld.idx.msk [tilespmem:v19+s12+$0xFFFFFFE0 ss:$0x1], $0xffff;
	v54 =	vmul.f32 v30, v10;
	vm9 =	vgt.f32 v29, $0.0e+00;
	v23 =	vadd.f32 v23, v25  }
0x119: {  	v55 =	vld.idx.msk [tilespmem:v20+s12+$0xFFFFFFF0 ss:$0x1], $0xffff;
	v21 =	vadd.f32 v22, v21;
	v56 =	vmul.f32 $2.000000030e-01, v24;
	v29 =	vsel vm9, v29, v52  }
0x11a: {  	v22 =	vld.idx.msk [tilespmem:v19+s12+$0xFFFFFFF0 ss:$0x1], $0xffff;
	vm10 =	vgt.f32 v24, $0.0e+00;
	v57 =	vmul.f32 v29, v11;
	v23 =	vadd.f32 v54, v23  }
0x11b: {  	v20 =	vld.idx.msk [tilespmem:v20+s12+$0x0 ss:$0x1], $0xffff;
	v58 =	vmul.f32 $2.000000030e-01, v21;
	v24 =	vsel vm10, v24, v56;
	v27 =	vadd.f32 v48, v50  }
0x11c: {  	v19 =	vld.idx.msk [tilespmem:v19+s12+$0x0 ss:$0x1], $0xffff;
	vm11 =	vgt.f32 v21, $0.0e+00;
	v24 =	vmul.f32 v24, v12;
	v23 =	vadd.f32 v57, v23  }
0x11d: {  	v21 =	vsel vm11, v21, v58;
	v59 =	vmul.f32 $2.000000030e-01, v27;
	v26 =	vadd.f32 v51, v53  }
0x11e: {  	v21 =	vmul.f32 v21, v13;
	vm12 =	vgt.f32 v27, $0.0e+00;
	v23 =	vadd.f32 v24, v23  }
0x11f: {  	v22 =	vadd.f32 v55, v22;
	v60 =	vsel vm12, v27, v59;
	v61 =	vmul.f32 $2.000000030e-01, v26  }
0x120: {  	vm13 =	vgt.f32 v26, $0.0e+00;
	v21 =	vadd.f32 v21, v23;
	v23 =	vmul.f32 v60, v14  }
0x121: {  	v19 =	vadd.f32 v20, v19;
	v63 =	vmul.f32 $2.000000030e-01, v22;
	v62 =	vsel vm13, v26, v61  }
0x122: {  	vm14 =	vgt.f32 v22, $0.0e+00;
	v20 =	vadd.f32 v23, v21;
	v21 =	vmul.f32 v62, v15  }
0x123: {  	v22 =	vsel vm14, v22, v63;
	v23 =	vmul.f32 $2.000000030e-01, v19  }
0x124: {  	vm15 =	vgt.f32 v19, $0.0e+00;
	v20 =	vadd.f32 v21, v20;
	v21 =	vmul.f32 v22, v16  }
0x125: {  	v19 =	vsel vm15, v19, v23  }
0x126: {  	v19 =	vmul.f32 v19, v17;
	v20 =	vadd.f32 v21, v20;
	v21 =	vor.u32 s11, v1;
	_ =	sdelay $0x1  }
0x127: {  	v19 =	vadd.f32 v19, v20  }
0x128: {  	s10 =	sadd.s32 $0x10, s10  }
0x129: {  	[tilespmem:s10+$0x0] =	vst v19  }
0x12a: {  	v19 =	vimm.f32 $0.0e+00;
	s10 =	simm.s32 $0x1;
	v20 =	vld.idx.msk [tilespmem:v21+s26+$0x0], $0xffff  }
.LBB2_8:
0x12b: {  	v21 =	vor.u32 s10, v1;
	p0 =	sne.s32 s10, $0xF;
	s10 =	sadd.s32 $0x1, s10  }
.Ltmp2:
0x12c: {  	(pc) =	sbr.rel @p0 .LBB2_8-.Ltmp2, $2  }
0x12d: {  	_ =	sdelay $0x2  }
0x12e: {  	v19 =	vadd.f32 v20, v19;
	v20 =	vld.idx.msk [tilespmem:v21+s26+$0x0], $0xffff  }
0x12f: {  	_ =	sdelay $0x3  }
0x130: {  	v19 =	vadd.f32 v20, v19;
	_ =	sdelay $0x1  }
0x131: {  	v19 =	vmul.f32 $1.442695020e+00, v19;
	_ =	sdelay $0x1  }
0x132: {  	(erf) = vpow2.f32 v19;
	_ =	sdelay $0x3  }
0x133: {  	s10 =	sshll.u32 s9, $0x4;
	s9 =	sadd.s32 $0x1, s9  }
0x134: {  	p0 =	sne.s32 s9, $0x4  }
.Ltmp3:
0x135: {  	_ = 	snop;
	(pc) =	sbr.rel @p0 .LBB2_5-.Ltmp3, $4  }
0x136: {  	_ = 	snop  }
0x137: {  	s5 =	sadd.s32 $0x400, s5;
	s6 =	sadd.s32 $0x400, s6;
	s7 =	sadd.s32 $0x400, s7  }
0x138: {  	s4 =	sadd.s32 $0x400, s4;
	s22 =	sadd.s32 $0x400, s22;
	s10 =	sand.u32 $0x3FFFFFF0, s10;
	v19 =	vpop (erf)  }
0x139: {  	s23 =	sadd.s32 $0x400, s23;
	s24 =	sadd.s32 $0x400, s24;
	s30 =	sadd.s32 $0x400, s30;
	[tilespmem:v18+s10+$0x0 ss:$0x1] =	vst.idx.msk $0xffff, v19  }
0x13a: {  	s17 =	sadd.s32 $0x1, s17  }
0x13b: {  	p0 =	sne.s32 s17, $0xA7  }
.Ltmp4:
0x13c: {  	s4 =	rddreg [dreg:$0x2];
	(pc) =	sbr.rel @p0 .LBB2_4-.Ltmp4, $4  }
0x13d: {  	[spmem:s4] =	stream.indirect.scatter.add.f32 [tilespmem:s2], [sflag:$0x2], $0x1, s28, s1, $0xb8;
	[tilespmem:$0x1D9F8] =	vst v63  }
0x13e: {  	_ =	swait.ge [sflag:s8], $0x40  }
0x13f: {  	[sflag:s8] =	ssyncset.done $0x0  }
0x140: {  	[sflag:s8] =	ssyncadd.s32 $0xFFFFFFC0  }
0x141: {  	[bflag:$0x0] =	sbarrier.arrive $0xFFFF  }
0x142: {  	s2 =	rddreg [dreg:$0x2]  }
0x143: {  	[tilespmem:s29], [sflag:$0x2] =	stream.linear.gather [spmem:s2], $0x2780, $0x38;
	[tilespmem:$0x1D9F8] =	vst v63  }
0x144: {  	_ =	swait.ge [sflag:s8], $0x2780  }
0x145: {  	[sflag:s8] =	ssyncset.done $0x0  }
0x146: {  	s2 =	simm.s32 $0x0;
	[sflag:s8] =	ssyncadd.s32 $0xFFFFD880  }
0x147: {  	v2 =	vld [tilespmem:s2+$0x29C0];
	_ =	sdelay $0x7  }
0x148: {  	v2 =	vld.idx.msk [tilespmem:v2+s29+$0x0], $0xffff;
	_ =	sdelay $0x4  }
0x149: {  	v2 =	vadd.f32 $1.000000020e-16, v2;
	_ =	sdelay $0x1  }
0x14a: {  	(erf) = vrcp.f32 v2;
	_ =	sdelay $0x2  }
0x14b: {  	s5 =	simm.s32 $0x10  }
0x14c: {  	s4 =	simm.s32 $0x80;
	v2 =	vld [tilespmem:s5+$0x29C0]  }
.LBB2_12:
0x14d: {  	p0 =	sne.s32 s4, $0xA6C0;
	v3 =	vld [tilespmem:s2+$0x5380];
	_ =	sdelay $0x3  }
0x14e: {  	v4 =	vpop (erf)  }
0x14f: {  	v3 =	vmul.f32 v4, v3;
	_ =	sdelay $0x1  }
0x150: {  	[tilespmem:s2+$0x5380] =	vst v3;
	s2 =	smov.u32 s5  }
0x151: {  	v2 =	vld.idx.msk [tilespmem:v2+s29+$0x0], $0xffff;
	_ =	sdelay $0x5  }
0x152: {  	v2 =	vadd.f32 $1.000000020e-16, v2;
	_ =	sdelay $0x1  }
.Ltmp5:
0x153: {  	(erf) = vrcp.f32 v2;
	(pc) =	sbr.rel @p0 .LBB2_12-.Ltmp5, $3  }
0x154: {  	_ =	sdelay $0x1  }
0x155: {  	s5 =	sshra.s32 s4, $0x2  }
0x156: {  	s4 =	sadd.s32 $0x40, s4;
	v2 =	vld [tilespmem:s5+$0x29C0]  }
0x157: {  	v3 =	vld [tilespmem:s2+$0x5380];
	_ =	sdelay $0x3  }
0x158: {  	v4 =	vpop (erf)  }
0x159: {  	v3 =	vmul.f32 v4, v3;
	_ =	sdelay $0x1  }
0x15a: {  	[tilespmem:s2+$0x5380] =	vst v3  }
0x15b: {  	v2 =	vld.idx.msk [tilespmem:v2+s29+$0x0], $0xffff;
	_ =	sdelay $0x4  }
0x15c: {  	v2 =	vadd.f32 $1.000000020e-16, v2;
	_ =	sdelay $0x1  }
0x15d: {  	(erf) = vrcp.f32 v2;
	_ =	sdelay $0x4  }
0x15e: {  	v2 =	vld [tilespmem:s5+$0x5380];
	_ =	sdelay $0x3  }
0x15f: {  	v3 =	vpop (erf)  }
0x160: {  	v2 =	vmul.f32 v3, v2;
	_ =	sdelay $0x1  }
0x161: {  	s12 =	rddreg [dreg:$0xe];
	s4 =	simm.s32 $0x12500;
	[tilespmem:s5+$0x5380] =	vst v2  }
0x162: {  	[spmem:s12] =	stream.linear.scatter [tilespmem:s4], [sflag:$0x2], $0x1000, $0x38;
	[tilespmem:$0x1D9F8] =	vst v63  }
0x163: {  	_ =	swait.ge [sflag:s8], $0x1000  }
0x164: {  	[sflag:s8] =	ssyncset.done $0x0  }
0x165: {  	s13 =	rddreg [dreg:$0xf];
	[sflag:s8] =	ssyncadd.s32 $0xFFFFF000  }
0x166: {  	[spmem:s13] =	stream.linear.scatter [tilespmem:s4], [sflag:$0x2], $0x1000, $0x38;
	[tilespmem:$0x1D9F8] =	vst v63  }
0x167: {  	_ =	swait.ge [sflag:s8], $0x1000  }
0x168: {  	[sflag:s8] =	ssyncset.done $0x0  }
0x169: {  	s17 =	rddreg [dreg:$0x10];
	[sflag:s8] =	ssyncadd.s32 $0xFFFFF000  }
0x16a: {  	[spmem:s17] =	stream.linear.scatter [tilespmem:s4], [sflag:$0x2], $0x1000, $0x38;
	[tilespmem:$0x1D9F8] =	vst v63  }
0x16b: {  	_ =	swait.ge [sflag:s8], $0x1000  }
0x16c: {  	[sflag:s8] =	ssyncset.done $0x0  }
0x16d: {  	s22 =	rddreg [dreg:$0x11];
	[sflag:s8] =	ssyncadd.s32 $0xFFFFF000  }
0x16e: {  	[spmem:s22] =	stream.linear.scatter [tilespmem:s4], [sflag:$0x2], $0x1000, $0x38;
	[tilespmem:$0x1D9F8] =	vst v63  }
0x16f: {  	_ =	swait.ge [sflag:s8], $0x1000  }
0x170: {  	[sflag:s8] =	ssyncset.done $0x0  }
0x171: {  	s23 =	rddreg [dreg:$0x12];
	[sflag:s8] =	ssyncadd.s32 $0xFFFFF000  }
0x172: {  	[spmem:s23] =	stream.linear.scatter [tilespmem:s4], [sflag:$0x2], $0x1000, $0x38;
	[tilespmem:$0x1D9F8] =	vst v63  }
0x173: {  	_ =	swait.ge [sflag:s8], $0x1000  }
0x174: {  	[sflag:s8] =	ssyncset.done $0x0  }
0x175: {  	s24 =	rddreg [dreg:$0x13];
	[sflag:s8] =	ssyncadd.s32 $0xFFFFF000  }
0x176: {  	[spmem:s24] =	stream.linear.scatter [tilespmem:s4], [sflag:$0x2], $0x1000, $0x38;
	[tilespmem:$0x1D9F8] =	vst v63  }
0x177: {  	_ =	swait.ge [sflag:s8], $0x1000  }
0x178: {  	[sflag:s8] =	ssyncset.done $0x0  }
0x179: {  	s30 =	rddreg [dreg:$0x14];
	[sflag:s8] =	ssyncadd.s32 $0xFFFFF000  }
0x17a: {  	[spmem:s30] =	stream.linear.scatter [tilespmem:s4], [sflag:$0x2], $0x1000, $0x38;
	[tilespmem:$0x1D9F8] =	vst v63  }
0x17b: {  	_ =	swait.ge [sflag:s8], $0x1000  }
0x17c: {  	[sflag:s8] =	ssyncset.done $0x0  }
0x17d: {  	s9 =	rddreg [dreg:$0x15];
	[sflag:s8] =	ssyncadd.s32 $0xFFFFF000  }
0x17e: {  	[spmem:s9] =	stream.linear.scatter [tilespmem:s4], [sflag:$0x2], $0x1000, $0x38;
	[tilespmem:$0x1D9F8] =	vst v63  }
0x17f: {  	_ =	swait.ge [sflag:s8], $0x1000  }
0x180: {  	[sflag:s8] =	ssyncset.done $0x0  }
0x181: {  	s10 =	rddreg [dreg:$0x16];
	[sflag:s8] =	ssyncadd.s32 $0xFFFFF000  }
0x182: {  	[spmem:s10] =	stream.linear.scatter [tilespmem:s4], [sflag:$0x2], $0x1000, $0x38;
	[tilespmem:$0x1D9F8] =	vst v63  }
0x183: {  	_ =	swait.ge [sflag:s8], $0x1000  }
0x184: {  	[sflag:s8] =	ssyncset.done $0x0  }
0x185: {  	s11 =	rddreg [dreg:$0x17];
	[sflag:s8] =	ssyncadd.s32 $0xFFFFF000  }
0x186: {  	[spmem:s11] =	stream.linear.scatter [tilespmem:s4], [sflag:$0x2], $0xE00, $0x38;
	[tilespmem:$0x1D9F8] =	vst v63  }
0x187: {  	_ =	swait.ge [sflag:s8], $0xE00  }
0x188: {  	[sflag:s8] =	ssyncset.done $0x0  }
0x189: {  	[sflag:s8] =	ssyncadd.s32 $0xFFFFF200  }
0x18a: {  	s2 =	simm.s32 $0x0;
	s4 =	simm.s32 $0x0;
	[bflag:$0x0] =	sbarrier.arrive $0xFFFF  }
.LBB2_14:
0x18b: {  	s5 =	sshll.u32 s4, $0x6  }
0x18c: {  	[tilespmem:s0], [sflag:$0x1] =	stream.indirect.gather [hbm4b:s18+s1], $0x40, s5, s1, $0xb8;
	[tilespmem:$0x1D9F8] =	vst v63  }
0x18d: {  	_ =	swait.ge [sflag:s25], $0x1000  }
0x18e: {  	[sflag:s25] =	ssyncset.done $0x0  }
0x18f: {  	[sflag:s25] =	ssyncadd.s32 $0xFFFFF000  }
0x190: {  	v2 =	vld [tilespmem:s5+$0x29C0];
	_ =	sdelay $0x4  }
0x191: {  	[tilespmem:$0x124C0] =	vst v2  }
0x192: {  	v2 =	vld [tilespmem:s5+$0x29D0];
	_ =	sdelay $0x4  }
0x193: {  	[tilespmem:$0x124D0] =	vst v2  }
0x194: {  	v2 =	vld [tilespmem:s5+$0x29E0];
	_ =	sdelay $0x4  }
0x195: {  	[tilespmem:$0x124E0] =	vst v2  }
0x196: {  	v2 =	vld [tilespmem:s5+$0x29F0];
	_ =	sdelay $0x1  }
0x197: {  	s11 =	sadd.s32 $0x0, s2  }
0x198: {  	v3 =	vmov s11;
	_ =	sdelay $0x1  }
0x199: {  	s5 =	simm.s32 $0xA4E0;
	[tilespmem:$0x124F0] =	vst v2  }
0x19a: {  	v4 =	vld [tilespmem:s5+$0xFFFFFFF0]  }
0x19b: {  	v2 =	vld [tilespmem:s5+$0x10]  }
0x19c: {  	v7 =	vld.idx.msk [tilespmem:v3+s31+$0x0], $0xffff  }
0x19d: {  	v3 =	vld [tilespmem:s5+$0xFFFFFFE0]  }
0x19e: {  	v8 =	vld [tilespmem:s5+$0x0];
	_ =	sdelay $0x3  }
0x19f: {  	s7 =	sadd.s32 $0x1, s2;
	v3 =	vmul.f32 v3, v7;
	v6 =	vmul.f32 v2, v7  }
0x1a0: {  	s6 =	simm.s32 $0x2;
	v2 =	vmov s7;
	v5 =	vmul.f32 v4, v7;
	v4 =	vmul.f32 v8, v7;
	s7 =	simm.s32 $0xA4E0  }
.LBB2_15:
0x1a1: {  	p0 =	sne.s32 s6, $0x3F  }
0x1a2: {  	[tilespmem:s5+$0x10] =	vst v6;
	s7 =	sadd.s32 $0x40, s7;
	s9 =	smov.u32 s6;
	s6 =	sadd.s32 $0x1, s6  }
0x1a3: {  	[tilespmem:s5+$0xFFFFFFE0] =	vst v3  }
0x1a4: {  	v7 =	vld [tilespmem:s7+$0xFFFFFFF0];
	[tilespmem:s5+$0xFFFFFFF0] =	vst v5  }
0x1a5: {  	v5 =	vld [tilespmem:s7+$0x10];
	[tilespmem:s5+$0x0] =	vst v4;
	s5 =	smov.u32 s7  }
0x1a6: {  	v4 =	vld.idx.msk [tilespmem:v2+s31+$0x0], $0xffff  }
0x1a7: {  	v2 =	vld [tilespmem:s7+$0xFFFFFFE0]  }
0x1a8: {  	v8 =	vld [tilespmem:s7+$0x0]  }
.Ltmp6:
0x1a9: {  	(pc) =	sbr.rel @p0 .LBB2_15-.Ltmp6, $3  }
0x1aa: {  	_ =	sdelay $0x1  }
0x1ab: {  	s9 =	sadd.s32 s9, s2;
	v6 =	vmul.f32 v5, v4;
	v3 =	vmul.f32 v2, v4  }
0x1ac: {  	v5 =	vmul.f32 v7, v4;
	v2 =	vmov s9;
	v4 =	vmul.f32 v8, v4  }
0x1ad: {  	[tilespmem:s5+$0x10] =	vst v6  }
0x1ae: {  	s6 =	sadd.s32 $0x40, s7;
	[tilespmem:s5+$0xFFFFFFE0] =	vst v3  }
0x1af: {  	v3 =	vld [tilespmem:s6+$0xFFFFFFF0];
	[tilespmem:s5+$0xFFFFFFF0] =	vst v5  }
0x1b0: {  	v5 =	vld [tilespmem:s6+$0x10];
	[tilespmem:s5+$0x0] =	vst v4  }
0x1b1: {  	v2 =	vld.idx.msk [tilespmem:v2+s31+$0x0], $0xffff  }
0x1b2: {  	v4 =	vld [tilespmem:s6+$0xFFFFFFE0];
	_ =	sdelay $0x1  }
0x1b3: {  	v6 =	vld [tilespmem:s6+$0x0];
	_ =	sdelay $0x1  }
0x1b4: {  	v5 =	vmul.f32 v5, v2  }
0x1b5: {  	v4 =	vmul.f32 v4, v2  }
0x1b6: {  	v3 =	vmul.f32 v3, v2;
	[tilespmem:s6+$0x10] =	vst v5  }
0x1b7: {  	s4 =	sadd.s32 $0x1, s4;
	v2 =	vmul.f32 v6, v2;
	[tilespmem:s6+$0xFFFFFFE0] =	vst v4  }
0x1b8: {  	p0 =	sne.s32 s4, $0xA7;
	[tilespmem:s6+$0xFFFFFFF0] =	vst v3  }
.Ltmp7:
0x1b9: {  	[tilespmem:s6+$0x0] =	vst v2;
	(pc) =	sbr.rel @p0 .LBB2_14-.Ltmp7, $4  }
0x1ba: {  	[spmem:s3] =	stream.indirect.scatter.add.f32 [tilespmem:s0], [sflag:$0x2], $0x40, s28, s1, $0xb8;
	[tilespmem:$0x1D9F8] =	vst v63  }
0x1bb: {  	_ =	swait.ge [sflag:s8], $0x1000  }
0x1bc: {  	[sflag:s8] =	ssyncset.done $0x0  }
0x1bd: {  	s2 =	sadd.s32 $0x40, s2;
	[sflag:s8] =	ssyncadd.s32 $0xFFFFF000  }
0x1be: {  	s2 =	stileid.u32  }
0x1bf: {  	[bflag:$0x0] =	sbarrier.arrive $0xFFFF;
	s2 =	sshll.u32 s2, $0x6  }
0x1c0: {  	s4 =	sshrl.u32 s12, $0x3;
	s5 =	rddreg [dreg:$0x18];
	s2 =	sor.u32 $0x1C02, s2  }
0x1c1: {  	[hbm:s5], [sflag:s2] =	dma.local [spmem:s4], $0x13C0  }
0x1c2: {  	_ =	swait.ge [sflag:s8], $0x13C0  }
0x1c3: {  	[sflag:s8] =	ssyncset.done $0x0  }
0x1c4: {  	[sflag:s8] =	ssyncadd.s32 $0xFFFFEC40  }
0x1c5: {  	s6 =	simm.s32 $0x12500;
	[bflag:$0x0] =	sbarrier.arrive $0xFFFF  }
0x1c6: {  	[spmem:s12] =	stream.linear.scatter [tilespmem:s6], [sflag:$0x2], $0x1000, $0x38;
	[tilespmem:$0x1D9F8] =	vst v63  }
0x1c7: {  	_ =	swait.ge [sflag:s8], $0x1000  }
0x1c8: {  	[sflag:s8] =	ssyncset.done $0x0  }
0x1c9: {  	[sflag:s8] =	ssyncadd.s32 $0xFFFFF000  }
0x1ca: {  	[spmem:s13] =	stream.linear.scatter [tilespmem:s6], [sflag:$0x2], $0x1000, $0x38;
	[tilespmem:$0x1D9F8] =	vst v63  }
0x1cb: {  	_ =	swait.ge [sflag:s8], $0x1000  }
0x1cc: {  	[sflag:s8] =	ssyncset.done $0x0  }
0x1cd: {  	[sflag:s8] =	ssyncadd.s32 $0xFFFFF000  }
0x1ce: {  	[spmem:s17] =	stream.linear.scatter [tilespmem:s6], [sflag:$0x2], $0x1000, $0x38;
	[tilespmem:$0x1D9F8] =	vst v63  }
0x1cf: {  	_ =	swait.ge [sflag:s8], $0x1000  }
0x1d0: {  	[sflag:s8] =	ssyncset.done $0x0  }
0x1d1: {  	[sflag:s8] =	ssyncadd.s32 $0xFFFFF000  }
0x1d2: {  	[spmem:s22] =	stream.linear.scatter [tilespmem:s6], [sflag:$0x2], $0x1000, $0x38;
	[tilespmem:$0x1D9F8] =	vst v63  }
0x1d3: {  	_ =	swait.ge [sflag:s8], $0x1000  }
0x1d4: {  	[sflag:s8] =	ssyncset.done $0x0  }
0x1d5: {  	[sflag:s8] =	ssyncadd.s32 $0xFFFFF000  }
0x1d6: {  	[spmem:s23] =	stream.linear.scatter [tilespmem:s6], [sflag:$0x2], $0x1000, $0x38;
	[tilespmem:$0x1D9F8] =	vst v63  }
0x1d7: {  	_ =	swait.ge [sflag:s8], $0x1000  }
0x1d8: {  	[sflag:s8] =	ssyncset.done $0x0  }
0x1d9: {  	[sflag:s8] =	ssyncadd.s32 $0xFFFFF000  }
0x1da: {  	[spmem:s24] =	stream.linear.scatter [tilespmem:s6], [sflag:$0x2], $0x1000, $0x38;
	[tilespmem:$0x1D9F8] =	vst v63  }
0x1db: {  	_ =	swait.ge [sflag:s8], $0x1000  }
0x1dc: {  	[sflag:s8] =	ssyncset.done $0x0  }
0x1dd: {  	[sflag:s8] =	ssyncadd.s32 $0xFFFFF000  }
0x1de: {  	[spmem:s30] =	stream.linear.scatter [tilespmem:s6], [sflag:$0x2], $0x1000, $0x38;
	[tilespmem:$0x1D9F8] =	vst v63  }
0x1df: {  	_ =	swait.ge [sflag:s8], $0x1000  }
0x1e0: {  	[sflag:s8] =	ssyncset.done $0x0  }
0x1e1: {  	s9 =	rddreg [dreg:$0x15];
	[sflag:s8] =	ssyncadd.s32 $0xFFFFF000  }
0x1e2: {  	[spmem:s9] =	stream.linear.scatter [tilespmem:s6], [sflag:$0x2], $0x1000, $0x38;
	[tilespmem:$0x1D9F8] =	vst v63  }
0x1e3: {  	_ =	swait.ge [sflag:s8], $0x1000  }
0x1e4: {  	[sflag:s8] =	ssyncset.done $0x0  }
0x1e5: {  	s10 =	rddreg [dreg:$0x16];
	[sflag:s8] =	ssyncadd.s32 $0xFFFFF000  }
0x1e6: {  	[spmem:s10] =	stream.linear.scatter [tilespmem:s6], [sflag:$0x2], $0x1000, $0x38;
	[tilespmem:$0x1D9F8] =	vst v63  }
0x1e7: {  	_ =	swait.ge [sflag:s8], $0x1000  }
0x1e8: {  	[sflag:s8] =	ssyncset.done $0x0  }
0x1e9: {  	s11 =	rddreg [dreg:$0x17];
	[sflag:s8] =	ssyncadd.s32 $0xFFFFF000  }
0x1ea: {  	[spmem:s11] =	stream.linear.scatter [tilespmem:s6], [sflag:$0x2], $0xE00, $0x38;
	[tilespmem:$0x1D9F8] =	vst v63  }
0x1eb: {  	_ =	swait.ge [sflag:s8], $0xE00  }
0x1ec: {  	[sflag:s8] =	ssyncset.done $0x0  }
0x1ed: {  	[sflag:s8] =	ssyncadd.s32 $0xFFFFF200  }
0x1ee: {  	s5 =	simm.s32 $0x0;
	s6 =	simm.s32 $0x0;
	[bflag:$0x0] =	sbarrier.arrive $0xFFFF  }
.LBB2_18:
0x1ef: {  	s7 =	sshll.u32 s6, $0x6  }
0x1f0: {  	[tilespmem:s0], [sflag:$0x1] =	stream.indirect.gather [hbm4b:s19+s1], $0x40, s7, s1, $0xb8;
	[tilespmem:$0x1D9F8] =	vst v63  }
0x1f1: {  	_ =	swait.ge [sflag:s25], $0x1000  }
0x1f2: {  	[sflag:s25] =	ssyncset.done $0x0  }
0x1f3: {  	[sflag:s25] =	ssyncadd.s32 $0xFFFFF000  }
0x1f4: {  	v2 =	vld [tilespmem:s7+$0x29C0];
	_ =	sdelay $0x4  }
0x1f5: {  	[tilespmem:$0x124C0] =	vst v2  }
0x1f6: {  	v2 =	vld [tilespmem:s7+$0x29D0];
	_ =	sdelay $0x4  }
0x1f7: {  	[tilespmem:$0x124D0] =	vst v2  }
0x1f8: {  	v2 =	vld [tilespmem:s7+$0x29E0];
	_ =	sdelay $0x4  }
0x1f9: {  	[tilespmem:$0x124E0] =	vst v2  }
0x1fa: {  	v2 =	vld [tilespmem:s7+$0x29F0];
	_ =	sdelay $0x1  }
0x1fb: {  	s11 =	sadd.s32 $0x0, s5  }
0x1fc: {  	v3 =	vmov s11;
	_ =	sdelay $0x1  }
0x1fd: {  	s7 =	simm.s32 $0xA4E0;
	[tilespmem:$0x124F0] =	vst v2  }
0x1fe: {  	v4 =	vld [tilespmem:s7+$0xFFFFFFF0]  }
0x1ff: {  	v2 =	vld [tilespmem:s7+$0x10]  }
0x200: {  	v7 =	vld.idx.msk [tilespmem:v3+s31+$0x0], $0xffff  }
0x201: {  	v3 =	vld [tilespmem:s7+$0xFFFFFFE0]  }
0x202: {  	v8 =	vld [tilespmem:s7+$0x0];
	_ =	sdelay $0x3  }
0x203: {  	s10 =	sadd.s32 $0x1, s5;
	v3 =	vmul.f32 v3, v7;
	v6 =	vmul.f32 v2, v7  }
0x204: {  	s9 =	simm.s32 $0x2;
	v2 =	vmov s10;
	v5 =	vmul.f32 v4, v7;
	v4 =	vmul.f32 v8, v7;
	s10 =	simm.s32 $0xA4E0  }
.LBB2_19:
0x205: {  	p0 =	sne.s32 s9, $0x3F  }
0x206: {  	[tilespmem:s7+$0x10] =	vst v6;
	s10 =	sadd.s32 $0x40, s10;
	s11 =	smov.u32 s9;
	s9 =	sadd.s32 $0x1, s9  }
0x207: {  	[tilespmem:s7+$0xFFFFFFE0] =	vst v3  }
0x208: {  	v7 =	vld [tilespmem:s10+$0xFFFFFFF0];
	[tilespmem:s7+$0xFFFFFFF0] =	vst v5  }
0x209: {  	v5 =	vld [tilespmem:s10+$0x10];
	[tilespmem:s7+$0x0] =	vst v4;
	s7 =	smov.u32 s10  }
0x20a: {  	v4 =	vld.idx.msk [tilespmem:v2+s31+$0x0], $0xffff  }
0x20b: {  	v2 =	vld [tilespmem:s10+$0xFFFFFFE0]  }
0x20c: {  	v8 =	vld [tilespmem:s10+$0x0]  }
.Ltmp8:
0x20d: {  	(pc) =	sbr.rel @p0 .LBB2_19-.Ltmp8, $3  }
0x20e: {  	_ =	sdelay $0x1  }
0x20f: {  	s11 =	sadd.s32 s11, s5;
	v6 =	vmul.f32 v5, v4;
	v3 =	vmul.f32 v2, v4  }
0x210: {  	v5 =	vmul.f32 v7, v4;
	v2 =	vmov s11;
	v4 =	vmul.f32 v8, v4  }
0x211: {  	[tilespmem:s7+$0x10] =	vst v6  }
0x212: {  	s9 =	sadd.s32 $0x40, s10;
	[tilespmem:s7+$0xFFFFFFE0] =	vst v3  }
0x213: {  	v3 =	vld [tilespmem:s9+$0xFFFFFFF0];
	[tilespmem:s7+$0xFFFFFFF0] =	vst v5  }
0x214: {  	v5 =	vld [tilespmem:s9+$0x10];
	[tilespmem:s7+$0x0] =	vst v4  }
0x215: {  	v2 =	vld.idx.msk [tilespmem:v2+s31+$0x0], $0xffff  }
0x216: {  	v4 =	vld [tilespmem:s9+$0xFFFFFFE0];
	_ =	sdelay $0x1  }
0x217: {  	v6 =	vld [tilespmem:s9+$0x0];
	_ =	sdelay $0x1  }
0x218: {  	v5 =	vmul.f32 v5, v2  }
0x219: {  	v4 =	vmul.f32 v4, v2  }
0x21a: {  	v3 =	vmul.f32 v3, v2;
	[tilespmem:s9+$0x10] =	vst v5  }
0x21b: {  	s6 =	sadd.s32 $0x1, s6;
	v2 =	vmul.f32 v6, v2;
	[tilespmem:s9+$0xFFFFFFE0] =	vst v4  }
0x21c: {  	p0 =	sne.s32 s6, $0xA7;
	[tilespmem:s9+$0xFFFFFFF0] =	vst v3  }
.Ltmp9:
0x21d: {  	[tilespmem:s9+$0x0] =	vst v2;
	(pc) =	sbr.rel @p0 .LBB2_18-.Ltmp9, $4  }
0x21e: {  	[spmem:s3] =	stream.indirect.scatter.add.f32 [tilespmem:s0], [sflag:$0x2], $0x40, s28, s1, $0xb8;
	[tilespmem:$0x1D9F8] =	vst v63  }
0x21f: {  	_ =	swait.ge [sflag:s8], $0x1000  }
0x220: {  	[sflag:s8] =	ssyncset.done $0x0  }
0x221: {  	s5 =	sadd.s32 $0x40, s5;
	[sflag:s8] =	ssyncadd.s32 $0xFFFFF000  }
0x222: {  	[bflag:$0x0] =	sbarrier.arrive $0xFFFF  }
0x223: {  	s5 =	rddreg [dreg:$0x19]  }
0x224: {  	[hbm:s5], [sflag:s2] =	dma.local [spmem:s4], $0x13C0  }
0x225: {  	_ =	swait.ge [sflag:s8], $0x13C0  }
0x226: {  	[sflag:s8] =	ssyncset.done $0x0  }
0x227: {  	[sflag:s8] =	ssyncadd.s32 $0xFFFFEC40  }
0x228: {  	s6 =	simm.s32 $0x12500;
	[bflag:$0x0] =	sbarrier.arrive $0xFFFF  }
0x229: {  	[spmem:s12] =	stream.linear.scatter [tilespmem:s6], [sflag:$0x2], $0x1000, $0x38;
	[tilespmem:$0x1D9F8] =	vst v63  }
0x22a: {  	_ =	swait.ge [sflag:s8], $0x1000  }
0x22b: {  	[sflag:s8] =	ssyncset.done $0x0  }
0x22c: {  	[sflag:s8] =	ssyncadd.s32 $0xFFFFF000  }
0x22d: {  	[spmem:s13] =	stream.linear.scatter [tilespmem:s6], [sflag:$0x2], $0x1000, $0x38;
	[tilespmem:$0x1D9F8] =	vst v63  }
0x22e: {  	_ =	swait.ge [sflag:s8], $0x1000  }
0x22f: {  	[sflag:s8] =	ssyncset.done $0x0  }
0x230: {  	[sflag:s8] =	ssyncadd.s32 $0xFFFFF000  }
0x231: {  	[spmem:s17] =	stream.linear.scatter [tilespmem:s6], [sflag:$0x2], $0x1000, $0x38;
	[tilespmem:$0x1D9F8] =	vst v63  }
0x232: {  	_ =	swait.ge [sflag:s8], $0x1000  }
0x233: {  	[sflag:s8] =	ssyncset.done $0x0  }
0x234: {  	[sflag:s8] =	ssyncadd.s32 $0xFFFFF000  }
0x235: {  	[spmem:s22] =	stream.linear.scatter [tilespmem:s6], [sflag:$0x2], $0x1000, $0x38;
	[tilespmem:$0x1D9F8] =	vst v63  }
0x236: {  	_ =	swait.ge [sflag:s8], $0x1000  }
0x237: {  	[sflag:s8] =	ssyncset.done $0x0  }
0x238: {  	[sflag:s8] =	ssyncadd.s32 $0xFFFFF000  }
0x239: {  	[spmem:s23] =	stream.linear.scatter [tilespmem:s6], [sflag:$0x2], $0x1000, $0x38;
	[tilespmem:$0x1D9F8] =	vst v63  }
0x23a: {  	_ =	swait.ge [sflag:s8], $0x1000  }
0x23b: {  	[sflag:s8] =	ssyncset.done $0x0  }
0x23c: {  	[sflag:s8] =	ssyncadd.s32 $0xFFFFF000  }
0x23d: {  	[spmem:s24] =	stream.linear.scatter [tilespmem:s6], [sflag:$0x2], $0x1000, $0x38;
	[tilespmem:$0x1D9F8] =	vst v63  }
0x23e: {  	_ =	swait.ge [sflag:s8], $0x1000  }
0x23f: {  	[sflag:s8] =	ssyncset.done $0x0  }
0x240: {  	[sflag:s8] =	ssyncadd.s32 $0xFFFFF000  }
0x241: {  	[spmem:s30] =	stream.linear.scatter [tilespmem:s6], [sflag:$0x2], $0x1000, $0x38;
	[tilespmem:$0x1D9F8] =	vst v63  }
0x242: {  	_ =	swait.ge [sflag:s8], $0x1000  }
0x243: {  	[sflag:s8] =	ssyncset.done $0x0  }
0x244: {  	s9 =	rddreg [dreg:$0x15];
	[sflag:s8] =	ssyncadd.s32 $0xFFFFF000  }
0x245: {  	[spmem:s9] =	stream.linear.scatter [tilespmem:s6], [sflag:$0x2], $0x1000, $0x38;
	[tilespmem:$0x1D9F8] =	vst v63  }
0x246: {  	_ =	swait.ge [sflag:s8], $0x1000  }
0x247: {  	[sflag:s8] =	ssyncset.done $0x0  }
0x248: {  	s10 =	rddreg [dreg:$0x16];
	[sflag:s8] =	ssyncadd.s32 $0xFFFFF000  }
0x249: {  	[spmem:s10] =	stream.linear.scatter [tilespmem:s6], [sflag:$0x2], $0x1000, $0x38;
	[tilespmem:$0x1D9F8] =	vst v63  }
0x24a: {  	_ =	swait.ge [sflag:s8], $0x1000  }
0x24b: {  	[sflag:s8] =	ssyncset.done $0x0  }
0x24c: {  	s11 =	rddreg [dreg:$0x17];
	[sflag:s8] =	ssyncadd.s32 $0xFFFFF000  }
0x24d: {  	[spmem:s11] =	stream.linear.scatter [tilespmem:s6], [sflag:$0x2], $0xE00, $0x38;
	[tilespmem:$0x1D9F8] =	vst v63  }
0x24e: {  	_ =	swait.ge [sflag:s8], $0xE00  }
0x24f: {  	[sflag:s8] =	ssyncset.done $0x0  }
0x250: {  	[sflag:s8] =	ssyncadd.s32 $0xFFFFF200  }
0x251: {  	s5 =	simm.s32 $0x0;
	s6 =	simm.s32 $0x0;
	[bflag:$0x0] =	sbarrier.arrive $0xFFFF  }
.LBB2_22:
0x252: {  	s7 =	sshll.u32 s6, $0x6  }
0x253: {  	[tilespmem:s0], [sflag:$0x1] =	stream.indirect.gather [hbm4b:s20+s1], $0x40, s7, s1, $0xb8;
	[tilespmem:$0x1D9F8] =	vst v63  }
0x254: {  	_ =	swait.ge [sflag:s25], $0x1000  }
0x255: {  	[sflag:s25] =	ssyncset.done $0x0  }
0x256: {  	[sflag:s25] =	ssyncadd.s32 $0xFFFFF000  }
0x257: {  	v2 =	vld [tilespmem:s7+$0x29C0];
	_ =	sdelay $0x4  }
0x258: {  	[tilespmem:$0x124C0] =	vst v2  }
0x259: {  	v2 =	vld [tilespmem:s7+$0x29D0];
	_ =	sdelay $0x4  }
0x25a: {  	[tilespmem:$0x124D0] =	vst v2  }
0x25b: {  	v2 =	vld [tilespmem:s7+$0x29E0];
	_ =	sdelay $0x4  }
0x25c: {  	[tilespmem:$0x124E0] =	vst v2  }
0x25d: {  	v2 =	vld [tilespmem:s7+$0x29F0];
	_ =	sdelay $0x1  }
0x25e: {  	s11 =	sadd.s32 $0x0, s5  }
0x25f: {  	v3 =	vmov s11;
	_ =	sdelay $0x1  }
0x260: {  	s7 =	simm.s32 $0xA4E0;
	[tilespmem:$0x124F0] =	vst v2  }
0x261: {  	v4 =	vld [tilespmem:s7+$0xFFFFFFF0]  }
0x262: {  	v2 =	vld [tilespmem:s7+$0x10]  }
0x263: {  	v7 =	vld.idx.msk [tilespmem:v3+s31+$0x0], $0xffff  }
0x264: {  	v3 =	vld [tilespmem:s7+$0xFFFFFFE0]  }
0x265: {  	v8 =	vld [tilespmem:s7+$0x0];
	_ =	sdelay $0x3  }
0x266: {  	s10 =	sadd.s32 $0x1, s5;
	v3 =	vmul.f32 v3, v7;
	v6 =	vmul.f32 v2, v7  }
0x267: {  	s9 =	simm.s32 $0x2;
	v2 =	vmov s10;
	v5 =	vmul.f32 v4, v7;
	v4 =	vmul.f32 v8, v7;
	s10 =	simm.s32 $0xA4E0  }
.LBB2_23:
0x268: {  	p0 =	sne.s32 s9, $0x3F  }
0x269: {  	[tilespmem:s7+$0x10] =	vst v6;
	s10 =	sadd.s32 $0x40, s10;
	s11 =	smov.u32 s9;
	s9 =	sadd.s32 $0x1, s9  }
0x26a: {  	[tilespmem:s7+$0xFFFFFFE0] =	vst v3  }
0x26b: {  	v7 =	vld [tilespmem:s10+$0xFFFFFFF0];
	[tilespmem:s7+$0xFFFFFFF0] =	vst v5  }
0x26c: {  	v5 =	vld [tilespmem:s10+$0x10];
	[tilespmem:s7+$0x0] =	vst v4;
	s7 =	smov.u32 s10  }
0x26d: {  	v4 =	vld.idx.msk [tilespmem:v2+s31+$0x0], $0xffff  }
0x26e: {  	v2 =	vld [tilespmem:s10+$0xFFFFFFE0]  }
0x26f: {  	v8 =	vld [tilespmem:s10+$0x0]  }
.Ltmp10:
0x270: {  	(pc) =	sbr.rel @p0 .LBB2_23-.Ltmp10, $3  }
0x271: {  	_ =	sdelay $0x1  }
0x272: {  	s11 =	sadd.s32 s11, s5;
	v6 =	vmul.f32 v5, v4;
	v3 =	vmul.f32 v2, v4  }
0x273: {  	v5 =	vmul.f32 v7, v4;
	v2 =	vmov s11;
	v4 =	vmul.f32 v8, v4  }
0x274: {  	[tilespmem:s7+$0x10] =	vst v6  }
0x275: {  	s9 =	sadd.s32 $0x40, s10;
	[tilespmem:s7+$0xFFFFFFE0] =	vst v3  }
0x276: {  	v3 =	vld [tilespmem:s9+$0xFFFFFFF0];
	[tilespmem:s7+$0xFFFFFFF0] =	vst v5  }
0x277: {  	v5 =	vld [tilespmem:s9+$0x10];
	[tilespmem:s7+$0x0] =	vst v4  }
0x278: {  	v2 =	vld.idx.msk [tilespmem:v2+s31+$0x0], $0xffff  }
0x279: {  	v4 =	vld [tilespmem:s9+$0xFFFFFFE0];
	_ =	sdelay $0x1  }
0x27a: {  	v6 =	vld [tilespmem:s9+$0x0];
	_ =	sdelay $0x1  }
0x27b: {  	v5 =	vmul.f32 v5, v2  }
0x27c: {  	v4 =	vmul.f32 v4, v2  }
0x27d: {  	v3 =	vmul.f32 v3, v2;
	[tilespmem:s9+$0x10] =	vst v5  }
0x27e: {  	s6 =	sadd.s32 $0x1, s6;
	v2 =	vmul.f32 v6, v2;
	[tilespmem:s9+$0xFFFFFFE0] =	vst v4  }
0x27f: {  	p0 =	sne.s32 s6, $0xA7;
	[tilespmem:s9+$0xFFFFFFF0] =	vst v3  }
.Ltmp11:
0x280: {  	[tilespmem:s9+$0x0] =	vst v2;
	(pc) =	sbr.rel @p0 .LBB2_22-.Ltmp11, $4  }
0x281: {  	[spmem:s3] =	stream.indirect.scatter.add.f32 [tilespmem:s0], [sflag:$0x2], $0x40, s28, s1, $0xb8;
	[tilespmem:$0x1D9F8] =	vst v63  }
0x282: {  	_ =	swait.ge [sflag:s8], $0x1000  }
0x283: {  	[sflag:s8] =	ssyncset.done $0x0  }
0x284: {  	s5 =	sadd.s32 $0x40, s5;
	[sflag:s8] =	ssyncadd.s32 $0xFFFFF000  }
0x285: {  	[bflag:$0x0] =	sbarrier.arrive $0xFFFF  }
0x286: {  	s5 =	rddreg [dreg:$0x1a]  }
0x287: {  	[hbm:s5], [sflag:s2] =	dma.local [spmem:s4], $0x13C0  }
0x288: {  	_ =	swait.ge [sflag:s8], $0x13C0  }
0x289: {  	[sflag:s8] =	ssyncset.done $0x0  }
0x28a: {  	[sflag:s8] =	ssyncadd.s32 $0xFFFFEC40  }
0x28b: {  	s6 =	simm.s32 $0x12500;
	[bflag:$0x0] =	sbarrier.arrive $0xFFFF  }
0x28c: {  	[spmem:s12] =	stream.linear.scatter [tilespmem:s6], [sflag:$0x2], $0x1000, $0x38;
	[tilespmem:$0x1D9F8] =	vst v63  }
0x28d: {  	_ =	swait.ge [sflag:s8], $0x1000  }
0x28e: {  	[sflag:s8] =	ssyncset.done $0x0  }
0x28f: {  	[sflag:s8] =	ssyncadd.s32 $0xFFFFF000  }
0x290: {  	[spmem:s13] =	stream.linear.scatter [tilespmem:s6], [sflag:$0x2], $0x1000, $0x38;
	[tilespmem:$0x1D9F8] =	vst v63  }
0x291: {  	_ =	swait.ge [sflag:s8], $0x1000  }
0x292: {  	[sflag:s8] =	ssyncset.done $0x0  }
0x293: {  	[sflag:s8] =	ssyncadd.s32 $0xFFFFF000  }
0x294: {  	[spmem:s17] =	stream.linear.scatter [tilespmem:s6], [sflag:$0x2], $0x1000, $0x38;
	[tilespmem:$0x1D9F8] =	vst v63  }
0x295: {  	_ =	swait.ge [sflag:s8], $0x1000  }
0x296: {  	[sflag:s8] =	ssyncset.done $0x0  }
0x297: {  	[sflag:s8] =	ssyncadd.s32 $0xFFFFF000  }
0x298: {  	[spmem:s22] =	stream.linear.scatter [tilespmem:s6], [sflag:$0x2], $0x1000, $0x38;
	[tilespmem:$0x1D9F8] =	vst v63  }
0x299: {  	_ =	swait.ge [sflag:s8], $0x1000  }
0x29a: {  	[sflag:s8] =	ssyncset.done $0x0  }
0x29b: {  	[sflag:s8] =	ssyncadd.s32 $0xFFFFF000  }
0x29c: {  	[spmem:s23] =	stream.linear.scatter [tilespmem:s6], [sflag:$0x2], $0x1000, $0x38;
	[tilespmem:$0x1D9F8] =	vst v63  }
0x29d: {  	_ =	swait.ge [sflag:s8], $0x1000  }
0x29e: {  	[sflag:s8] =	ssyncset.done $0x0  }
0x29f: {  	[sflag:s8] =	ssyncadd.s32 $0xFFFFF000  }
0x2a0: {  	[spmem:s24] =	stream.linear.scatter [tilespmem:s6], [sflag:$0x2], $0x1000, $0x38;
	[tilespmem:$0x1D9F8] =	vst v63  }
0x2a1: {  	_ =	swait.ge [sflag:s8], $0x1000  }
0x2a2: {  	[sflag:s8] =	ssyncset.done $0x0  }
0x2a3: {  	[sflag:s8] =	ssyncadd.s32 $0xFFFFF000  }
0x2a4: {  	[spmem:s30] =	stream.linear.scatter [tilespmem:s6], [sflag:$0x2], $0x1000, $0x38;
	[tilespmem:$0x1D9F8] =	vst v63  }
0x2a5: {  	_ =	swait.ge [sflag:s8], $0x1000  }
0x2a6: {  	[sflag:s8] =	ssyncset.done $0x0  }
0x2a7: {  	s23 =	rddreg [dreg:$0x15];
	[sflag:s8] =	ssyncadd.s32 $0xFFFFF000  }
0x2a8: {  	[spmem:s23] =	stream.linear.scatter [tilespmem:s6], [sflag:$0x2], $0x1000, $0x38;
	[tilespmem:$0x1D9F8] =	vst v63  }
0x2a9: {  	_ =	swait.ge [sflag:s8], $0x1000  }
0x2aa: {  	[sflag:s8] =	ssyncset.done $0x0  }
0x2ab: {  	s24 =	rddreg [dreg:$0x16];
	[sflag:s8] =	ssyncadd.s32 $0xFFFFF000  }
0x2ac: {  	[spmem:s24] =	stream.linear.scatter [tilespmem:s6], [sflag:$0x2], $0x1000, $0x38;
	[tilespmem:$0x1D9F8] =	vst v63  }
0x2ad: {  	_ =	swait.ge [sflag:s8], $0x1000  }
0x2ae: {  	[sflag:s8] =	ssyncset.done $0x0  }
0x2af: {  	s30 =	rddreg [dreg:$0x17];
	[sflag:s8] =	ssyncadd.s32 $0xFFFFF000  }
0x2b0: {  	[spmem:s30] =	stream.linear.scatter [tilespmem:s6], [sflag:$0x2], $0xE00, $0x38;
	[tilespmem:$0x1D9F8] =	vst v63  }
0x2b1: {  	_ =	swait.ge [sflag:s8], $0xE00  }
0x2b2: {  	[sflag:s8] =	ssyncset.done $0x0  }
0x2b3: {  	[sflag:s8] =	ssyncadd.s32 $0xFFFFF200  }
0x2b4: {  	s5 =	simm.s32 $0x0;
	s6 =	simm.s32 $0x0;
	[bflag:$0x0] =	sbarrier.arrive $0xFFFF  }
.LBB2_26:
0x2b5: {  	s7 =	sshll.u32 s6, $0x6  }
0x2b6: {  	[tilespmem:s0], [sflag:$0x1] =	stream.indirect.gather [hbm4b:s21+s1], $0x40, s7, s1, $0xb8;
	[tilespmem:$0x1D9F8] =	vst v63  }
0x2b7: {  	_ =	swait.ge [sflag:s25], $0x1000  }
0x2b8: {  	[sflag:s25] =	ssyncset.done $0x0  }
0x2b9: {  	[sflag:s25] =	ssyncadd.s32 $0xFFFFF000  }
0x2ba: {  	v2 =	vld [tilespmem:s7+$0x29C0];
	_ =	sdelay $0x4  }
0x2bb: {  	[tilespmem:$0x124C0] =	vst v2  }
0x2bc: {  	v2 =	vld [tilespmem:s7+$0x29D0];
	_ =	sdelay $0x4  }
0x2bd: {  	[tilespmem:$0x124D0] =	vst v2  }
0x2be: {  	v2 =	vld [tilespmem:s7+$0x29E0];
	_ =	sdelay $0x4  }
0x2bf: {  	[tilespmem:$0x124E0] =	vst v2  }
0x2c0: {  	v2 =	vld [tilespmem:s7+$0x29F0];
	_ =	sdelay $0x1  }
0x2c1: {  	s30 =	sadd.s32 $0x0, s5  }
0x2c2: {  	v3 =	vmov s30;
	_ =	sdelay $0x1  }
0x2c3: {  	s7 =	simm.s32 $0xA4E0;
	[tilespmem:$0x124F0] =	vst v2  }
0x2c4: {  	v4 =	vld [tilespmem:s7+$0xFFFFFFF0]  }
0x2c5: {  	v2 =	vld [tilespmem:s7+$0x10]  }
0x2c6: {  	v7 =	vld.idx.msk [tilespmem:v3+s31+$0x0], $0xffff  }
0x2c7: {  	v3 =	vld [tilespmem:s7+$0xFFFFFFE0]  }
0x2c8: {  	v8 =	vld [tilespmem:s7+$0x0];
	_ =	sdelay $0x3  }
0x2c9: {  	s10 =	sadd.s32 $0x1, s5;
	v3 =	vmul.f32 v3, v7;
	v6 =	vmul.f32 v2, v7  }
0x2ca: {  	s9 =	simm.s32 $0x2;
	v2 =	vmov s10;
	v5 =	vmul.f32 v4, v7;
	v4 =	vmul.f32 v8, v7;
	s10 =	simm.s32 $0xA4E0  }
.LBB2_27:
0x2cb: {  	p0 =	sne.s32 s9, $0x3F  }
0x2cc: {  	[tilespmem:s7+$0x10] =	vst v6;
	s10 =	sadd.s32 $0x40, s10;
	s11 =	smov.u32 s9;
	s9 =	sadd.s32 $0x1, s9  }
0x2cd: {  	[tilespmem:s7+$0xFFFFFFE0] =	vst v3  }
0x2ce: {  	v7 =	vld [tilespmem:s10+$0xFFFFFFF0];
	[tilespmem:s7+$0xFFFFFFF0] =	vst v5  }
0x2cf: {  	v5 =	vld [tilespmem:s10+$0x10];
	[tilespmem:s7+$0x0] =	vst v4;
	s7 =	smov.u32 s10  }
0x2d0: {  	v4 =	vld.idx.msk [tilespmem:v2+s31+$0x0], $0xffff  }
0x2d1: {  	v2 =	vld [tilespmem:s10+$0xFFFFFFE0]  }
0x2d2: {  	v8 =	vld [tilespmem:s10+$0x0]  }
.Ltmp12:
0x2d3: {  	(pc) =	sbr.rel @p0 .LBB2_27-.Ltmp12, $3  }
0x2d4: {  	_ =	sdelay $0x1  }
0x2d5: {  	s11 =	sadd.s32 s11, s5;
	v6 =	vmul.f32 v5, v4;
	v3 =	vmul.f32 v2, v4  }
0x2d6: {  	v5 =	vmul.f32 v7, v4;
	v2 =	vmov s11;
	v4 =	vmul.f32 v8, v4  }
0x2d7: {  	[tilespmem:s7+$0x10] =	vst v6  }
0x2d8: {  	s9 =	sadd.s32 $0x40, s10;
	[tilespmem:s7+$0xFFFFFFE0] =	vst v3  }
0x2d9: {  	v3 =	vld [tilespmem:s9+$0xFFFFFFF0];
	[tilespmem:s7+$0xFFFFFFF0] =	vst v5  }
0x2da: {  	v5 =	vld [tilespmem:s9+$0x10];
	[tilespmem:s7+$0x0] =	vst v4  }
0x2db: {  	v2 =	vld.idx.msk [tilespmem:v2+s31+$0x0], $0xffff  }
0x2dc: {  	v4 =	vld [tilespmem:s9+$0xFFFFFFE0];
	_ =	sdelay $0x1  }
0x2dd: {  	v6 =	vld [tilespmem:s9+$0x0];
	_ =	sdelay $0x1  }
0x2de: {  	v5 =	vmul.f32 v5, v2  }
0x2df: {  	v4 =	vmul.f32 v4, v2  }
0x2e0: {  	v3 =	vmul.f32 v3, v2;
	[tilespmem:s9+$0x10] =	vst v5  }
0x2e1: {  	s6 =	sadd.s32 $0x1, s6;
	v2 =	vmul.f32 v6, v2;
	[tilespmem:s9+$0xFFFFFFE0] =	vst v4  }
0x2e2: {  	p0 =	sne.s32 s6, $0xA7;
	[tilespmem:s9+$0xFFFFFFF0] =	vst v3  }
.Ltmp13:
0x2e3: {  	[tilespmem:s9+$0x0] =	vst v2;
	(pc) =	sbr.rel @p0 .LBB2_26-.Ltmp13, $4  }
0x2e4: {  	[spmem:s3] =	stream.indirect.scatter.add.f32 [tilespmem:s0], [sflag:$0x2], $0x40, s28, s1, $0xb8;
	[tilespmem:$0x1D9F8] =	vst v63  }
0x2e5: {  	_ =	swait.ge [sflag:s8], $0x1000  }
0x2e6: {  	[sflag:s8] =	ssyncset.done $0x0  }
0x2e7: {  	s5 =	sadd.s32 $0x40, s5;
	[sflag:s8] =	ssyncadd.s32 $0xFFFFF000  }
0x2e8: {  	[bflag:$0x0] =	sbarrier.arrive $0xFFFF  }
0x2e9: {  	s5 =	rddreg [dreg:$0x1b]  }
0x2ea: {  	[hbm:s5], [sflag:s2] =	dma.local [spmem:s4], $0x13C0  }
0x2eb: {  	_ =	swait.ge [sflag:s8], $0x13C0  }
0x2ec: {  	s24 =	rddreg [dreg:$0x1d]  }
0x2ed: {  	s30 =	rddreg [dreg:$0x1c];
	s4 =	sadd.s32 $0x1, s24  }
0x2ee: {  	p0 =	sne.s32 s4, s30  }
.Ltmp14:
0x2ef: {  	_ = 	snop;
	(pc) =	sbr.rel @p0 .LBB2_1-.Ltmp14, $3  }
0x2f0: {  	[sflag:s8] =	ssyncset.done $0x0  }
0x2f1: {  	[sflag:s8] =	ssyncadd.s32 $0xFFFFEC40  }
0x2f2: {  	[bflag:$0x0] =	sbarrier.arrive $0xFFFF;
	_ =	sdelay $0x1  }
0x2f3: {  	_ =	sfence.sel $0x180000  }
0x2f4: {  	[bflag:$0x0] =	sbarrier.arrive $0xFFFF  }
0x2f5: {  	_ =	strace $0x90000047  }
0x2f6: {  	s0 =	stileid.u32;
	[bflag:$0x2] =	sbarrier.arrive $0xFFFF  }
0x2f7: {  	p0 =	sne.s32 s0, $0x0;
	s0 =	rddreg [dreg:$0x4]  }
0x2f8: {  	s0 =	sadd.s32 @!p0 $0x100000, s0  }
0x2f9: {  	[sflag:s0] =	ssyncadd.tile.s32 @!p0 $0x1;
	_ =	shalt  }
.Lfunc_end2:
_tile_overlayer_lowered:
.L_overlay_start_2:
0x2fa: {  	(tag) =	ssettag $0x2  }
0x2fb: {  	s0 =	rddreg [dreg:$0x0];
	s2 =	stileid.u32  }
0x2fc: {  	s1 =	rddreg [dreg:$0x1];
	p0 =	sne.s32 s2, $0x0  }
0x2fd: {  	s3 =	rddreg [dreg:$0x2];
	[bflag:$0x3] =	sbarrier.arrive $0xFFFF;
	s2 =	simm.s32 @!p0 $0x1C02  }
0x2fe: {  	[timem:s3], [sflag:s2] =	dma.local @!p0 [hbm:s0], s1  }
0x2ff: {  	s0 =	simm.s32 @!p0 $0x2  }
0x300: {  	_ =	swait.ge @!p0 [sflag:s0], s1  }
0x301: {  	s1 =	ssub.s32 @!p0 $0x0, s1;
	[sflag:s0] =	ssyncset.done @!p0 $0x0  }
0x302: {  	[sflag:s0] =	ssyncadd.s32 @!p0 s1  }
0x303: {  	[bflag:$0x3] =	sbarrier.arrive $0xFFFF  }
0x304: {  	_ =	shalt  }

</sc_bundles>
